<compile_context>
chip_gen: v7x
topology: tpu7x:2x2x1
jax: 0.10.2.dev20260603
libtpu: 0.0.44.dev20260713+nightly
codegen_flags: <defaults>
</compile_context>

<pallas_src>
import functools

import jax
import jax.numpy as jnp
from jax import lax
from jax.experimental import pallas as pl
from jax.experimental.pallas import tpu as pltpu
from jax.experimental.pallas import tpu_sc as plsc

LATENT = 128
K = 32
N = 10000
E = N * K
BE = 2560

NC = 2
NS = 16
NW = NC * NS
TPW = 320
TPAD = NW * TPW
GRP = 8
NGRP = 79
NSRC_PAD = NGRP * GRP * 16
NCHUNK = NSRC_PAD // 16
BIGD = 3.0e38
NBINS = 256
BINW = 1.0 / NBINS


def _sort16(k, v):
    return plsc.sort_key_val(k, v)


def _bitonic_merge(a, av, b, bv):
    rb = lax.rev(b, (0,))
    rbv = lax.rev(bv, (0,))
    m = a <= rb
    lk = jnp.where(m, a, rb)
    lv = jnp.where(m, av, rbv)
    hk = jnp.where(m, rb, a)
    hv = jnp.where(m, rbv, av)
    lk, lv = _sort16(lk, lv)
    hk, hv = _sort16(hk, hv)
    return lk, lv, hk, hv


def _knn_sc_kernel(sx_h, sy_h, sz_h, pos_h, tx_h, ty_h, tz_h, sg_h, out_h,
                   sxr, syr, szr, posv, sxv, syv, szv, idxm,
                   txv, tyv, tzv, sgv, colv):
    wid = lax.axis_index("s") * NC + lax.axis_index("c")
    base_t = wid * TPW
    pltpu.sync_copy(sx_h, sxr)
    pltpu.sync_copy(sy_h, syr)
    pltpu.sync_copy(sz_h, szr)
    pltpu.sync_copy(pos_h, posv)
    pltpu.sync_copy(tx_h.at[pl.ds(base_t * 16, TPW * 16)], txv)
    pltpu.sync_copy(ty_h.at[pl.ds(base_t * 16, TPW * 16)], tyv)
    pltpu.sync_copy(tz_h.at[pl.ds(base_t * 16, TPW * 16)], tzv)
    pltpu.sync_copy(sg_h.at[pl.ds(base_t * 16, TPW * 16)], sgv)

    iota = lax.iota(jnp.int32, 16)

    def permute(c, carry):
        sl = pl.ds(c * 16, 16)
        p16 = posv[sl]
        plsc.store_scatter(sxv, [p16], sxr[sl])
        plsc.store_scatter(syv, [p16], syr[sl])
        plsc.store_scatter(szv, [p16], szr[sl])
        plsc.store_scatter(idxm, [p16], iota + c * 16)
        return carry

    lax.fori_loop(0, NCHUNK, permute, jnp.int32(0))

    def per_target(t, carry_outer):
        tx16 = txv[pl.ds(t * 16, 16)]
        ty16 = tyv[pl.ds(t * 16, 16)]
        tz16 = tzv[pl.ds(t * 16, 16)]
        g0 = jnp.max(sgv[pl.ds(t * 16, 16)])

        def d2_chunk(c):
            dx = sxv[pl.ds(c * 16, 16)] - tx16
            dy = syv[pl.ds(c * 16, 16)] - ty16
            dz = szv[pl.ds(c * 16, 16)] - tz16
            dm = jnp.maximum(jnp.abs(dx) - jnp.float32(BINW), 0.0)
            return dx * dx + dy * dy + dz * dz, dm * dm

        def merge_chunk(c, d2, args):
            A, Av, B, Bv, tau = args
            cmin = jnp.min(d2)

            def do_merge(a):
                A, Av, B, Bv, _ = a
                ck, cv = _sort16(d2, iota + c * 16)
                L1, L1v, _, _ = _bitonic_merge(B, Bv, ck, cv)
                A2, Av2, B2, Bv2 = _bitonic_merge(A, Av, L1, L1v)
                return A2, Av2, B2, Bv2, jnp.max(B2)

            return lax.cond(cmin < tau, do_merge, lambda a: a,
                            (A, Av, B, Bv, tau))

        def group(g, state):
            c0 = g * GRP
            d2s = []
            m = None
            mx = None
            for j in range(GRP):
                d2, dxx = d2_chunk(c0 + j)
                d2s.append(d2)
                m = d2 if m is None else jnp.minimum(m, d2)
                mx = dxx if mx is None else jnp.minimum(mx, dxx)
            smin = jnp.min(m)
            sxmin = jnp.min(mx)

            def trig(args):
                for j in range(GRP):
                    args = merge_chunk(c0 + j, d2s[j], args)
                return args

            state = lax.cond(smin < state[4], trig, lambda a: a, state)
            return state, sxmin > state[4]

        init = (jnp.full((16,), BIGD, jnp.float32), iota,
                jnp.full((16,), BIGD, jnp.float32), iota + 16,
                jnp.float32(BIGD))

        def sweep_cond_r(carry):
            g, stop = carry[0], carry[1]
            return jnp.logical_and(g < NGRP, jnp.logical_not(stop))

        def sweep_body_r(carry):
            g = carry[0]
            state, stop = group(g, carry[2:])
            return (g + 1, stop) + state

        def sweep_cond_l(carry):
            g, stop = carry[0], carry[1]
            return jnp.logical_and(g >= 0, jnp.logical_not(stop))

        def sweep_body_l(carry):
            g = carry[0]
            state, stop = group(g, carry[2:])
            return (g - 1, stop) + state

        carry = lax.while_loop(sweep_cond_r, sweep_body_r,
                               (g0, jnp.bool_(False)) + init)
        carry = lax.while_loop(sweep_cond_l, sweep_body_l,
                               (g0 - 1, jnp.bool_(False)) + carry[2:])
        _, _, A, Av, B, Bv, tau = carry
        colv[pl.ds(t * K, 16)] = plsc.load_gather(idxm, [Av])
        colv[pl.ds(t * K + 16, 16)] = plsc.load_gather(idxm, [Bv])
        return carry_outer

    lax.fori_loop(0, TPW, per_target, jnp.int32(0))
    pltpu.sync_copy(colv, out_h.at[pl.ds(base_t * K, TPW * K)])


def _knn_cols(pos_source, pos_target):
    pad = TPAD - N
    big = jnp.float32(1e6)

    def rep16(v):
        return jnp.broadcast_to(v[:, None], (TPAD, 16)).reshape(TPAD * 16)

    txp = jnp.concatenate([pos_target[:, 0], jnp.full((pad,), big, jnp.float32)])
    typ = jnp.concatenate([pos_target[:, 1], jnp.full((pad,), big, jnp.float32)])
    tzp = jnp.concatenate([pos_target[:, 2], jnp.full((pad,), big, jnp.float32)])

    CH = 500
    NCH = N // CH
    keys = jnp.clip((pos_source[:, 0] * NBINS).astype(jnp.int32), 0, NBINS - 1)
    keys2 = keys.reshape(NCH, CH)
    oh = (keys2[:, :, None] ==
          jnp.arange(NBINS, dtype=jnp.int32)[None, None, :]).astype(jnp.float32)
    tril = jnp.tril(jnp.ones((CH, CH), jnp.float32), k=-1)
    within = jnp.einsum('ij,cjb->cib', tril, oh,
                        preferred_element_type=jnp.float32)
    rank_within = jnp.sum(oh * within, axis=2)
    hist_c = jnp.sum(oh, axis=1)
    hist_before = jnp.concatenate(
        [jnp.zeros((1, NBINS), jnp.float32),
         jnp.cumsum(hist_c, axis=0)[:-1]], axis=0)
    rank = rank_within + jnp.take_along_axis(hist_before, keys2, axis=1)
    counts = jnp.sum(hist_c, axis=0)
    offsets_f = jnp.concatenate(
        [jnp.zeros((1,), jnp.float32), jnp.cumsum(counts)[:-1]])
    offsets = offsets_f.astype(jnp.int32)
    positions = (offsets[keys] + rank.reshape(N).astype(jnp.int32))
    posp = jnp.concatenate(
        [positions, jnp.arange(N, NSRC_PAD, dtype=jnp.int32)])

    spad = jnp.full((NSRC_PAD - N,), big, jnp.float32)
    sx = jnp.concatenate([pos_source[:, 0], spad])
    sy = jnp.concatenate([pos_source[:, 1], spad])
    sz = jnp.concatenate([pos_source[:, 2], spad])

    tkey = jnp.clip((txp * NBINS).astype(jnp.int32), 0, NBINS - 1)
    sg = jnp.clip(offsets[tkey] // (GRP * 16), 0, NGRP - 1).astype(jnp.int32)

    knn = pl.kernel(
        _knn_sc_kernel,
        mesh=plsc.VectorSubcoreMesh(core_axis_name="c", subcore_axis_name="s"),
        compiler_params=pltpu.CompilerParams(needs_layout_passes=False),
        out_type=jax.ShapeDtypeStruct((TPAD * K,), jnp.int32),
        scratch_types=[
            pltpu.VMEM((NSRC_PAD,), jnp.float32),
            pltpu.VMEM((NSRC_PAD,), jnp.float32),
            pltpu.VMEM((NSRC_PAD,), jnp.float32),
            pltpu.VMEM((NSRC_PAD,), jnp.int32),
            pltpu.VMEM((NSRC_PAD,), jnp.float32),
            pltpu.VMEM((NSRC_PAD,), jnp.float32),
            pltpu.VMEM((NSRC_PAD,), jnp.float32),
            pltpu.VMEM((NSRC_PAD,), jnp.int32),
            pltpu.VMEM((TPW * 16,), jnp.float32),
            pltpu.VMEM((TPW * 16,), jnp.float32),
            pltpu.VMEM((TPW * 16,), jnp.float32),
            pltpu.VMEM((TPW * 16,), jnp.int32),
            pltpu.VMEM((TPW * K,), jnp.int32),
        ],
    )
    col_flat = knn(sx, sy, sz, posp,
                   rep16(txp), rep16(typ), rep16(tzp), rep16(sg))
    return col_flat.reshape(TPAD, K)[:N]


def _mlp_body(gg_ref, pt_ref, occ_ref, w1t_ref, b1_ref, w2t_ref, b2_ref,
              wout_ref, bout_ref, logits_ref, loss_ref):
    i = pl.program_id(0)
    pt = pt_ref[...]
    x1 = gg_ref[...] + jnp.broadcast_to(
        pt[:, None, :], (BE // K, K, LATENT)).reshape(BE, LATENT)
    h1 = jnp.dot(jnp.maximum(x1, 0.0), w1t_ref[...],
                 preferred_element_type=jnp.float32,
                 precision=jax.lax.Precision.HIGHEST) + b1_ref[...]
    h2 = jnp.dot(jnp.maximum(h1, 0.0), w2t_ref[...],
                 preferred_element_type=jnp.float32,
                 precision=jax.lax.Precision.HIGHEST) + b2_ref[...]
    logit = jnp.dot(h2, wout_ref[...],
                    preferred_element_type=jnp.float32,
                    precision=jax.lax.Precision.HIGHEST) + bout_ref[...]
    lmat = logit.reshape(BE // K, K)
    logits_ref[...] = lmat
    occ = occ_ref[...]
    t = (jnp.maximum(lmat, 0.0) - lmat * occ
         + jnp.log1p(jnp.exp(-jnp.abs(lmat))))
    part = jnp.sum(t).reshape(1, 1)

    @pl.when(i == 0)
    def _():
        loss_ref[...] = jnp.zeros((1, 1), jnp.float32)

    loss_ref[...] += part


def _mlp_pallas(gg, pt, occ_m, W1T, b1, W2T, b2, w_out, b_out):
    grid = (E // BE,)
    logits, loss_acc = pl.pallas_call(
        _mlp_body,
        grid=grid,
        in_specs=[
            pl.BlockSpec((BE, LATENT), lambda i: (i, 0)),
            pl.BlockSpec((BE // K, LATENT), lambda i: (i, 0)),
            pl.BlockSpec((BE // K, K), lambda i: (i, 0)),
            pl.BlockSpec((LATENT, LATENT), lambda i: (0, 0)),
            pl.BlockSpec((LATENT,), lambda i: (0,)),
            pl.BlockSpec((LATENT, LATENT), lambda i: (0, 0)),
            pl.BlockSpec((LATENT,), lambda i: (0,)),
            pl.BlockSpec((LATENT,), lambda i: (0,)),
            pl.BlockSpec((1,), lambda i: (0,)),
        ],
        out_specs=[
            pl.BlockSpec((BE // K, K), lambda i: (i, 0)),
            pl.BlockSpec((1, 1), lambda i: (0, 0)),
        ],
        out_shape=[
            jax.ShapeDtypeStruct((N, K), jnp.float32),
            jax.ShapeDtypeStruct((1, 1), jnp.float32),
        ],
    )(gg, pt, occ_m, W1T, b1, W2T, b2, w_out, b_out)
    return logits, loss_acc


EPW = E // NW
GCH = 400
NGC = EPW // GCH


def _gather_sc_kernel(g_h, idx_h, out_h, idxv, rows, sem):
    wid = lax.axis_index("s") * NC + lax.axis_index("c")
    base = wid * EPW
    pltpu.sync_copy(idx_h.at[pl.ds(base, EPW)], idxv)

    def chunk(i, carry):
        pltpu.async_copy(g_h.at[idxv.at[pl.ds(i * GCH, GCH)]], rows, sem).wait()
        pltpu.sync_copy(rows, out_h.at[pl.ds(base + i * GCH, GCH)])
        return carry

    lax.fori_loop(0, NGC, chunk, jnp.int32(0))


def _gather_sc(G, col_flat):
    gather = pl.kernel(
        _gather_sc_kernel,
        mesh=plsc.VectorSubcoreMesh(core_axis_name="c", subcore_axis_name="s"),
        compiler_params=pltpu.CompilerParams(needs_layout_passes=False),
        out_type=jax.ShapeDtypeStruct((E, LATENT), jnp.float32),
        scratch_types=[
            pltpu.VMEM((EPW,), jnp.int32),
            pltpu.VMEM((GCH, LATENT), jnp.float32),
            pltpu.SemaphoreType.DMA,
        ],
    )
    return gather(G, col_flat)


def kernel(pos, latents, dirs, pos_non_manifold, occupancies,
           W_in, b_in, W1, b1, W2, b2, W_out, b_out):
    pos_source = pos[:, 1:]
    pos_target = pos_non_manifold[:, 1:]

    Wl = W_in[:, :LATENT]
    Wp = W_in[:, LATENT:LATENT + 3]
    Wd = W_in[:, LATENT + 3:]
    G = (latents @ Wl.T + dirs[:, 1:] @ Wd.T - pos_source @ Wp.T)
    Pt = pos_target @ Wp.T + b_in

    col = _knn_cols(pos_source, pos_target)

    Gg = _gather_sc(G, col.reshape(-1))

    occ_m = jnp.broadcast_to(occupancies[:, None], (N, K))
    occ_e = occ_m.reshape(E)

    logits_m, loss_acc = _mlp_pallas(
        Gg, Pt, occ_m, W1.T, b1, W2.T, b2, W_out[0], b_out)

    recons_loss = loss_acc[0, 0] / jnp.float32(E)
    return logits_m.reshape(E), occ_e, recons_loss

# --- scband reference (transcript-rebuilt; emitter-appended) ---
"""Pipeline reference for scband-interp-net-base-79121887527504 (READ-ONLY COPY).

The authoritative reference and input builder live on the scoring server;
editing this copy changes nothing except your own understanding.
"""

import jax, jax.numpy as jnp
import numpy as np

LATENT = 128
K = 32
CHUNK = 1000

def _knn(pos_source, pos_target, k):
    n_tgt = pos_target.shape[0]
    d = pos_target.shape[1]
    tgt_chunks = pos_target.reshape(n_tgt // CHUNK, CHUNK, d)
    def one_chunk(tc):
        d2 = jnp.sum((tc[:, None, :] - pos_source[None, :, :]) ** 2, axis=-1)
        _, idx = jax.lax.top_k(-d2, k)
        return idx
    idx = jax.lax.map(one_chunk, tgt_chunks).reshape(n_tgt, k)
    row = jnp.repeat(jnp.arange(n_tgt), k)
    col = idx.reshape(-1)
    return row, col

def _linear_params(key, fan_in, fan_out):
    k1, k2 = jax.random.split(key)
    s = 1.0 / np.sqrt(fan_in)
    W = jax.random.uniform(k1, (fan_out, fan_in), minval=-s, maxval=s, dtype=jnp.float32)
    b = jax.random.uniform(k2, (fan_out,), minval=-s, maxval=s, dtype=jnp.float32)
    return W, b

def setup_inputs(seed: int = 0):
    key = jax.random.key(seed)
    ks = jax.random.split(key, 10)
    n_src, n_tgt = 10000, 10000
    pos = jax.random.uniform(ks[0], (n_src, 4), dtype=jnp.float32)
    pos = pos.at[:, 0].set(0.0)
    pos_non_manifold = jax.random.uniform(ks[1], (n_tgt, 4), dtype=jnp.float32)
    pos_non_manifold = pos_non_manifold.at[:, 0].set(0.0)
    latents = jax.random.normal(ks[2], (n_src, LATENT), dtype=jnp.float32)
    dirs = jax.random.normal(ks[3], (n_src, 4), dtype=jnp.float32)
    occupancies = jax.random.uniform(ks[4], (n_tgt,), dtype=jnp.float32)
    in_size = LATENT + 3 + 3
    W_in, b_in = _linear_params(ks[5], in_size, LATENT)
    W1, b1 = _linear_params(ks[6], LATENT, LATENT)
    W2, b2 = _linear_params(ks[7], LATENT, LATENT)
    W_out, b_out = _linear_params(ks[8], LATENT, 1)
    return {"pos": pos, "latents": latents, "dirs": dirs, "pos_non_manifold": pos_non_manifold, "occupancies": occupancies, "W_in": W_in, "b_in": b_in, "W1": W1, "b1": b1, "W2": W2, "b2": b2, "W_out": W_out, "b_out": b_out}

def reference(pos, latents, dirs, pos_non_manifold, occupancies, W_in, b_in, W1, b1, W2, b2, W_out, b_out):
    pos_source = pos[:, 1:]
    pos_target = pos_non_manifold[:, 1:]
    row, col = _knn(pos_source, pos_target, K)
    pos_relative = jnp.take(pos_target, row, axis=0) - jnp.take(pos_source, col, axis=0)
    lat = jnp.take(latents, col, axis=0)
    d = jnp.take(dirs[:, 1:], col, axis=0)
    x = jnp.concatenate([lat, pos_relative, d], axis=1)
    occ = jnp.take(occupancies, row, axis=0)
    x = x @ W_in.T + b_in
    x = jax.nn.relu(x) @ W1.T + b1
    x = jax.nn.relu(x) @ W2.T + b2
    x = x @ W_out.T + b_out
    logits = x[:, 0]
    recons_loss = jnp.mean(jnp.maximum(logits, 0.0) - logits * occ + jnp.log1p(jnp.exp(-jnp.abs(logits))))
    return logits, occ, recons_loss

if __name__ == "__main__":
    import jax
    _d = setup_inputs()
    print(jax.jit(kernel)(*tuple(_d.values())))

</pallas_src>

<mosaic_0001>
#map = affine_map<(d0, d1) -> (0)>
module attributes {stable_mosaic.version = 14 : i64} {
  func.func @_knn_sc_kernel(%arg0: i32, %arg1: i32, %arg2: memref<10112xf32, #tpu.memory_space<hbm>>, %arg3: memref<10112xf32, #tpu.memory_space<hbm>>, %arg4: memref<10112xf32, #tpu.memory_space<hbm>>, %arg5: memref<10112xi32, #tpu.memory_space<hbm>>, %arg6: memref<163840xf32, #tpu.memory_space<hbm>>, %arg7: memref<163840xf32, #tpu.memory_space<hbm>>, %arg8: memref<163840xf32, #tpu.memory_space<hbm>>, %arg9: memref<163840xi32, #tpu.memory_space<hbm>>, %arg10: memref<327680xi32, #tpu.memory_space<hbm>>, %arg11: memref<10112xf32, #tpu.memory_space<vmem>>, %arg12: memref<10112xf32, #tpu.memory_space<vmem>>, %arg13: memref<10112xf32, #tpu.memory_space<vmem>>, %arg14: memref<10112xi32, #tpu.memory_space<vmem>>, %arg15: memref<10112xf32, #tpu.memory_space<vmem>>, %arg16: memref<10112xf32, #tpu.memory_space<vmem>>, %arg17: memref<10112xf32, #tpu.memory_space<vmem>>, %arg18: memref<10112xi32, #tpu.memory_space<vmem>>, %arg19: memref<5120xf32, #tpu.memory_space<vmem>>, %arg20: memref<5120xf32, #tpu.memory_space<vmem>>, %arg21: memref<5120xf32, #tpu.memory_space<vmem>>, %arg22: memref<5120xi32, #tpu.memory_space<vmem>>, %arg23: memref<10240xi32, #tpu.memory_space<vmem>>) attributes {dimension_semantics = [#tpu.dimension_semantics<core_parallel>, #tpu.dimension_semantics<subcore_parallel>], iteration_bounds = array<i64: 2, 16>, scalar_prefetch = 0 : i64, scratch_operands = 13 : i64, tpu.core_type = #tpu.core_type<sc_vector_subcore>, window_params = [{transform_indices = #map}, {transform_indices = #map}, {transform_indices = #map}, {transform_indices = #map}, {transform_indices = #map}, {transform_indices = #map}, {transform_indices = #map}, {transform_indices = #map}, {transform_indices = #map}]} {
    %mul3A = arith.constant 2 : i32
    %mul3A_0 = arith.muli %arg1, %mul3A : i32
    %add3A = arith.addi %mul3A_0, %arg0 : i32
    %mul3A_1 = arith.constant 320 : i32
    %mul3A_2 = arith.muli %add3A, %mul3A_1 : i32
    "tpu.region"() ({
      %run_scoped3A = tpu.sem_alloc : memref<!tpu.dma_semaphore, #tpu.memory_space<semaphore_mem>>
      tpu.enqueue_dma source(%arg2 : memref<10112xf32, #tpu.memory_space<hbm>>) target(%arg11 : memref<10112xf32, #tpu.memory_space<vmem>>) target_semaphore(%run_scoped3A : memref<!tpu.dma_semaphore, #tpu.memory_space<semaphore_mem>>)
      tpu.wait_dma2 semaphore(%run_scoped3A : memref<!tpu.dma_semaphore, #tpu.memory_space<semaphore_mem>>) src(%arg2 : memref<10112xf32, #tpu.memory_space<hbm>>) dst(%arg11 : memref<10112xf32, #tpu.memory_space<vmem>>)
      tpu.yield
    }) : () -> ()
    "tpu.region"() ({
      %run_scoped3A = tpu.sem_alloc : memref<!tpu.dma_semaphore, #tpu.memory_space<semaphore_mem>>
      tpu.enqueue_dma source(%arg3 : memref<10112xf32, #tpu.memory_space<hbm>>) target(%arg12 : memref<10112xf32, #tpu.memory_space<vmem>>) target_semaphore(%run_scoped3A : memref<!tpu.dma_semaphore, #tpu.memory_space<semaphore_mem>>)
      tpu.wait_dma2 semaphore(%run_scoped3A : memref<!tpu.dma_semaphore, #tpu.memory_space<semaphore_mem>>) src(%arg3 : memref<10112xf32, #tpu.memory_space<hbm>>) dst(%arg12 : memref<10112xf32, #tpu.memory_space<vmem>>)
      tpu.yield
    }) : () -> ()
    "tpu.region"() ({
      %run_scoped3A = tpu.sem_alloc : memref<!tpu.dma_semaphore, #tpu.memory_space<semaphore_mem>>
      tpu.enqueue_dma source(%arg4 : memref<10112xf32, #tpu.memory_space<hbm>>) target(%arg13 : memref<10112xf32, #tpu.memory_space<vmem>>) target_semaphore(%run_scoped3A : memref<!tpu.dma_semaphore, #tpu.memory_space<semaphore_mem>>)
      tpu.wait_dma2 semaphore(%run_scoped3A : memref<!tpu.dma_semaphore, #tpu.memory_space<semaphore_mem>>) src(%arg4 : memref<10112xf32, #tpu.memory_space<hbm>>) dst(%arg13 : memref<10112xf32, #tpu.memory_space<vmem>>)
      tpu.yield
    }) : () -> ()
    "tpu.region"() ({
      %run_scoped3A = tpu.sem_alloc : memref<!tpu.dma_semaphore, #tpu.memory_space<semaphore_mem>>
      tpu.enqueue_dma source(%arg5 : memref<10112xi32, #tpu.memory_space<hbm>>) target(%arg14 : memref<10112xi32, #tpu.memory_space<vmem>>) target_semaphore(%run_scoped3A : memref<!tpu.dma_semaphore, #tpu.memory_space<semaphore_mem>>)
      tpu.wait_dma2 semaphore(%run_scoped3A : memref<!tpu.dma_semaphore, #tpu.memory_space<semaphore_mem>>) src(%arg5 : memref<10112xi32, #tpu.memory_space<hbm>>) dst(%arg14 : memref<10112xi32, #tpu.memory_space<vmem>>)
      tpu.yield
    }) : () -> ()
    %mul3A_3 = arith.constant 16 : i32
    %mul3A_4 = arith.muli %mul3A_2, %mul3A_3 : i32
    "tpu.region"() ({
      %run_scoped3A = tpu.sem_alloc : memref<!tpu.dma_semaphore, #tpu.memory_space<semaphore_mem>>
      %dma_start3A = tpu.memref_slice %arg6[%mul3A_4] : memref<163840xf32, #tpu.memory_space<hbm>> -> memref<5120xf32, #tpu.memory_space<hbm>>
      %dma_start3A_24 = tpu.memref_slice %arg6[%mul3A_4] : memref<163840xf32, #tpu.memory_space<hbm>> -> memref<5120xf32, #tpu.memory_space<hbm>>
      tpu.enqueue_dma source(%dma_start3A_24 : memref<5120xf32, #tpu.memory_space<hbm>>) target(%arg19 : memref<5120xf32, #tpu.memory_space<vmem>>) target_semaphore(%run_scoped3A : memref<!tpu.dma_semaphore, #tpu.memory_space<semaphore_mem>>)
      %dma_wait3A = tpu.memref_slice %arg6[%mul3A_4] : memref<163840xf32, #tpu.memory_space<hbm>> -> memref<5120xf32, #tpu.memory_space<hbm>>
      %dma_wait3A_25 = tpu.memref_slice %arg6[%mul3A_4] : memref<163840xf32, #tpu.memory_space<hbm>> -> memref<5120xf32, #tpu.memory_space<hbm>>
      tpu.wait_dma2 semaphore(%run_scoped3A : memref<!tpu.dma_semaphore, #tpu.memory_space<semaphore_mem>>) src(%dma_wait3A_25 : memref<5120xf32, #tpu.memory_space<hbm>>) dst(%arg19 : memref<5120xf32, #tpu.memory_space<vmem>>)
      tpu.yield
    }) : () -> ()
    %mul3A_5 = arith.constant 16 : i32
    %mul3A_6 = arith.muli %mul3A_2, %mul3A_5 : i32
    "tpu.region"() ({
      %run_scoped3A = tpu.sem_alloc : memref<!tpu.dma_semaphore, #tpu.memory_space<semaphore_mem>>
      %dma_start3A = tpu.memref_slice %arg7[%mul3A_6] : memref<163840xf32, #tpu.memory_space<hbm>> -> memref<5120xf32, #tpu.memory_space<hbm>>
      %dma_start3A_24 = tpu.memref_slice %arg7[%mul3A_6] : memref<163840xf32, #tpu.memory_space<hbm>> -> memref<5120xf32, #tpu.memory_space<hbm>>
      tpu.enqueue_dma source(%dma_start3A_24 : memref<5120xf32, #tpu.memory_space<hbm>>) target(%arg20 : memref<5120xf32, #tpu.memory_space<vmem>>) target_semaphore(%run_scoped3A : memref<!tpu.dma_semaphore, #tpu.memory_space<semaphore_mem>>)
      %dma_wait3A = tpu.memref_slice %arg7[%mul3A_6] : memref<163840xf32, #tpu.memory_space<hbm>> -> memref<5120xf32, #tpu.memory_space<hbm>>
      %dma_wait3A_25 = tpu.memref_slice %arg7[%mul3A_6] : memref<163840xf32, #tpu.memory_space<hbm>> -> memref<5120xf32, #tpu.memory_space<hbm>>
      tpu.wait_dma2 semaphore(%run_scoped3A : memref<!tpu.dma_semaphore, #tpu.memory_space<semaphore_mem>>) src(%dma_wait3A_25 : memref<5120xf32, #tpu.memory_space<hbm>>) dst(%arg20 : memref<5120xf32, #tpu.memory_space<vmem>>)
      tpu.yield
    }) : () -> ()
    %mul3A_7 = arith.constant 16 : i32
    %mul3A_8 = arith.muli %mul3A_2, %mul3A_7 : i32
    "tpu.region"() ({
      %run_scoped3A = tpu.sem_alloc : memref<!tpu.dma_semaphore, #tpu.memory_space<semaphore_mem>>
      %dma_start3A = tpu.memref_slice %arg8[%mul3A_8] : memref<163840xf32, #tpu.memory_space<hbm>> -> memref<5120xf32, #tpu.memory_space<hbm>>
      %dma_start3A_24 = tpu.memref_slice %arg8[%mul3A_8] : memref<163840xf32, #tpu.memory_space<hbm>> -> memref<5120xf32, #tpu.memory_space<hbm>>
      tpu.enqueue_dma source(%dma_start3A_24 : memref<5120xf32, #tpu.memory_space<hbm>>) target(%arg21 : memref<5120xf32, #tpu.memory_space<vmem>>) target_semaphore(%run_scoped3A : memref<!tpu.dma_semaphore, #tpu.memory_space<semaphore_mem>>)
      %dma_wait3A = tpu.memref_slice %arg8[%mul3A_8] : memref<163840xf32, #tpu.memory_space<hbm>> -> memref<5120xf32, #tpu.memory_space<hbm>>
      %dma_wait3A_25 = tpu.memref_slice %arg8[%mul3A_8] : memref<163840xf32, #tpu.memory_space<hbm>> -> memref<5120xf32, #tpu.memory_space<hbm>>
      tpu.wait_dma2 semaphore(%run_scoped3A : memref<!tpu.dma_semaphore, #tpu.memory_space<semaphore_mem>>) src(%dma_wait3A_25 : memref<5120xf32, #tpu.memory_space<hbm>>) dst(%arg21 : memref<5120xf32, #tpu.memory_space<vmem>>)
      tpu.yield
    }) : () -> ()
    %mul3A_9 = arith.constant 16 : i32
    %mul3A_10 = arith.muli %mul3A_2, %mul3A_9 : i32
    "tpu.region"() ({
      %run_scoped3A = tpu.sem_alloc : memref<!tpu.dma_semaphore, #tpu.memory_space<semaphore_mem>>
      %dma_start3A = tpu.memref_slice %arg9[%mul3A_10] : memref<163840xi32, #tpu.memory_space<hbm>> -> memref<5120xi32, #tpu.memory_space<hbm>>
      %dma_start3A_24 = tpu.memref_slice %arg9[%mul3A_10] : memref<163840xi32, #tpu.memory_space<hbm>> -> memref<5120xi32, #tpu.memory_space<hbm>>
      tpu.enqueue_dma source(%dma_start3A_24 : memref<5120xi32, #tpu.memory_space<hbm>>) target(%arg22 : memref<5120xi32, #tpu.memory_space<vmem>>) target_semaphore(%run_scoped3A : memref<!tpu.dma_semaphore, #tpu.memory_space<semaphore_mem>>)
      %dma_wait3A = tpu.memref_slice %arg9[%mul3A_10] : memref<163840xi32, #tpu.memory_space<hbm>> -> memref<5120xi32, #tpu.memory_space<hbm>>
      %dma_wait3A_25 = tpu.memref_slice %arg9[%mul3A_10] : memref<163840xi32, #tpu.memory_space<hbm>> -> memref<5120xi32, #tpu.memory_space<hbm>>
      tpu.wait_dma2 semaphore(%run_scoped3A : memref<!tpu.dma_semaphore, #tpu.memory_space<semaphore_mem>>) src(%dma_wait3A_25 : memref<5120xi32, #tpu.memory_space<hbm>>) dst(%arg22 : memref<5120xi32, #tpu.memory_space<vmem>>)
      tpu.yield
    }) : () -> ()
    %iota3A = tpu.iota {dimensions = array<i32: 0>} : vector<16xi32>
    %scan3A = arith.constant 0 : i32
    %scan3A_11 = arith.constant 0 : i32
    %scan3A_12 = arith.constant 632 : i32
    %scan3A_13 = arith.addi %scan3A_11, %scan3A_12 : i32
    %scan3A_14 = arith.constant 1 : i32
    scf.for %scan3A_24 = %scan3A_11 to %scan3A_13 step %scan3A_14  : i32 {
      %mul3A_25 = arith.constant 16 : i32
      %mul3A_26 = arith.muli %scan3A_24, %mul3A_25 : i32
      %get3A = arith.index_cast %mul3A_26 : i32 to index
      %get3A_27 = tpu.vector_load %arg14[%get3A] {strides = array<i32>} : memref<10112xi32, #tpu.memory_space<vmem>>, vector<16xi32>,
      %get3A_28 = arith.index_cast %mul3A_26 : i32 to index
      %get3A_29 = tpu.vector_load %arg11[%get3A_28] {strides = array<i32>} : memref<10112xf32, #tpu.memory_space<vmem>>, vector<16xf32>,
      tpu.vector_store_idx %arg15[%get3A_27], %get3A_29 : memref<10112xf32, #tpu.memory_space<vmem>>[vector<16xi32>], vector<16xf32>,
      %get3A_30 = arith.index_cast %mul3A_26 : i32 to index
      %get3A_31 = tpu.vector_load %arg12[%get3A_30] {strides = array<i32>} : memref<10112xf32, #tpu.memory_space<vmem>>, vector<16xf32>,
      tpu.vector_store_idx %arg16[%get3A_27], %get3A_31 : memref<10112xf32, #tpu.memory_space<vmem>>[vector<16xi32>], vector<16xf32>,
      %get3A_32 = arith.index_cast %mul3A_26 : i32 to index
      %get3A_33 = tpu.vector_load %arg13[%get3A_32] {strides = array<i32>} : memref<10112xf32, #tpu.memory_space<vmem>>, vector<16xf32>,
      tpu.vector_store_idx %arg17[%get3A_27], %get3A_33 : memref<10112xf32, #tpu.memory_space<vmem>>[vector<16xi32>], vector<16xf32>,
      %mul3A_34 = arith.constant 16 : i32
      %mul3A_35 = arith.muli %scan3A_24, %mul3A_34 : i32
      %add3A_36 = vector.broadcast %mul3A_35 : i32 to vector<16xi32>
      %add3A_37 = arith.addi %iota3A, %add3A_36 : vector<16xi32>
      tpu.vector_store_idx %arg18[%get3A_27], %add3A_37 : memref<10112xi32, #tpu.memory_space<vmem>>[vector<16xi32>], vector<16xi32>,
    }
    %scan3A_15 = arith.constant 632 : i32
    %scan3A_16 = arith.constant 0 : i32
    %scan3A_17 = arith.constant 0 : i32
    %scan3A_18 = arith.constant 320 : i32
    %scan3A_19 = arith.addi %scan3A_17, %scan3A_18 : i32
    %scan3A_20 = arith.constant 1 : i32
    scf.for %scan3A_24 = %scan3A_17 to %scan3A_19 step %scan3A_20  : i32 {
      %mul3A_25 = arith.constant 16 : i32
      %mul3A_26 = arith.muli %scan3A_24, %mul3A_25 : i32
      %get3A = arith.index_cast %mul3A_26 : i32 to index
      %get3A_27 = tpu.vector_load %arg19[%get3A] {strides = array<i32>} : memref<5120xf32, #tpu.memory_space<vmem>>, vector<16xf32>,
      %mul3A_28 = arith.constant 16 : i32
      %mul3A_29 = arith.muli %scan3A_24, %mul3A_28 : i32
      %get3A_30 = arith.index_cast %mul3A_29 : i32 to index
      %get3A_31 = tpu.vector_load %arg20[%get3A_30] {strides = array<i32>} : memref<5120xf32, #tpu.memory_space<vmem>>, vector<16xf32>,
      %mul3A_32 = arith.constant 16 : i32
      %mul3A_33 = arith.muli %scan3A_24, %mul3A_32 : i32
      %get3A_34 = arith.index_cast %mul3A_33 : i32 to index
      %get3A_35 = tpu.vector_load %arg21[%get3A_34] {strides = array<i32>} : memref<5120xf32, #tpu.memory_space<vmem>>, vector<16xf32>,
      %mul3A_36 = arith.constant 16 : i32
      %mul3A_37 = arith.muli %scan3A_24, %mul3A_36 : i32
      %get3A_38 = arith.index_cast %mul3A_37 : i32 to index
      %get3A_39 = tpu.vector_load %arg22[%get3A_38] {strides = array<i32>} : memref<5120xi32, #tpu.memory_space<vmem>>, vector<16xi32>,
      %reduce_max3A = arith.constant true
      %reduce_max3A_40 = vector.broadcast %reduce_max3A : i1 to vector<16xi1>
      %reduce_max3A_41 = arith.constant -2147483648 : i32
      %reduce_max3A_42 = vector.broadcast %reduce_max3A_41 : i32 to vector<16xi32>
      %reduce_max3A_43 = arith.xori %get3A_39, %reduce_max3A_42 : vector<16xi32>
      %reduce_max3A_44 = tpu.scan <max>, %reduce_max3A_43 masked %reduce_max3A_40 : vector<16xi32>, vector<16xi1> -> vector<16xi32>
      %reduce_max3A_45 = arith.xori %reduce_max3A_44, %reduce_max3A_42 : vector<16xi32>
      %reduce_max3A_46 = vector.extract %reduce_max3A_45[15] : i32 from vector<16xi32>
      %broadcast_in_dim3A = arith.constant 3.000000e+38 : f32
      %broadcast_in_dim3A_47 = vector.broadcast %broadcast_in_dim3A : f32 to vector<16xf32>
      %broadcast_in_dim3A_48 = arith.constant 3.000000e+38 : f32
      %broadcast_in_dim3A_49 = vector.broadcast %broadcast_in_dim3A_48 : f32 to vector<16xf32>
      %add3A_50 = arith.constant 16 : i32
      %add3A_51 = vector.broadcast %add3A_50 : i32 to vector<16xi32>
      %add3A_52 = arith.addi %iota3A, %add3A_51 : vector<16xi32>
      %while3A = arith.constant false
      %while3A_53 = arith.constant 3.000000e+38 : f32
      %while3A_54:7 = scf.while (%while3A_68 = %reduce_max3A_46, %while3A_69 = %while3A, %while3A_70 = %broadcast_in_dim3A_47, %while3A_71 = %iota3A, %while3A_72 = %broadcast_in_dim3A_49, %while3A_73 = %add3A_52, %while3A_74 = %while3A_53) : (i32, i1, vector<16xf32>, vector<16xi32>, vector<16xf32>, vector<16xi32>, f32) -> (i32, i1, vector<16xf32>, vector<16xi32>, vector<16xf32>, vector<16xi32>, f32) {
        %lt3A = arith.constant 79 : i32
        %lt3A_75 = arith.cmpi slt, %while3A_68, %lt3A : i32
        %not3A = arith.constant true
        %not3A_76 = arith.xori %while3A_69, %not3A : i1
        %and3A = arith.andi %lt3A_75, %not3A_76 : i1
        scf.condition(%and3A) %while3A_68, %while3A_69, %while3A_70, %while3A_71, %while3A_72, %while3A_73, %while3A_74 : i32, i1, vector<16xf32>, vector<16xi32>, vector<16xf32>, vector<16xi32>, f32
      } do {
      ^bb0(%while3A_68: i32, %while3A_69: i1, %while3A_70: vector<16xf32>, %while3A_71: vector<16xi32>, %while3A_72: vector<16xf32>, %while3A_73: vector<16xi32>, %while3A_74: f32):
        %mul3A_75 = arith.constant 8 : i32
        %mul3A_76 = arith.muli %while3A_68, %mul3A_75 : i32
        %add3A_77 = arith.constant 0 : i32
        %add3A_78 = arith.addi %mul3A_76, %add3A_77 : i32
        %mul3A_79 = arith.constant 16 : i32
        %mul3A_80 = arith.muli %add3A_78, %mul3A_79 : i32
        %get3A_81 = arith.index_cast %mul3A_80 : i32 to index
        %get3A_82 = tpu.vector_load %arg15[%get3A_81] {strides = array<i32>} : memref<10112xf32, #tpu.memory_space<vmem>>, vector<16xf32>,
        %sub3A_83 = arith.subf %get3A_82, %get3A_27 : vector<16xf32>
        %mul3A_84 = arith.constant 16 : i32
        %mul3A_85 = arith.muli %add3A_78, %mul3A_84 : i32
        %get3A_86 = arith.index_cast %mul3A_85 : i32 to index
        %get3A_87 = tpu.vector_load %arg16[%get3A_86] {strides = array<i32>} : memref<10112xf32, #tpu.memory_space<vmem>>, vector<16xf32>,
        %sub3A_88 = arith.subf %get3A_87, %get3A_31 : vector<16xf32>
        %mul3A_89 = arith.constant 16 : i32
        %mul3A_90 = arith.muli %add3A_78, %mul3A_89 : i32
        %get3A_91 = arith.index_cast %mul3A_90 : i32 to index
        %get3A_92 = tpu.vector_load %arg17[%get3A_91] {strides = array<i32>} : memref<10112xf32, #tpu.memory_space<vmem>>, vector<16xf32>,
        %sub3A_93 = arith.subf %get3A_92, %get3A_35 : vector<16xf32>
        %abs3A = math.absf %sub3A_83 : vector<16xf32>
        %sub3A_94 = arith.constant 3.906250e-03 : f32
        %sub3A_95 = vector.broadcast %sub3A_94 : f32 to vector<16xf32>
        %sub3A_96 = arith.subf %abs3A, %sub3A_95 : vector<16xf32>
        %max3A = arith.constant 0.000000e+00 : f32
        %max3A_97 = vector.broadcast %max3A : f32 to vector<16xf32>
        %max3A_98 = arith.maximumf %sub3A_96, %max3A_97 : vector<16xf32>
        %mul3A_99 = arith.mulf %sub3A_83, %sub3A_83 : vector<16xf32>
        %mul3A_100 = arith.mulf %sub3A_88, %sub3A_88 : vector<16xf32>
        %add3A_101 = arith.addf %mul3A_99, %mul3A_100 : vector<16xf32>
        %mul3A_102 = arith.mulf %sub3A_93, %sub3A_93 : vector<16xf32>
        %add3A_103 = arith.addf %add3A_101, %mul3A_102 : vector<16xf32>
        %mul3A_104 = arith.mulf %max3A_98, %max3A_98 : vector<16xf32>
        %add3A_105 = arith.constant 1 : i32
        %add3A_106 = arith.addi %mul3A_76, %add3A_105 : i32
        %mul3A_107 = arith.constant 16 : i32
        %mul3A_108 = arith.muli %add3A_106, %mul3A_107 : i32
        %get3A_109 = arith.index_cast %mul3A_108 : i32 to index
        %get3A_110 = tpu.vector_load %arg15[%get3A_109] {strides = array<i32>} : memref<10112xf32, #tpu.memory_space<vmem>>, vector<16xf32>,
        %sub3A_111 = arith.subf %get3A_110, %get3A_27 : vector<16xf32>
        %mul3A_112 = arith.constant 16 : i32
        %mul3A_113 = arith.muli %add3A_106, %mul3A_112 : i32
        %get3A_114 = arith.index_cast %mul3A_113 : i32 to index
        %get3A_115 = tpu.vector_load %arg16[%get3A_114] {strides = array<i32>} : memref<10112xf32, #tpu.memory_space<vmem>>, vector<16xf32>,
        %sub3A_116 = arith.subf %get3A_115, %get3A_31 : vector<16xf32>
        %mul3A_117 = arith.constant 16 : i32
        %mul3A_118 = arith.muli %add3A_106, %mul3A_117 : i32
        %get3A_119 = arith.index_cast %mul3A_118 : i32 to index
        %get3A_120 = tpu.vector_load %arg17[%get3A_119] {strides = array<i32>} : memref<10112xf32, #tpu.memory_space<vmem>>, vector<16xf32>,
        %sub3A_121 = arith.subf %get3A_120, %get3A_35 : vector<16xf32>
        %abs3A_122 = math.absf %sub3A_111 : vector<16xf32>
        %sub3A_123 = arith.constant 3.906250e-03 : f32
        %sub3A_124 = vector.broadcast %sub3A_123 : f32 to vector<16xf32>
        %sub3A_125 = arith.subf %abs3A_122, %sub3A_124 : vector<16xf32>
        %max3A_126 = arith.constant 0.000000e+00 : f32
        %max3A_127 = vector.broadcast %max3A_126 : f32 to vector<16xf32>
        %max3A_128 = arith.maximumf %sub3A_125, %max3A_127 : vector<16xf32>
        %mul3A_129 = arith.mulf %sub3A_111, %sub3A_111 : vector<16xf32>
        %mul3A_130 = arith.mulf %sub3A_116, %sub3A_116 : vector<16xf32>
        %add3A_131 = arith.addf %mul3A_129, %mul3A_130 : vector<16xf32>
        %mul3A_132 = arith.mulf %sub3A_121, %sub3A_121 : vector<16xf32>
        %add3A_133 = arith.addf %add3A_131, %mul3A_132 : vector<16xf32>
        %mul3A_134 = arith.mulf %max3A_128, %max3A_128 : vector<16xf32>
        %min3A = arith.minimumf %add3A_103, %add3A_133 : vector<16xf32>
        %min3A_135 = arith.minimumf %mul3A_104, %mul3A_134 : vector<16xf32>
        %add3A_136 = arith.constant 2 : i32
        %add3A_137 = arith.addi %mul3A_76, %add3A_136 : i32
        %mul3A_138 = arith.constant 16 : i32
        %mul3A_139 = arith.muli %add3A_137, %mul3A_138 : i32
        %get3A_140 = arith.index_cast %mul3A_139 : i32 to index
        %get3A_141 = tpu.vector_load %arg15[%get3A_140] {strides = array<i32>} : memref<10112xf32, #tpu.memory_space<vmem>>, vector<16xf32>,
        %sub3A_142 = arith.subf %get3A_141, %get3A_27 : vector<16xf32>
        %mul3A_143 = arith.constant 16 : i32
        %mul3A_144 = arith.muli %add3A_137, %mul3A_143 : i32
        %get3A_145 = arith.index_cast %mul3A_144 : i32 to index
        %get3A_146 = tpu.vector_load %arg16[%get3A_145] {strides = array<i32>} : memref<10112xf32, #tpu.memory_space<vmem>>, vector<16xf32>,
        %sub3A_147 = arith.subf %get3A_146, %get3A_31 : vector<16xf32>
        %mul3A_148 = arith.constant 16 : i32
        %mul3A_149 = arith.muli %add3A_137, %mul3A_148 : i32
        %get3A_150 = arith.index_cast %mul3A_149 : i32 to index
        %get3A_151 = tpu.vector_load %arg17[%get3A_150] {strides = array<i32>} : memref<10112xf32, #tpu.memory_space<vmem>>, vector<16xf32>,
        %sub3A_152 = arith.subf %get3A_151, %get3A_35 : vector<16xf32>
        %abs3A_153 = math.absf %sub3A_142 : vector<16xf32>
        %sub3A_154 = arith.constant 3.906250e-03 : f32
        %sub3A_155 = vector.broadcast %sub3A_154 : f32 to vector<16xf32>
        %sub3A_156 = arith.subf %abs3A_153, %sub3A_155 : vector<16xf32>
        %max3A_157 = arith.constant 0.000000e+00 : f32
        %max3A_158 = vector.broadcast %max3A_157 : f32 to vector<16xf32>
        %max3A_159 = arith.maximumf %sub3A_156, %max3A_158 : vector<16xf32>
        %mul3A_160 = arith.mulf %sub3A_142, %sub3A_142 : vector<16xf32>
        %mul3A_161 = arith.mulf %sub3A_147, %sub3A_147 : vector<16xf32>
        %add3A_162 = arith.addf %mul3A_160, %mul3A_161 : vector<16xf32>
        %mul3A_163 = arith.mulf %sub3A_152, %sub3A_152 : vector<16xf32>
        %add3A_164 = arith.addf %add3A_162, %mul3A_163 : vector<16xf32>
        %mul3A_165 = arith.mulf %max3A_159, %max3A_159 : vector<16xf32>
        %min3A_166 = arith.minimumf %min3A, %add3A_164 : vector<16xf32>
        %min3A_167 = arith.minimumf %min3A_135, %mul3A_165 : vector<16xf32>
        %add3A_168 = arith.constant 3 : i32
        %add3A_169 = arith.addi %mul3A_76, %add3A_168 : i32
        %mul3A_170 = arith.constant 16 : i32
        %mul3A_171 = arith.muli %add3A_169, %mul3A_170 : i32
        %get3A_172 = arith.index_cast %mul3A_171 : i32 to index
        %get3A_173 = tpu.vector_load %arg15[%get3A_172] {strides = array<i32>} : memref<10112xf32, #tpu.memory_space<vmem>>, vector<16xf32>,
        %sub3A_174 = arith.subf %get3A_173, %get3A_27 : vector<16xf32>
        %mul3A_175 = arith.constant 16 : i32
        %mul3A_176 = arith.muli %add3A_169, %mul3A_175 : i32
        %get3A_177 = arith.index_cast %mul3A_176 : i32 to index
        %get3A_178 = tpu.vector_load %arg16[%get3A_177] {strides = array<i32>} : memref<10112xf32, #tpu.memory_space<vmem>>, vector<16xf32>,
        %sub3A_179 = arith.subf %get3A_178, %get3A_31 : vector<16xf32>
        %mul3A_180 = arith.constant 16 : i32
        %mul3A_181 = arith.muli %add3A_169, %mul3A_180 : i32
        %get3A_182 = arith.index_cast %mul3A_181 : i32 to index
        %get3A_183 = tpu.vector_load %arg17[%get3A_182] {strides = array<i32>} : memref<10112xf32, #tpu.memory_space<vmem>>, vector<16xf32>,
        %sub3A_184 = arith.subf %get3A_183, %get3A_35 : vector<16xf32>
        %abs3A_185 = math.absf %sub3A_174 : vector<16xf32>
        %sub3A_186 = arith.constant 3.906250e-03 : f32
        %sub3A_187 = vector.broadcast %sub3A_186 : f32 to vector<16xf32>
        %sub3A_188 = arith.subf %abs3A_185, %sub3A_187 : vector<16xf32>
        %max3A_189 = arith.constant 0.000000e+00 : f32
        %max3A_190 = vector.broadcast %max3A_189 : f32 to vector<16xf32>
        %max3A_191 = arith.maximumf %sub3A_188, %max3A_190 : vector<16xf32>
        %mul3A_192 = arith.mulf %sub3A_174, %sub3A_174 : vector<16xf32>
        %mul3A_193 = arith.mulf %sub3A_179, %sub3A_179 : vector<16xf32>
        %add3A_194 = arith.addf %mul3A_192, %mul3A_193 : vector<16xf32>
        %mul3A_195 = arith.mulf %sub3A_184, %sub3A_184 : vector<16xf32>
        %add3A_196 = arith.addf %add3A_194, %mul3A_195 : vector<16xf32>
        %mul3A_197 = arith.mulf %max3A_191, %max3A_191 : vector<16xf32>
        %min3A_198 = arith.minimumf %min3A_166, %add3A_196 : vector<16xf32>
        %min3A_199 = arith.minimumf %min3A_167, %mul3A_197 : vector<16xf32>
        %add3A_200 = arith.constant 4 : i32
        %add3A_201 = arith.addi %mul3A_76, %add3A_200 : i32
        %mul3A_202 = arith.constant 16 : i32
        %mul3A_203 = arith.muli %add3A_201, %mul3A_202 : i32
        %get3A_204 = arith.index_cast %mul3A_203 : i32 to index
        %get3A_205 = tpu.vector_load %arg15[%get3A_204] {strides = array<i32>} : memref<10112xf32, #tpu.memory_space<vmem>>, vector<16xf32>,
        %sub3A_206 = arith.subf %get3A_205, %get3A_27 : vector<16xf32>
        %mul3A_207 = arith.constant 16 : i32
        %mul3A_208 = arith.muli %add3A_201, %mul3A_207 : i32
        %get3A_209 = arith.index_cast %mul3A_208 : i32 to index
        %get3A_210 = tpu.vector_load %arg16[%get3A_209] {strides = array<i32>} : memref<10112xf32, #tpu.memory_space<vmem>>, vector<16xf32>,
        %sub3A_211 = arith.subf %get3A_210, %get3A_31 : vector<16xf32>
        %mul3A_212 = arith.constant 16 : i32
        %mul3A_213 = arith.muli %add3A_201, %mul3A_212 : i32
        %get3A_214 = arith.index_cast %mul3A_213 : i32 to index
        %get3A_215 = tpu.vector_load %arg17[%get3A_214] {strides = array<i32>} : memref<10112xf32, #tpu.memory_space<vmem>>, vector<16xf32>,
        %sub3A_216 = arith.subf %get3A_215, %get3A_35 : vector<16xf32>
        %abs3A_217 = math.absf %sub3A_206 : vector<16xf32>
        %sub3A_218 = arith.constant 3.906250e-03 : f32
        %sub3A_219 = vector.broadcast %sub3A_218 : f32 to vector<16xf32>
        %sub3A_220 = arith.subf %abs3A_217, %sub3A_219 : vector<16xf32>
        %max3A_221 = arith.constant 0.000000e+00 : f32
        %max3A_222 = vector.broadcast %max3A_221 : f32 to vector<16xf32>
        %max3A_223 = arith.maximumf %sub3A_220, %max3A_222 : vector<16xf32>
        %mul3A_224 = arith.mulf %sub3A_206, %sub3A_206 : vector<16xf32>
        %mul3A_225 = arith.mulf %sub3A_211, %sub3A_211 : vector<16xf32>
        %add3A_226 = arith.addf %mul3A_224, %mul3A_225 : vector<16xf32>
        %mul3A_227 = arith.mulf %sub3A_216, %sub3A_216 : vector<16xf32>
        %add3A_228 = arith.addf %add3A_226, %mul3A_227 : vector<16xf32>
        %mul3A_229 = arith.mulf %max3A_223, %max3A_223 : vector<16xf32>
        %min3A_230 = arith.minimumf %min3A_198, %add3A_228 : vector<16xf32>
        %min3A_231 = arith.minimumf %min3A_199, %mul3A_229 : vector<16xf32>
        %add3A_232 = arith.constant 5 : i32
        %add3A_233 = arith.addi %mul3A_76, %add3A_232 : i32
        %mul3A_234 = arith.constant 16 : i32
        %mul3A_235 = arith.muli %add3A_233, %mul3A_234 : i32
        %get3A_236 = arith.index_cast %mul3A_235 : i32 to index
        %get3A_237 = tpu.vector_load %arg15[%get3A_236] {strides = array<i32>} : memref<10112xf32, #tpu.memory_space<vmem>>, vector<16xf32>,
        %sub3A_238 = arith.subf %get3A_237, %get3A_27 : vector<16xf32>
        %mul3A_239 = arith.constant 16 : i32
        %mul3A_240 = arith.muli %add3A_233, %mul3A_239 : i32
        %get3A_241 = arith.index_cast %mul3A_240 : i32 to index
        %get3A_242 = tpu.vector_load %arg16[%get3A_241] {strides = array<i32>} : memref<10112xf32, #tpu.memory_space<vmem>>, vector<16xf32>,
        %sub3A_243 = arith.subf %get3A_242, %get3A_31 : vector<16xf32>
        %mul3A_244 = arith.constant 16 : i32
        %mul3A_245 = arith.muli %add3A_233, %mul3A_244 : i32
        %get3A_246 = arith.index_cast %mul3A_245 : i32 to index
        %get3A_247 = tpu.vector_load %arg17[%get3A_246] {strides = array<i32>} : memref<10112xf32, #tpu.memory_space<vmem>>, vector<16xf32>,
        %sub3A_248 = arith.subf %get3A_247, %get3A_35 : vector<16xf32>
        %abs3A_249 = math.absf %sub3A_238 : vector<16xf32>
        %sub3A_250 = arith.constant 3.906250e-03 : f32
        %sub3A_251 = vector.broadcast %sub3A_250 : f32 to vector<16xf32>
        %sub3A_252 = arith.subf %abs3A_249, %sub3A_251 : vector<16xf32>
        %max3A_253 = arith.constant 0.000000e+00 : f32
        %max3A_254 = vector.broadcast %max3A_253 : f32 to vector<16xf32>
        %max3A_255 = arith.maximumf %sub3A_252, %max3A_254 : vector<16xf32>
        %mul3A_256 = arith.mulf %sub3A_238, %sub3A_238 : vector<16xf32>
        %mul3A_257 = arith.mulf %sub3A_243, %sub3A_243 : vector<16xf32>
        %add3A_258 = arith.addf %mul3A_256, %mul3A_257 : vector<16xf32>
        %mul3A_259 = arith.mulf %sub3A_248, %sub3A_248 : vector<16xf32>
        %add3A_260 = arith.addf %add3A_258, %mul3A_259 : vector<16xf32>
        %mul3A_261 = arith.mulf %max3A_255, %max3A_255 : vector<16xf32>
        %min3A_262 = arith.minimumf %min3A_230, %add3A_260 : vector<16xf32>
        %min3A_263 = arith.minimumf %min3A_231, %mul3A_261 : vector<16xf32>
        %add3A_264 = arith.constant 6 : i32
        %add3A_265 = arith.addi %mul3A_76, %add3A_264 : i32
        %mul3A_266 = arith.constant 16 : i32
        %mul3A_267 = arith.muli %add3A_265, %mul3A_266 : i32
        %get3A_268 = arith.index_cast %mul3A_267 : i32 to index
        %get3A_269 = tpu.vector_load %arg15[%get3A_268] {strides = array<i32>} : memref<10112xf32, #tpu.memory_space<vmem>>, vector<16xf32>,
        %sub3A_270 = arith.subf %get3A_269, %get3A_27 : vector<16xf32>
        %mul3A_271 = arith.constant 16 : i32
        %mul3A_272 = arith.muli %add3A_265, %mul3A_271 : i32
        %get3A_273 = arith.index_cast %mul3A_272 : i32 to index
        %get3A_274 = tpu.vector_load %arg16[%get3A_273] {strides = array<i32>} : memref<10112xf32, #tpu.memory_space<vmem>>, vector<16xf32>,
        %sub3A_275 = arith.subf %get3A_274, %get3A_31 : vector<16xf32>
        %mul3A_276 = arith.constant 16 : i32
        %mul3A_277 = arith.muli %add3A_265, %mul3A_276 : i32
        %get3A_278 = arith.index_cast %mul3A_277 : i32 to index
        %get3A_279 = tpu.vector_load %arg17[%get3A_278] {strides = array<i32>} : memref<10112xf32, #tpu.memory_space<vmem>>, vector<16xf32>,
        %sub3A_280 = arith.subf %get3A_279, %get3A_35 : vector<16xf32>
        %abs3A_281 = math.absf %sub3A_270 : vector<16xf32>
        %sub3A_282 = arith.constant 3.906250e-03 : f32
        %sub3A_283 = vector.broadcast %sub3A_282 : f32 to vector<16xf32>
        %sub3A_284 = arith.subf %abs3A_281, %sub3A_283 : vector<16xf32>
        %max3A_285 = arith.constant 0.000000e+00 : f32
        %max3A_286 = vector.broadcast %max3A_285 : f32 to vector<16xf32>
        %max3A_287 = arith.maximumf %sub3A_284, %max3A_286 : vector<16xf32>
        %mul3A_288 = arith.mulf %sub3A_270, %sub3A_270 : vector<16xf32>
        %mul3A_289 = arith.mulf %sub3A_275, %sub3A_275 : vector<16xf32>
        %add3A_290 = arith.addf %mul3A_288, %mul3A_289 : vector<16xf32>
        %mul3A_291 = arith.mulf %sub3A_280, %sub3A_280 : vector<16xf32>
        %add3A_292 = arith.addf %add3A_290, %mul3A_291 : vector<16xf32>
        %mul3A_293 = arith.mulf %max3A_287, %max3A_287 : vector<16xf32>
        %min3A_294 = arith.minimumf %min3A_262, %add3A_292 : vector<16xf32>
        %min3A_295 = arith.minimumf %min3A_263, %mul3A_293 : vector<16xf32>
        %add3A_296 = arith.constant 7 : i32
        %add3A_297 = arith.addi %mul3A_76, %add3A_296 : i32
        %mul3A_298 = arith.constant 16 : i32
        %mul3A_299 = arith.muli %add3A_297, %mul3A_298 : i32
        %get3A_300 = arith.index_cast %mul3A_299 : i32 to index
        %get3A_301 = tpu.vector_load %arg15[%get3A_300] {strides = array<i32>} : memref<10112xf32, #tpu.memory_space<vmem>>, vector<16xf32>,
        %sub3A_302 = arith.subf %get3A_301, %get3A_27 : vector<16xf32>
        %mul3A_303 = arith.constant 16 : i32
        %mul3A_304 = arith.muli %add3A_297, %mul3A_303 : i32
        %get3A_305 = arith.index_cast %mul3A_304 : i32 to index
        %get3A_306 = tpu.vector_load %arg16[%get3A_305] {strides = array<i32>} : memref<10112xf32, #tpu.memory_space<vmem>>, vector<16xf32>,
        %sub3A_307 = arith.subf %get3A_306, %get3A_31 : vector<16xf32>
        %mul3A_308 = arith.constant 16 : i32
        %mul3A_309 = arith.muli %add3A_297, %mul3A_308 : i32
        %get3A_310 = arith.index_cast %mul3A_309 : i32 to index
        %get3A_311 = tpu.vector_load %arg17[%get3A_310] {strides = array<i32>} : memref<10112xf32, #tpu.memory_space<vmem>>, vector<16xf32>,
        %sub3A_312 = arith.subf %get3A_311, %get3A_35 : vector<16xf32>
        %abs3A_313 = math.absf %sub3A_302 : vector<16xf32>
        %sub3A_314 = arith.constant 3.906250e-03 : f32
        %sub3A_315 = vector.broadcast %sub3A_314 : f32 to vector<16xf32>
        %sub3A_316 = arith.subf %abs3A_313, %sub3A_315 : vector<16xf32>
        %max3A_317 = arith.constant 0.000000e+00 : f32
        %max3A_318 = vector.broadcast %max3A_317 : f32 to vector<16xf32>
        %max3A_319 = arith.maximumf %sub3A_316, %max3A_318 : vector<16xf32>
        %mul3A_320 = arith.mulf %sub3A_302, %sub3A_302 : vector<16xf32>
        %mul3A_321 = arith.mulf %sub3A_307, %sub3A_307 : vector<16xf32>
        %add3A_322 = arith.addf %mul3A_320, %mul3A_321 : vector<16xf32>
        %mul3A_323 = arith.mulf %sub3A_312, %sub3A_312 : vector<16xf32>
        %add3A_324 = arith.addf %add3A_322, %mul3A_323 : vector<16xf32>
        %mul3A_325 = arith.mulf %max3A_319, %max3A_319 : vector<16xf32>
        %min3A_326 = arith.minimumf %min3A_294, %add3A_324 : vector<16xf32>
        %min3A_327 = arith.minimumf %min3A_295, %mul3A_325 : vector<16xf32>
        %reduce_min3A = arith.constant true
        %reduce_min3A_328 = vector.broadcast %reduce_min3A : i1 to vector<16xi1>
        %reduce_min3A_329 = tpu.scan <min>, %min3A_326 masked %reduce_min3A_328 : vector<16xf32>, vector<16xi1> -> vector<16xf32>
        %reduce_min3A_330 = vector.extract %reduce_min3A_329[15] : f32 from vector<16xf32>
        %reduce_min3A_331 = arith.constant true
        %reduce_min3A_332 = vector.broadcast %reduce_min3A_331 : i1 to vector<16xi1>
        %reduce_min3A_333 = tpu.scan <min>, %min3A_327 masked %reduce_min3A_332 : vector<16xf32>, vector<16xi1> -> vector<16xf32>
        %reduce_min3A_334 = vector.extract %reduce_min3A_333[15] : f32 from vector<16xf32>
        %lt3A = arith.cmpf olt, %reduce_min3A_330, %while3A_74 : f32
        %convert_element_type3A = arith.extui %lt3A : i1 to i32
        %cond3A = arith.constant 0 : i32
        %cond3A_335 = arith.cmpi ne, %convert_element_type3A, %cond3A : i32
        %cond3A_336:5 = scf.if %cond3A_335 -> (vector<16xf32>, vector<16xi32>, vector<16xf32>, vector<16xi32>, f32) {
          %add3A_339 = arith.constant 0 : i32
          %add3A_340 = arith.addi %mul3A_76, %add3A_339 : i32
          %reduce_min3A_341 = arith.constant true
          %reduce_min3A_342 = vector.broadcast %reduce_min3A_341 : i1 to vector<16xi1>
          %reduce_min3A_343 = tpu.scan <min>, %add3A_103 masked %reduce_min3A_342 : vector<16xf32>, vector<16xi1> -> vector<16xf32>
          %reduce_min3A_344 = vector.extract %reduce_min3A_343[15] : f32 from vector<16xf32>
          %lt3A_345 = arith.cmpf olt, %reduce_min3A_344, %while3A_74 : f32
          %convert_element_type3A_346 = arith.extui %lt3A_345 : i1 to i32
          %cond3A_347 = arith.constant 0 : i32
          %cond3A_348 = arith.cmpi ne, %convert_element_type3A_346, %cond3A_347 : i32
          %cond3A_349:5 = scf.if %cond3A_348 -> (vector<16xf32>, vector<16xi32>, vector<16xf32>, vector<16xi32>, f32) {
            %mul3A_427 = arith.constant 16 : i32
            %mul3A_428 = arith.muli %add3A_340, %mul3A_427 : i32
            %add3A_429 = vector.broadcast %mul3A_428 : i32 to vector<16xi32>
            %add3A_430 = arith.addi %iota3A, %add3A_429 : vector<16xi32>
            %masked_sort3A = arith.constant dense<true> : vector<16xi1>
            %masked_sort3A_431, %masked_sort3A_432, %masked_sort3A_433 = tpu.sort %add3A_103, %add3A_430 masked %masked_sort3A : (vector<16xf32>, vector<16xi32>, vector<16xi1>) -> (vector<16xi1>, vector<16xf32>, vector<16xi32>)
            %rev3A = arith.constant 15 : i32
            %rev3A_434 = vector.broadcast %rev3A : i32 to vector<16xi32>
            %rev3A_435 = tpu.iota {dimensions = array<i32: 0>} : vector<16xi32>
            %rev3A_436 = arith.subi %rev3A_434, %rev3A_435 : vector<16xi32>
            %rev3A_437 = tpu.dynamic_gather %masked_sort3A_432[%rev3A_436] in [0] : vector<16xf32>, vector<16xi32> -> vector<16xf32>
            %rev3A_438 = arith.constant 15 : i32
            %rev3A_439 = vector.broadcast %rev3A_438 : i32 to vector<16xi32>
            %rev3A_440 = tpu.iota {dimensions = array<i32: 0>} : vector<16xi32>
            %rev3A_441 = arith.subi %rev3A_439, %rev3A_440 : vector<16xi32>
            %rev3A_442 = tpu.dynamic_gather %masked_sort3A_433[%rev3A_441] in [0] : vector<16xi32>, vector<16xi32> -> vector<16xi32>
            %le3A = arith.cmpf ole, %while3A_72, %rev3A_437 : vector<16xf32>
            %select_n3A = arith.select %le3A, %while3A_72, %rev3A_437 : vector<16xi1>, vector<16xf32>
            %select_n3A_443 = arith.select %le3A, %while3A_73, %rev3A_442 : vector<16xi1>, vector<16xi32>
            %select_n3A_444 = arith.select %le3A, %rev3A_437, %while3A_72 : vector<16xi1>, vector<16xf32>
            %select_n3A_445 = arith.select %le3A, %rev3A_442, %while3A_73 : vector<16xi1>, vector<16xi32>
            %masked_sort3A_446 = arith.constant dense<true> : vector<16xi1>
            %masked_sort3A_447, %masked_sort3A_448, %masked_sort3A_449 = tpu.sort %select_n3A, %select_n3A_443 masked %masked_sort3A_446 : (vector<16xf32>, vector<16xi32>, vector<16xi1>) -> (vector<16xi1>, vector<16xf32>, vector<16xi32>)
            %masked_sort3A_450 = arith.constant dense<true> : vector<16xi1>
            %masked_sort3A_451, %masked_sort3A_452, %masked_sort3A_453 = tpu.sort %select_n3A_444, %select_n3A_445 masked %masked_sort3A_450 : (vector<16xf32>, vector<16xi32>, vector<16xi1>) -> (vector<16xi1>, vector<16xf32>, vector<16xi32>)
            %rev3A_454 = arith.constant 15 : i32
            %rev3A_455 = vector.broadcast %rev3A_454 : i32 to vector<16xi32>
            %rev3A_456 = tpu.iota {dimensions = array<i32: 0>} : vector<16xi32>
            %rev3A_457 = arith.subi %rev3A_455, %rev3A_456 : vector<16xi32>
            %rev3A_458 = tpu.dynamic_gather %masked_sort3A_448[%rev3A_457] in [0] : vector<16xf32>, vector<16xi32> -> vector<16xf32>
            %rev3A_459 = arith.constant 15 : i32
            %rev3A_460 = vector.broadcast %rev3A_459 : i32 to vector<16xi32>
            %rev3A_461 = tpu.iota {dimensions = array<i32: 0>} : vector<16xi32>
            %rev3A_462 = arith.subi %rev3A_460, %rev3A_461 : vector<16xi32>
            %rev3A_463 = tpu.dynamic_gather %masked_sort3A_449[%rev3A_462] in [0] : vector<16xi32>, vector<16xi32> -> vector<16xi32>
            %le3A_464 = arith.cmpf ole, %while3A_70, %rev3A_458 : vector<16xf32>
            %select_n3A_465 = arith.select %le3A_464, %while3A_70, %rev3A_458 : vector<16xi1>, vector<16xf32>
            %select_n3A_466 = arith.select %le3A_464, %while3A_71, %rev3A_463 : vector<16xi1>, vector<16xi32>
            %select_n3A_467 = arith.select %le3A_464, %rev3A_458, %while3A_70 : vector<16xi1>, vector<16xf32>
            %select_n3A_468 = arith.select %le3A_464, %rev3A_463, %while3A_71 : vector<16xi1>, vector<16xi32>
            %masked_sort3A_469 = arith.constant dense<true> : vector<16xi1>
            %masked_sort3A_470, %masked_sort3A_471, %masked_sort3A_472 = tpu.sort %select_n3A_465, %select_n3A_466 masked %masked_sort3A_469 : (vector<16xf32>, vector<16xi32>, vector<16xi1>) -> (vector<16xi1>, vector<16xf32>, vector<16xi32>)
            %masked_sort3A_473 = arith.constant dense<true> : vector<16xi1>
            %masked_sort3A_474, %masked_sort3A_475, %masked_sort3A_476 = tpu.sort %select_n3A_467, %select_n3A_468 masked %masked_sort3A_473 : (vector<16xf32>, vector<16xi32>, vector<16xi1>) -> (vector<16xi1>, vector<16xf32>, vector<16xi32>)
            %reduce_max3A_477 = arith.constant true
            %reduce_max3A_478 = vector.broadcast %reduce_max3A_477 : i1 to vector<16xi1>
            %reduce_max3A_479 = tpu.scan <max>, %masked_sort3A_475 masked %reduce_max3A_478 : vector<16xf32>, vector<16xi1> -> vector<16xf32>
            %reduce_max3A_480 = vector.extract %reduce_max3A_479[15] : f32 from vector<16xf32>
            scf.yield %masked_sort3A_471, %masked_sort3A_472, %masked_sort3A_475, %masked_sort3A_476, %reduce_max3A_480 : vector<16xf32>, vector<16xi32>, vector<16xf32>, vector<16xi32>, f32
          } else {
            scf.yield %while3A_70, %while3A_71, %while3A_72, %while3A_73, %while3A_74 : vector<16xf32>, vector<16xi32>, vector<16xf32>, vector<16xi32>, f32
          }
          %add3A_350 = arith.constant 1 : i32
          %add3A_351 = arith.addi %mul3A_76, %add3A_350 : i32
          %reduce_min3A_352 = arith.constant true
          %reduce_min3A_353 = vector.broadcast %reduce_min3A_352 : i1 to vector<16xi1>
          %reduce_min3A_354 = tpu.scan <min>, %add3A_133 masked %reduce_min3A_353 : vector<16xf32>, vector<16xi1> -> vector<16xf32>
          %reduce_min3A_355 = vector.extract %reduce_min3A_354[15] : f32 from vector<16xf32>
          %lt3A_356 = arith.cmpf olt, %reduce_min3A_355, %cond3A_349#4 : f32
          %convert_element_type3A_357 = arith.extui %lt3A_356 : i1 to i32
          %cond3A_358 = arith.constant 0 : i32
          %cond3A_359 = arith.cmpi ne, %convert_element_type3A_357, %cond3A_358 : i32
          %cond3A_360:5 = scf.if %cond3A_359 -> (vector<16xf32>, vector<16xi32>, vector<16xf32>, vector<16xi32>, f32) {
            %mul3A_427 = arith.constant 16 : i32
            %mul3A_428 = arith.muli %add3A_351, %mul3A_427 : i32
            %add3A_429 = vector.broadcast %mul3A_428 : i32 to vector<16xi32>
            %add3A_430 = arith.addi %iota3A, %add3A_429 : vector<16xi32>
            %masked_sort3A = arith.constant dense<true> : vector<16xi1>
            %masked_sort3A_431, %masked_sort3A_432, %masked_sort3A_433 = tpu.sort %add3A_133, %add3A_430 masked %masked_sort3A : (vector<16xf32>, vector<16xi32>, vector<16xi1>) -> (vector<16xi1>, vector<16xf32>, vector<16xi32>)
            %rev3A = arith.constant 15 : i32
            %rev3A_434 = vector.broadcast %rev3A : i32 to vector<16xi32>
            %rev3A_435 = tpu.iota {dimensions = array<i32: 0>} : vector<16xi32>
            %rev3A_436 = arith.subi %rev3A_434, %rev3A_435 : vector<16xi32>
            %rev3A_437 = tpu.dynamic_gather %masked_sort3A_432[%rev3A_436] in [0] : vector<16xf32>, vector<16xi32> -> vector<16xf32>
            %rev3A_438 = arith.constant 15 : i32
            %rev3A_439 = vector.broadcast %rev3A_438 : i32 to vector<16xi32>
            %rev3A_440 = tpu.iota {dimensions = array<i32: 0>} : vector<16xi32>
            %rev3A_441 = arith.subi %rev3A_439, %rev3A_440 : vector<16xi32>
            %rev3A_442 = tpu.dynamic_gather %masked_sort3A_433[%rev3A_441] in [0] : vector<16xi32>, vector<16xi32> -> vector<16xi32>
            %le3A = arith.cmpf ole, %cond3A_349#2, %rev3A_437 : vector<16xf32>
            %select_n3A = arith.select %le3A, %cond3A_349#2, %rev3A_437 : vector<16xi1>, vector<16xf32>
            %select_n3A_443 = arith.select %le3A, %cond3A_349#3, %rev3A_442 : vector<16xi1>, vector<16xi32>
            %select_n3A_444 = arith.select %le3A, %rev3A_437, %cond3A_349#2 : vector<16xi1>, vector<16xf32>
            %select_n3A_445 = arith.select %le3A, %rev3A_442, %cond3A_349#3 : vector<16xi1>, vector<16xi32>
            %masked_sort3A_446 = arith.constant dense<true> : vector<16xi1>
            %masked_sort3A_447, %masked_sort3A_448, %masked_sort3A_449 = tpu.sort %select_n3A, %select_n3A_443 masked %masked_sort3A_446 : (vector<16xf32>, vector<16xi32>, vector<16xi1>) -> (vector<16xi1>, vector<16xf32>, vector<16xi32>)
            %masked_sort3A_450 = arith.constant dense<true> : vector<16xi1>
            %masked_sort3A_451, %masked_sort3A_452, %masked_sort3A_453 = tpu.sort %select_n3A_444, %select_n3A_445 masked %masked_sort3A_450 : (vector<16xf32>, vector<16xi32>, vector<16xi1>) -> (vector<16xi1>, vector<16xf32>, vector<16xi32>)
            %rev3A_454 = arith.constant 15 : i32
            %rev3A_455 = vector.broadcast %rev3A_454 : i32 to vector<16xi32>
            %rev3A_456 = tpu.iota {dimensions = array<i32: 0>} : vector<16xi32>
            %rev3A_457 = arith.subi %rev3A_455, %rev3A_456 : vector<16xi32>
            %rev3A_458 = tpu.dynamic_gather %masked_sort3A_448[%rev3A_457] in [0] : vector<16xf32>, vector<16xi32> -> vector<16xf32>
            %rev3A_459 = arith.constant 15 : i32
            %rev3A_460 = vector.broadcast %rev3A_459 : i32 to vector<16xi32>
            %rev3A_461 = tpu.iota {dimensions = array<i32: 0>} : vector<16xi32>
            %rev3A_462 = arith.subi %rev3A_460, %rev3A_461 : vector<16xi32>
            %rev3A_463 = tpu.dynamic_gather %masked_sort3A_449[%rev3A_462] in [0] : vector<16xi32>, vector<16xi32> -> vector<16xi32>
            %le3A_464 = arith.cmpf ole, %cond3A_349#0, %rev3A_458 : vector<16xf32>
            %select_n3A_465 = arith.select %le3A_464, %cond3A_349#0, %rev3A_458 : vector<16xi1>, vector<16xf32>
            %select_n3A_466 = arith.select %le3A_464, %cond3A_349#1, %rev3A_463 : vector<16xi1>, vector<16xi32>
            %select_n3A_467 = arith.select %le3A_464, %rev3A_458, %cond3A_349#0 : vector<16xi1>, vector<16xf32>
            %select_n3A_468 = arith.select %le3A_464, %rev3A_463, %cond3A_349#1 : vector<16xi1>, vector<16xi32>
            %masked_sort3A_469 = arith.constant dense<true> : vector<16xi1>
            %masked_sort3A_470, %masked_sort3A_471, %masked_sort3A_472 = tpu.sort %select_n3A_465, %select_n3A_466 masked %masked_sort3A_469 : (vector<16xf32>, vector<16xi32>, vector<16xi1>) -> (vector<16xi1>, vector<16xf32>, vector<16xi32>)
            %masked_sort3A_473 = arith.constant dense<true> : vector<16xi1>
            %masked_sort3A_474, %masked_sort3A_475, %masked_sort3A_476 = tpu.sort %select_n3A_467, %select_n3A_468 masked %masked_sort3A_473 : (vector<16xf32>, vector<16xi32>, vector<16xi1>) -> (vector<16xi1>, vector<16xf32>, vector<16xi32>)
            %reduce_max3A_477 = arith.constant true
            %reduce_max3A_478 = vector.broadcast %reduce_max3A_477 : i1 to vector<16xi1>
            %reduce_max3A_479 = tpu.scan <max>, %masked_sort3A_475 masked %reduce_max3A_478 : vector<16xf32>, vector<16xi1> -> vector<16xf32>
            %reduce_max3A_480 = vector.extract %reduce_max3A_479[15] : f32 from vector<16xf32>
            scf.yield %masked_sort3A_471, %masked_sort3A_472, %masked_sort3A_475, %masked_sort3A_476, %reduce_max3A_480 : vector<16xf32>, vector<16xi32>, vector<16xf32>, vector<16xi32>, f32
          } else {
            scf.yield %cond3A_349#0, %cond3A_349#1, %cond3A_349#2, %cond3A_349#3, %cond3A_349#4 : vector<16xf32>, vector<16xi32>, vector<16xf32>, vector<16xi32>, f32
          }
          %add3A_361 = arith.constant 2 : i32
          %add3A_362 = arith.addi %mul3A_76, %add3A_361 : i32
          %reduce_min3A_363 = arith.constant true
          %reduce_min3A_364 = vector.broadcast %reduce_min3A_363 : i1 to vector<16xi1>
          %reduce_min3A_365 = tpu.scan <min>, %add3A_164 masked %reduce_min3A_364 : vector<16xf32>, vector<16xi1> -> vector<16xf32>
          %reduce_min3A_366 = vector.extract %reduce_min3A_365[15] : f32 from vector<16xf32>
          %lt3A_367 = arith.cmpf olt, %reduce_min3A_366, %cond3A_360#4 : f32
          %convert_element_type3A_368 = arith.extui %lt3A_367 : i1 to i32
          %cond3A_369 = arith.constant 0 : i32
          %cond3A_370 = arith.cmpi ne, %convert_element_type3A_368, %cond3A_369 : i32
          %cond3A_371:5 = scf.if %cond3A_370 -> (vector<16xf32>, vector<16xi32>, vector<16xf32>, vector<16xi32>, f32) {
            %mul3A_427 = arith.constant 16 : i32
            %mul3A_428 = arith.muli %add3A_362, %mul3A_427 : i32
            %add3A_429 = vector.broadcast %mul3A_428 : i32 to vector<16xi32>
            %add3A_430 = arith.addi %iota3A, %add3A_429 : vector<16xi32>
            %masked_sort3A = arith.constant dense<true> : vector<16xi1>
            %masked_sort3A_431, %masked_sort3A_432, %masked_sort3A_433 = tpu.sort %add3A_164, %add3A_430 masked %masked_sort3A : (vector<16xf32>, vector<16xi32>, vector<16xi1>) -> (vector<16xi1>, vector<16xf32>, vector<16xi32>)
            %rev3A = arith.constant 15 : i32
            %rev3A_434 = vector.broadcast %rev3A : i32 to vector<16xi32>
            %rev3A_435 = tpu.iota {dimensions = array<i32: 0>} : vector<16xi32>
            %rev3A_436 = arith.subi %rev3A_434, %rev3A_435 : vector<16xi32>
            %rev3A_437 = tpu.dynamic_gather %masked_sort3A_432[%rev3A_436] in [0] : vector<16xf32>, vector<16xi32> -> vector<16xf32>
            %rev3A_438 = arith.constant 15 : i32
            %rev3A_439 = vector.broadcast %rev3A_438 : i32 to vector<16xi32>
            %rev3A_440 = tpu.iota {dimensions = array<i32: 0>} : vector<16xi32>
            %rev3A_441 = arith.subi %rev3A_439, %rev3A_440 : vector<16xi32>
            %rev3A_442 = tpu.dynamic_gather %masked_sort3A_433[%rev3A_441] in [0] : vector<16xi32>, vector<16xi32> -> vector<16xi32>
            %le3A = arith.cmpf ole, %cond3A_360#2, %rev3A_437 : vector<16xf32>
            %select_n3A = arith.select %le3A, %cond3A_360#2, %rev3A_437 : vector<16xi1>, vector<16xf32>
            %select_n3A_443 = arith.select %le3A, %cond3A_360#3, %rev3A_442 : vector<16xi1>, vector<16xi32>
            %select_n3A_444 = arith.select %le3A, %rev3A_437, %cond3A_360#2 : vector<16xi1>, vector<16xf32>
            %select_n3A_445 = arith.select %le3A, %rev3A_442, %cond3A_360#3 : vector<16xi1>, vector<16xi32>
            %masked_sort3A_446 = arith.constant dense<true> : vector<16xi1>
            %masked_sort3A_447, %masked_sort3A_448, %masked_sort3A_449 = tpu.sort %select_n3A, %select_n3A_443 masked %masked_sort3A_446 : (vector<16xf32>, vector<16xi32>, vector<16xi1>) -> (vector<16xi1>, vector<16xf32>, vector<16xi32>)
            %masked_sort3A_450 = arith.constant dense<true> : vector<16xi1>
            %masked_sort3A_451, %masked_sort3A_452, %masked_sort3A_453 = tpu.sort %select_n3A_444, %select_n3A_445 masked %masked_sort3A_450 : (vector<16xf32>, vector<16xi32>, vector<16xi1>) -> (vector<16xi1>, vector<16xf32>, vector<16xi32>)
            %rev3A_454 = arith.constant 15 : i32
            %rev3A_455 = vector.broadcast %rev3A_454 : i32 to vector<16xi32>
            %rev3A_456 = tpu.iota {dimensions = array<i32: 0>} : vector<16xi32>
            %rev3A_457 = arith.subi %rev3A_455, %rev3A_456 : vector<16xi32>
            %rev3A_458 = tpu.dynamic_gather %masked_sort3A_448[%rev3A_457] in [0] : vector<16xf32>, vector<16xi32> -> vector<16xf32>
            %rev3A_459 = arith.constant 15 : i32
            %rev3A_460 = vector.broadcast %rev3A_459 : i32 to vector<16xi32>
            %rev3A_461 = tpu.iota {dimensions = array<i32: 0>} : vector<16xi32>
            %rev3A_462 = arith.subi %rev3A_460, %rev3A_461 : vector<16xi32>
            %rev3A_463 = tpu.dynamic_gather %masked_sort3A_449[%rev3A_462] in [0] : vector<16xi32>, vector<16xi32> -> vector<16xi32>
            %le3A_464 = arith.cmpf ole, %cond3A_360#0, %rev3A_458 : vector<16xf32>
            %select_n3A_465 = arith.select %le3A_464, %cond3A_360#0, %rev3A_458 : vector<16xi1>, vector<16xf32>
            %select_n3A_466 = arith.select %le3A_464, %cond3A_360#1, %rev3A_463 : vector<16xi1>, vector<16xi32>
            %select_n3A_467 = arith.select %le3A_464, %rev3A_458, %cond3A_360#0 : vector<16xi1>, vector<16xf32>
            %select_n3A_468 = arith.select %le3A_464, %rev3A_463, %cond3A_360#1 : vector<16xi1>, vector<16xi32>
            %masked_sort3A_469 = arith.constant dense<true> : vector<16xi1>
            %masked_sort3A_470, %masked_sort3A_471, %masked_sort3A_472 = tpu.sort %select_n3A_465, %select_n3A_466 masked %masked_sort3A_469 : (vector<16xf32>, vector<16xi32>, vector<16xi1>) -> (vector<16xi1>, vector<16xf32>, vector<16xi32>)
            %masked_sort3A_473 = arith.constant dense<true> : vector<16xi1>
            %masked_sort3A_474, %masked_sort3A_475, %masked_sort3A_476 = tpu.sort %select_n3A_467, %select_n3A_468 masked %masked_sort3A_473 : (vector<16xf32>, vector<16xi32>, vector<16xi1>) -> (vector<16xi1>, vector<16xf32>, vector<16xi32>)
            %reduce_max3A_477 = arith.constant true
            %reduce_max3A_478 = vector.broadcast %reduce_max3A_477 : i1 to vector<16xi1>
            %reduce_max3A_479 = tpu.scan <max>, %masked_sort3A_475 masked %reduce_max3A_478 : vector<16xf32>, vector<16xi1> -> vector<16xf32>
            %reduce_max3A_480 = vector.extract %reduce_max3A_479[15] : f32 from vector<16xf32>
            scf.yield %masked_sort3A_471, %masked_sort3A_472, %masked_sort3A_475, %masked_sort3A_476, %reduce_max3A_480 : vector<16xf32>, vector<16xi32>, vector<16xf32>, vector<16xi32>, f32
          } else {
            scf.yield %cond3A_360#0, %cond3A_360#1, %cond3A_360#2, %cond3A_360#3, %cond3A_360#4 : vector<16xf32>, vector<16xi32>, vector<16xf32>, vector<16xi32>, f32
          }
          %add3A_372 = arith.constant 3 : i32
          %add3A_373 = arith.addi %mul3A_76, %add3A_372 : i32
          %reduce_min3A_374 = arith.constant true
          %reduce_min3A_375 = vector.broadcast %reduce_min3A_374 : i1 to vector<16xi1>
          %reduce_min3A_376 = tpu.scan <min>, %add3A_196 masked %reduce_min3A_375 : vector<16xf32>, vector<16xi1> -> vector<16xf32>
          %reduce_min3A_377 = vector.extract %reduce_min3A_376[15] : f32 from vector<16xf32>
          %lt3A_378 = arith.cmpf olt, %reduce_min3A_377, %cond3A_371#4 : f32
          %convert_element_type3A_379 = arith.extui %lt3A_378 : i1 to i32
          %cond3A_380 = arith.constant 0 : i32
          %cond3A_381 = arith.cmpi ne, %convert_element_type3A_379, %cond3A_380 : i32
          %cond3A_382:5 = scf.if %cond3A_381 -> (vector<16xf32>, vector<16xi32>, vector<16xf32>, vector<16xi32>, f32) {
            %mul3A_427 = arith.constant 16 : i32
            %mul3A_428 = arith.muli %add3A_373, %mul3A_427 : i32
            %add3A_429 = vector.broadcast %mul3A_428 : i32 to vector<16xi32>
            %add3A_430 = arith.addi %iota3A, %add3A_429 : vector<16xi32>
            %masked_sort3A = arith.constant dense<true> : vector<16xi1>
            %masked_sort3A_431, %masked_sort3A_432, %masked_sort3A_433 = tpu.sort %add3A_196, %add3A_430 masked %masked_sort3A : (vector<16xf32>, vector<16xi32>, vector<16xi1>) -> (vector<16xi1>, vector<16xf32>, vector<16xi32>)
            %rev3A = arith.constant 15 : i32
            %rev3A_434 = vector.broadcast %rev3A : i32 to vector<16xi32>
            %rev3A_435 = tpu.iota {dimensions = array<i32: 0>} : vector<16xi32>
            %rev3A_436 = arith.subi %rev3A_434, %rev3A_435 : vector<16xi32>
            %rev3A_437 = tpu.dynamic_gather %masked_sort3A_432[%rev3A_436] in [0] : vector<16xf32>, vector<16xi32> -> vector<16xf32>
            %rev3A_438 = arith.constant 15 : i32
            %rev3A_439 = vector.broadcast %rev3A_438 : i32 to vector<16xi32>
            %rev3A_440 = tpu.iota {dimensions = array<i32: 0>} : vector<16xi32>
            %rev3A_441 = arith.subi %rev3A_439, %rev3A_440 : vector<16xi32>
            %rev3A_442 = tpu.dynamic_gather %masked_sort3A_433[%rev3A_441] in [0] : vector<16xi32>, vector<16xi32> -> vector<16xi32>
            %le3A = arith.cmpf ole, %cond3A_371#2, %rev3A_437 : vector<16xf32>
            %select_n3A = arith.select %le3A, %cond3A_371#2, %rev3A_437 : vector<16xi1>, vector<16xf32>
            %select_n3A_443 = arith.select %le3A, %cond3A_371#3, %rev3A_442 : vector<16xi1>, vector<16xi32>
            %select_n3A_444 = arith.select %le3A, %rev3A_437, %cond3A_371#2 : vector<16xi1>, vector<16xf32>
            %select_n3A_445 = arith.select %le3A, %rev3A_442, %cond3A_371#3 : vector<16xi1>, vector<16xi32>
            %masked_sort3A_446 = arith.constant dense<true> : vector<16xi1>
            %masked_sort3A_447, %masked_sort3A_448, %masked_sort3A_449 = tpu.sort %select_n3A, %select_n3A_443 masked %masked_sort3A_446 : (vector<16xf32>, vector<16xi32>, vector<16xi1>) -> (vector<16xi1>, vector<16xf32>, vector<16xi32>)
            %masked_sort3A_450 = arith.constant dense<true> : vector<16xi1>
            %masked_sort3A_451, %masked_sort3A_452, %masked_sort3A_453 = tpu.sort %select_n3A_444, %select_n3A_445 masked %masked_sort3A_450 : (vector<16xf32>, vector<16xi32>, vector<16xi1>) -> (vector<16xi1>, vector<16xf32>, vector<16xi32>)
            %rev3A_454 = arith.constant 15 : i32
            %rev3A_455 = vector.broadcast %rev3A_454 : i32 to vector<16xi32>
            %rev3A_456 = tpu.iota {dimensions = array<i32: 0>} : vector<16xi32>
            %rev3A_457 = arith.subi %rev3A_455, %rev3A_456 : vector<16xi32>
            %rev3A_458 = tpu.dynamic_gather %masked_sort3A_448[%rev3A_457] in [0] : vector<16xf32>, vector<16xi32> -> vector<16xf32>
            %rev3A_459 = arith.constant 15 : i32
            %rev3A_460 = vector.broadcast %rev3A_459 : i32 to vector<16xi32>
            %rev3A_461 = tpu.iota {dimensions = array<i32: 0>} : vector<16xi32>
            %rev3A_462 = arith.subi %rev3A_460, %rev3A_461 : vector<16xi32>
            %rev3A_463 = tpu.dynamic_gather %masked_sort3A_449[%rev3A_462] in [0] : vector<16xi32>, vector<16xi32> -> vector<16xi32>
            %le3A_464 = arith.cmpf ole, %cond3A_371#0, %rev3A_458 : vector<16xf32>
            %select_n3A_465 = arith.select %le3A_464, %cond3A_371#0, %rev3A_458 : vector<16xi1>, vector<16xf32>
            %select_n3A_466 = arith.select %le3A_464, %cond3A_371#1, %rev3A_463 : vector<16xi1>, vector<16xi32>
            %select_n3A_467 = arith.select %le3A_464, %rev3A_458, %cond3A_371#0 : vector<16xi1>, vector<16xf32>
            %select_n3A_468 = arith.select %le3A_464, %rev3A_463, %cond3A_371#1 : vector<16xi1>, vector<16xi32>
            %masked_sort3A_469 = arith.constant dense<true> : vector<16xi1>
            %masked_sort3A_470, %masked_sort3A_471, %masked_sort3A_472 = tpu.sort %select_n3A_465, %select_n3A_466 masked %masked_sort3A_469 : (vector<16xf32>, vector<16xi32>, vector<16xi1>) -> (vector<16xi1>, vector<16xf32>, vector<16xi32>)
            %masked_sort3A_473 = arith.constant dense<true> : vector<16xi1>
            %masked_sort3A_474, %masked_sort3A_475, %masked_sort3A_476 = tpu.sort %select_n3A_467, %select_n3A_468 masked %masked_sort3A_473 : (vector<16xf32>, vector<16xi32>, vector<16xi1>) -> (vector<16xi1>, vector<16xf32>, vector<16xi32>)
            %reduce_max3A_477 = arith.constant true
            %reduce_max3A_478 = vector.broadcast %reduce_max3A_477 : i1 to vector<16xi1>
            %reduce_max3A_479 = tpu.scan <max>, %masked_sort3A_475 masked %reduce_max3A_478 : vector<16xf32>, vector<16xi1> -> vector<16xf32>
            %reduce_max3A_480 = vector.extract %reduce_max3A_479[15] : f32 from vector<16xf32>
            scf.yield %masked_sort3A_471, %masked_sort3A_472, %masked_sort3A_475, %masked_sort3A_476, %reduce_max3A_480 : vector<16xf32>, vector<16xi32>, vector<16xf32>, vector<16xi32>, f32
          } else {
            scf.yield %cond3A_371#0, %cond3A_371#1, %cond3A_371#2, %cond3A_371#3, %cond3A_371#4 : vector<16xf32>, vector<16xi32>, vector<16xf32>, vector<16xi32>, f32
          }
          %add3A_383 = arith.constant 4 : i32
          %add3A_384 = arith.addi %mul3A_76, %add3A_383 : i32
          %reduce_min3A_385 = arith.constant true
          %reduce_min3A_386 = vector.broadcast %reduce_min3A_385 : i1 to vector<16xi1>
          %reduce_min3A_387 = tpu.scan <min>, %add3A_228 masked %reduce_min3A_386 : vector<16xf32>, vector<16xi1> -> vector<16xf32>
          %reduce_min3A_388 = vector.extract %reduce_min3A_387[15] : f32 from vector<16xf32>
          %lt3A_389 = arith.cmpf olt, %reduce_min3A_388, %cond3A_382#4 : f32
          %convert_element_type3A_390 = arith.extui %lt3A_389 : i1 to i32
          %cond3A_391 = arith.constant 0 : i32
          %cond3A_392 = arith.cmpi ne, %convert_element_type3A_390, %cond3A_391 : i32
          %cond3A_393:5 = scf.if %cond3A_392 -> (vector<16xf32>, vector<16xi32>, vector<16xf32>, vector<16xi32>, f32) {
            %mul3A_427 = arith.constant 16 : i32
            %mul3A_428 = arith.muli %add3A_384, %mul3A_427 : i32
            %add3A_429 = vector.broadcast %mul3A_428 : i32 to vector<16xi32>
            %add3A_430 = arith.addi %iota3A, %add3A_429 : vector<16xi32>
            %masked_sort3A = arith.constant dense<true> : vector<16xi1>
            %masked_sort3A_431, %masked_sort3A_432, %masked_sort3A_433 = tpu.sort %add3A_228, %add3A_430 masked %masked_sort3A : (vector<16xf32>, vector<16xi32>, vector<16xi1>) -> (vector<16xi1>, vector<16xf32>, vector<16xi32>)
            %rev3A = arith.constant 15 : i32
            %rev3A_434 = vector.broadcast %rev3A : i32 to vector<16xi32>
            %rev3A_435 = tpu.iota {dimensions = array<i32: 0>} : vector<16xi32>
            %rev3A_436 = arith.subi %rev3A_434, %rev3A_435 : vector<16xi32>
            %rev3A_437 = tpu.dynamic_gather %masked_sort3A_432[%rev3A_436] in [0] : vector<16xf32>, vector<16xi32> -> vector<16xf32>
            %rev3A_438 = arith.constant 15 : i32
            %rev3A_439 = vector.broadcast %rev3A_438 : i32 to vector<16xi32>
            %rev3A_440 = tpu.iota {dimensions = array<i32: 0>} : vector<16xi32>
            %rev3A_441 = arith.subi %rev3A_439, %rev3A_440 : vector<16xi32>
            %rev3A_442 = tpu.dynamic_gather %masked_sort3A_433[%rev3A_441] in [0] : vector<16xi32>, vector<16xi32> -> vector<16xi32>
            %le3A = arith.cmpf ole, %cond3A_382#2, %rev3A_437 : vector<16xf32>
            %select_n3A = arith.select %le3A, %cond3A_382#2, %rev3A_437 : vector<16xi1>, vector<16xf32>
            %select_n3A_443 = arith.select %le3A, %cond3A_382#3, %rev3A_442 : vector<16xi1>, vector<16xi32>
            %select_n3A_444 = arith.select %le3A, %rev3A_437, %cond3A_382#2 : vector<16xi1>, vector<16xf32>
            %select_n3A_445 = arith.select %le3A, %rev3A_442, %cond3A_382#3 : vector<16xi1>, vector<16xi32>
            %masked_sort3A_446 = arith.constant dense<true> : vector<16xi1>
            %masked_sort3A_447, %masked_sort3A_448, %masked_sort3A_449 = tpu.sort %select_n3A, %select_n3A_443 masked %masked_sort3A_446 : (vector<16xf32>, vector<16xi32>, vector<16xi1>) -> (vector<16xi1>, vector<16xf32>, vector<16xi32>)
            %masked_sort3A_450 = arith.constant dense<true> : vector<16xi1>
            %masked_sort3A_451, %masked_sort3A_452, %masked_sort3A_453 = tpu.sort %select_n3A_444, %select_n3A_445 masked %masked_sort3A_450 : (vector<16xf32>, vector<16xi32>, vector<16xi1>) -> (vector<16xi1>, vector<16xf32>, vector<16xi32>)
            %rev3A_454 = arith.constant 15 : i32
            %rev3A_455 = vector.broadcast %rev3A_454 : i32 to vector<16xi32>
            %rev3A_456 = tpu.iota {dimensions = array<i32: 0>} : vector<16xi32>
            %rev3A_457 = arith.subi %rev3A_455, %rev3A_456 : vector<16xi32>
            %rev3A_458 = tpu.dynamic_gather %masked_sort3A_448[%rev3A_457] in [0] : vector<16xf32>, vector<16xi32> -> vector<16xf32>
            %rev3A_459 = arith.constant 15 : i32
            %rev3A_460 = vector.broadcast %rev3A_459 : i32 to vector<16xi32>
            %rev3A_461 = tpu.iota {dimensions = array<i32: 0>} : vector<16xi32>
            %rev3A_462 = arith.subi %rev3A_460, %rev3A_461 : vector<16xi32>
            %rev3A_463 = tpu.dynamic_gather %masked_sort3A_449[%rev3A_462] in [0] : vector<16xi32>, vector<16xi32> -> vector<16xi32>
            %le3A_464 = arith.cmpf ole, %cond3A_382#0, %rev3A_458 : vector<16xf32>
            %select_n3A_465 = arith.select %le3A_464, %cond3A_382#0, %rev3A_458 : vector<16xi1>, vector<16xf32>
            %select_n3A_466 = arith.select %le3A_464, %cond3A_382#1, %rev3A_463 : vector<16xi1>, vector<16xi32>
            %select_n3A_467 = arith.select %le3A_464, %rev3A_458, %cond3A_382#0 : vector<16xi1>, vector<16xf32>
            %select_n3A_468 = arith.select %le3A_464, %rev3A_463, %cond3A_382#1 : vector<16xi1>, vector<16xi32>
            %masked_sort3A_469 = arith.constant dense<true> : vector<16xi1>
            %masked_sort3A_470, %masked_sort3A_471, %masked_sort3A_472 = tpu.sort %select_n3A_465, %select_n3A_466 masked %masked_sort3A_469 : (vector<16xf32>, vector<16xi32>, vector<16xi1>) -> (vector<16xi1>, vector<16xf32>, vector<16xi32>)
            %masked_sort3A_473 = arith.constant dense<true> : vector<16xi1>
            %masked_sort3A_474, %masked_sort3A_475, %masked_sort3A_476 = tpu.sort %select_n3A_467, %select_n3A_468 masked %masked_sort3A_473 : (vector<16xf32>, vector<16xi32>, vector<16xi1>) -> (vector<16xi1>, vector<16xf32>, vector<16xi32>)
            %reduce_max3A_477 = arith.constant true
            %reduce_max3A_478 = vector.broadcast %reduce_max3A_477 : i1 to vector<16xi1>
            %reduce_max3A_479 = tpu.scan <max>, %masked_sort3A_475 masked %reduce_max3A_478 : vector<16xf32>, vector<16xi1> -> vector<16xf32>
            %reduce_max3A_480 = vector.extract %reduce_max3A_479[15] : f32 from vector<16xf32>
            scf.yield %masked_sort3A_471, %masked_sort3A_472, %masked_sort3A_475, %masked_sort3A_476, %reduce_max3A_480 : vector<16xf32>, vector<16xi32>, vector<16xf32>, vector<16xi32>, f32
          } else {
            scf.yield %cond3A_382#0, %cond3A_382#1, %cond3A_382#2, %cond3A_382#3, %cond3A_382#4 : vector<16xf32>, vector<16xi32>, vector<16xf32>, vector<16xi32>, f32
          }
          %add3A_394 = arith.constant 5 : i32
          %add3A_395 = arith.addi %mul3A_76, %add3A_394 : i32
          %reduce_min3A_396 = arith.constant true
          %reduce_min3A_397 = vector.broadcast %reduce_min3A_396 : i1 to vector<16xi1>
          %reduce_min3A_398 = tpu.scan <min>, %add3A_260 masked %reduce_min3A_397 : vector<16xf32>, vector<16xi1> -> vector<16xf32>
          %reduce_min3A_399 = vector.extract %reduce_min3A_398[15] : f32 from vector<16xf32>
          %lt3A_400 = arith.cmpf olt, %reduce_min3A_399, %cond3A_393#4 : f32
          %convert_element_type3A_401 = arith.extui %lt3A_400 : i1 to i32
          %cond3A_402 = arith.constant 0 : i32
          %cond3A_403 = arith.cmpi ne, %convert_element_type3A_401, %cond3A_402 : i32
          %cond3A_404:5 = scf.if %cond3A_403 -> (vector<16xf32>, vector<16xi32>, vector<16xf32>, vector<16xi32>, f32) {
            %mul3A_427 = arith.constant 16 : i32
            %mul3A_428 = arith.muli %add3A_395, %mul3A_427 : i32
            %add3A_429 = vector.broadcast %mul3A_428 : i32 to vector<16xi32>
            %add3A_430 = arith.addi %iota3A, %add3A_429 : vector<16xi32>
            %masked_sort3A = arith.constant dense<true> : vector<16xi1>
            %masked_sort3A_431, %masked_sort3A_432, %masked_sort3A_433 = tpu.sort %add3A_260, %add3A_430 masked %masked_sort3A : (vector<16xf32>, vector<16xi32>, vector<16xi1>) -> (vector<16xi1>, vector<16xf32>, vector<16xi32>)
            %rev3A = arith.constant 15 : i32
            %rev3A_434 = vector.broadcast %rev3A : i32 to vector<16xi32>
            %rev3A_435 = tpu.iota {dimensions = array<i32: 0>} : vector<16xi32>
            %rev3A_436 = arith.subi %rev3A_434, %rev3A_435 : vector<16xi32>
            %rev3A_437 = tpu.dynamic_gather %masked_sort3A_432[%rev3A_436] in [0] : vector<16xf32>, vector<16xi32> -> vector<16xf32>
            %rev3A_438 = arith.constant 15 : i32
            %rev3A_439 = vector.broadcast %rev3A_438 : i32 to vector<16xi32>
            %rev3A_440 = tpu.iota {dimensions = array<i32: 0>} : vector<16xi32>
            %rev3A_441 = arith.subi %rev3A_439, %rev3A_440 : vector<16xi32>
            %rev3A_442 = tpu.dynamic_gather %masked_sort3A_433[%rev3A_441] in [0] : vector<16xi32>, vector<16xi32> -> vector<16xi32>
            %le3A = arith.cmpf ole, %cond3A_393#2, %rev3A_437 : vector<16xf32>
            %select_n3A = arith.select %le3A, %cond3A_393#2, %rev3A_437 : vector<16xi1>, vector<16xf32>
            %select_n3A_443 = arith.select %le3A, %cond3A_393#3, %rev3A_442 : vector<16xi1>, vector<16xi32>
            %select_n3A_444 = arith.select %le3A, %rev3A_437, %cond3A_393#2 : vector<16xi1>, vector<16xf32>
            %select_n3A_445 = arith.select %le3A, %rev3A_442, %cond3A_393#3 : vector<16xi1>, vector<16xi32>
            %masked_sort3A_446 = arith.constant dense<true> : vector<16xi1>
            %masked_sort3A_447, %masked_sort3A_448, %masked_sort3A_449 = tpu.sort %select_n3A, %select_n3A_443 masked %masked_sort3A_446 : (vector<16xf32>, vector<16xi32>, vector<16xi1>) -> (vector<16xi1>, vector<16xf32>, vector<16xi32>)
            %masked_sort3A_450 = arith.constant dense<true> : vector<16xi1>
            %masked_sort3A_451, %masked_sort3A_452, %masked_sort3A_453 = tpu.sort %select_n3A_444, %select_n3A_445 masked %masked_sort3A_450 : (vector<16xf32>, vector<16xi32>, vector<16xi1>) -> (vector<16xi1>, vector<16xf32>, vector<16xi32>)
            %rev3A_454 = arith.constant 15 : i32
            %rev3A_455 = vector.broadcast %rev3A_454 : i32 to vector<16xi32>
            %rev3A_456 = tpu.iota {dimensions = array<i32: 0>} : vector<16xi32>
            %rev3A_457 = arith.subi %rev3A_455, %rev3A_456 : vector<16xi32>
            %rev3A_458 = tpu.dynamic_gather %masked_sort3A_448[%rev3A_457] in [0] : vector<16xf32>, vector<16xi32> -> vector<16xf32>
            %rev3A_459 = arith.constant 15 : i32
            %rev3A_460 = vector.broadcast %rev3A_459 : i32 to vector<16xi32>
            %rev3A_461 = tpu.iota {dimensions = array<i32: 0>} : vector<16xi32>
            %rev3A_462 = arith.subi %rev3A_460, %rev3A_461 : vector<16xi32>
            %rev3A_463 = tpu.dynamic_gather %masked_sort3A_449[%rev3A_462] in [0] : vector<16xi32>, vector<16xi32> -> vector<16xi32>
            %le3A_464 = arith.cmpf ole, %cond3A_393#0, %rev3A_458 : vector<16xf32>
            %select_n3A_465 = arith.select %le3A_464, %cond3A_393#0, %rev3A_458 : vector<16xi1>, vector<16xf32>
            %select_n3A_466 = arith.select %le3A_464, %cond3A_393#1, %rev3A_463 : vector<16xi1>, vector<16xi32>
            %select_n3A_467 = arith.select %le3A_464, %rev3A_458, %cond3A_393#0 : vector<16xi1>, vector<16xf32>
            %select_n3A_468 = arith.select %le3A_464, %rev3A_463, %cond3A_393#1 : vector<16xi1>, vector<16xi32>
            %masked_sort3A_469 = arith.constant dense<true> : vector<16xi1>
            %masked_sort3A_470, %masked_sort3A_471, %masked_sort3A_472 = tpu.sort %select_n3A_465, %select_n3A_466 masked %masked_sort3A_469 : (vector<16xf32>, vector<16xi32>, vector<16xi1>) -> (vector<16xi1>, vector<16xf32>, vector<16xi32>)
            %masked_sort3A_473 = arith.constant dense<true> : vector<16xi1>
            %masked_sort3A_474, %masked_sort3A_475, %masked_sort3A_476 = tpu.sort %select_n3A_467, %select_n3A_468 masked %masked_sort3A_473 : (vector<16xf32>, vector<16xi32>, vector<16xi1>) -> (vector<16xi1>, vector<16xf32>, vector<16xi32>)
            %reduce_max3A_477 = arith.constant true
            %reduce_max3A_478 = vector.broadcast %reduce_max3A_477 : i1 to vector<16xi1>
            %reduce_max3A_479 = tpu.scan <max>, %masked_sort3A_475 masked %reduce_max3A_478 : vector<16xf32>, vector<16xi1> -> vector<16xf32>
            %reduce_max3A_480 = vector.extract %reduce_max3A_479[15] : f32 from vector<16xf32>
            scf.yield %masked_sort3A_471, %masked_sort3A_472, %masked_sort3A_475, %masked_sort3A_476, %reduce_max3A_480 : vector<16xf32>, vector<16xi32>, vector<16xf32>, vector<16xi32>, f32
          } else {
            scf.yield %cond3A_393#0, %cond3A_393#1, %cond3A_393#2, %cond3A_393#3, %cond3A_393#4 : vector<16xf32>, vector<16xi32>, vector<16xf32>, vector<16xi32>, f32
          }
          %add3A_405 = arith.constant 6 : i32
          %add3A_406 = arith.addi %mul3A_76, %add3A_405 : i32
          %reduce_min3A_407 = arith.constant true
          %reduce_min3A_408 = vector.broadcast %reduce_min3A_407 : i1 to vector<16xi1>
          %reduce_min3A_409 = tpu.scan <min>, %add3A_292 masked %reduce_min3A_408 : vector<16xf32>, vector<16xi1> -> vector<16xf32>
          %reduce_min3A_410 = vector.extract %reduce_min3A_409[15] : f32 from vector<16xf32>
          %lt3A_411 = arith.cmpf olt, %reduce_min3A_410, %cond3A_404#4 : f32
          %convert_element_type3A_412 = arith.extui %lt3A_411 : i1 to i32
          %cond3A_413 = arith.constant 0 : i32
          %cond3A_414 = arith.cmpi ne, %convert_element_type3A_412, %cond3A_413 : i32
          %cond3A_415:5 = scf.if %cond3A_414 -> (vector<16xf32>, vector<16xi32>, vector<16xf32>, vector<16xi32>, f32) {
            %mul3A_427 = arith.constant 16 : i32
            %mul3A_428 = arith.muli %add3A_406, %mul3A_427 : i32
            %add3A_429 = vector.broadcast %mul3A_428 : i32 to vector<16xi32>
            %add3A_430 = arith.addi %iota3A, %add3A_429 : vector<16xi32>
            %masked_sort3A = arith.constant dense<true> : vector<16xi1>
            %masked_sort3A_431, %masked_sort3A_432, %masked_sort3A_433 = tpu.sort %add3A_292, %add3A_430 masked %masked_sort3A : (vector<16xf32>, vector<16xi32>, vector<16xi1>) -> (vector<16xi1>, vector<16xf32>, vector<16xi32>)
            %rev3A = arith.constant 15 : i32
            %rev3A_434 = vector.broadcast %rev3A : i32 to vector<16xi32>
            %rev3A_435 = tpu.iota {dimensions = array<i32: 0>} : vector<16xi32>
            %rev3A_436 = arith.subi %rev3A_434, %rev3A_435 : vector<16xi32>
            %rev3A_437 = tpu.dynamic_gather %masked_sort3A_432[%rev3A_436] in [0] : vector<16xf32>, vector<16xi32> -> vector<16xf32>
            %rev3A_438 = arith.constant 15 : i32
            %rev3A_439 = vector.broadcast %rev3A_438 : i32 to vector<16xi32>
            %rev3A_440 = tpu.iota {dimensions = array<i32: 0>} : vector<16xi32>
            %rev3A_441 = arith.subi %rev3A_439, %rev3A_440 : vector<16xi32>
            %rev3A_442 = tpu.dynamic_gather %masked_sort3A_433[%rev3A_441] in [0] : vector<16xi32>, vector<16xi32> -> vector<16xi32>
            %le3A = arith.cmpf ole, %cond3A_404#2, %rev3A_437 : vector<16xf32>
            %select_n3A = arith.select %le3A, %cond3A_404#2, %rev3A_437 : vector<16xi1>, vector<16xf32>
            %select_n3A_443 = arith.select %le3A, %cond3A_404#3, %rev3A_442 : vector<16xi1>, vector<16xi32>
            %select_n3A_444 = arith.select %le3A, %rev3A_437, %cond3A_404#2 : vector<16xi1>, vector<16xf32>
            %select_n3A_445 = arith.select %le3A, %rev3A_442, %cond3A_404#3 : vector<16xi1>, vector<16xi32>
            %masked_sort3A_446 = arith.constant dense<true> : vector<16xi1>
            %masked_sort3A_447, %masked_sort3A_448, %masked_sort3A_449 = tpu.sort %select_n3A, %select_n3A_443 masked %masked_sort3A_446 : (vector<16xf32>, vector<16xi32>, vector<16xi1>) -> (vector<16xi1>, vector<16xf32>, vector<16xi32>)
            %masked_sort3A_450 = arith.constant dense<true> : vector<16xi1>
            %masked_sort3A_451, %masked_sort3A_452, %masked_sort3A_453 = tpu.sort %select_n3A_444, %select_n3A_445 masked %masked_sort3A_450 : (vector<16xf32>, vector<16xi32>, vector<16xi1>) -> (vector<16xi1>, vector<16xf32>, vector<16xi32>)
            %rev3A_454 = arith.constant 15 : i32
            %rev3A_455 = vector.broadcast %rev3A_454 : i32 to vector<16xi32>
            %rev3A_456 = tpu.iota {dimensions = array<i32: 0>} : vector<16xi32>
            %rev3A_457 = arith.subi %rev3A_455, %rev3A_456 : vector<16xi32>
            %rev3A_458 = tpu.dynamic_gather %masked_sort3A_448[%rev3A_457] in [0] : vector<16xf32>, vector<16xi32> -> vector<16xf32>
            %rev3A_459 = arith.constant 15 : i32
            %rev3A_460 = vector.broadcast %rev3A_459 : i32 to vector<16xi32>
            %rev3A_461 = tpu.iota {dimensions = array<i32: 0>} : vector<16xi32>
            %rev3A_462 = arith.subi %rev3A_460, %rev3A_461 : vector<16xi32>
            %rev3A_463 = tpu.dynamic_gather %masked_sort3A_449[%rev3A_462] in [0] : vector<16xi32>, vector<16xi32> -> vector<16xi32>
            %le3A_464 = arith.cmpf ole, %cond3A_404#0, %rev3A_458 : vector<16xf32>
            %select_n3A_465 = arith.select %le3A_464, %cond3A_404#0, %rev3A_458 : vector<16xi1>, vector<16xf32>
            %select_n3A_466 = arith.select %le3A_464, %cond3A_404#1, %rev3A_463 : vector<16xi1>, vector<16xi32>
            %select_n3A_467 = arith.select %le3A_464, %rev3A_458, %cond3A_404#0 : vector<16xi1>, vector<16xf32>
            %select_n3A_468 = arith.select %le3A_464, %rev3A_463, %cond3A_404#1 : vector<16xi1>, vector<16xi32>
            %masked_sort3A_469 = arith.constant dense<true> : vector<16xi1>
            %masked_sort3A_470, %masked_sort3A_471, %masked_sort3A_472 = tpu.sort %select_n3A_465, %select_n3A_466 masked %masked_sort3A_469 : (vector<16xf32>, vector<16xi32>, vector<16xi1>) -> (vector<16xi1>, vector<16xf32>, vector<16xi32>)
            %masked_sort3A_473 = arith.constant dense<true> : vector<16xi1>
            %masked_sort3A_474, %masked_sort3A_475, %masked_sort3A_476 = tpu.sort %select_n3A_467, %select_n3A_468 masked %masked_sort3A_473 : (vector<16xf32>, vector<16xi32>, vector<16xi1>) -> (vector<16xi1>, vector<16xf32>, vector<16xi32>)
            %reduce_max3A_477 = arith.constant true
            %reduce_max3A_478 = vector.broadcast %reduce_max3A_477 : i1 to vector<16xi1>
            %reduce_max3A_479 = tpu.scan <max>, %masked_sort3A_475 masked %reduce_max3A_478 : vector<16xf32>, vector<16xi1> -> vector<16xf32>
            %reduce_max3A_480 = vector.extract %reduce_max3A_479[15] : f32 from vector<16xf32>
            scf.yield %masked_sort3A_471, %masked_sort3A_472, %masked_sort3A_475, %masked_sort3A_476, %reduce_max3A_480 : vector<16xf32>, vector<16xi32>, vector<16xf32>, vector<16xi32>, f32
          } else {
            scf.yield %cond3A_404#0, %cond3A_404#1, %cond3A_404#2, %cond3A_404#3, %cond3A_404#4 : vector<16xf32>, vector<16xi32>, vector<16xf32>, vector<16xi32>, f32
          }
          %add3A_416 = arith.constant 7 : i32
          %add3A_417 = arith.addi %mul3A_76, %add3A_416 : i32
          %reduce_min3A_418 = arith.constant true
          %reduce_min3A_419 = vector.broadcast %reduce_min3A_418 : i1 to vector<16xi1>
          %reduce_min3A_420 = tpu.scan <min>, %add3A_324 masked %reduce_min3A_419 : vector<16xf32>, vector<16xi1> -> vector<16xf32>
          %reduce_min3A_421 = vector.extract %reduce_min3A_420[15] : f32 from vector<16xf32>
          %lt3A_422 = arith.cmpf olt, %reduce_min3A_421, %cond3A_415#4 : f32
          %convert_element_type3A_423 = arith.extui %lt3A_422 : i1 to i32
          %cond3A_424 = arith.constant 0 : i32
          %cond3A_425 = arith.cmpi ne, %convert_element_type3A_423, %cond3A_424 : i32
          %cond3A_426:5 = scf.if %cond3A_425 -> (vector<16xf32>, vector<16xi32>, vector<16xf32>, vector<16xi32>, f32) {
            %mul3A_427 = arith.constant 16 : i32
            %mul3A_428 = arith.muli %add3A_417, %mul3A_427 : i32
            %add3A_429 = vector.broadcast %mul3A_428 : i32 to vector<16xi32>
            %add3A_430 = arith.addi %iota3A, %add3A_429 : vector<16xi32>
            %masked_sort3A = arith.constant dense<true> : vector<16xi1>
            %masked_sort3A_431, %masked_sort3A_432, %masked_sort3A_433 = tpu.sort %add3A_324, %add3A_430 masked %masked_sort3A : (vector<16xf32>, vector<16xi32>, vector<16xi1>) -> (vector<16xi1>, vector<16xf32>, vector<16xi32>)
            %rev3A = arith.constant 15 : i32
            %rev3A_434 = vector.broadcast %rev3A : i32 to vector<16xi32>
            %rev3A_435 = tpu.iota {dimensions = array<i32: 0>} : vector<16xi32>
            %rev3A_436 = arith.subi %rev3A_434, %rev3A_435 : vector<16xi32>
            %rev3A_437 = tpu.dynamic_gather %masked_sort3A_432[%rev3A_436] in [0] : vector<16xf32>, vector<16xi32> -> vector<16xf32>
            %rev3A_438 = arith.constant 15 : i32
            %rev3A_439 = vector.broadcast %rev3A_438 : i32 to vector<16xi32>
            %rev3A_440 = tpu.iota {dimensions = array<i32: 0>} : vector<16xi32>
            %rev3A_441 = arith.subi %rev3A_439, %rev3A_440 : vector<16xi32>
            %rev3A_442 = tpu.dynamic_gather %masked_sort3A_433[%rev3A_441] in [0] : vector<16xi32>, vector<16xi32> -> vector<16xi32>
            %le3A = arith.cmpf ole, %cond3A_415#2, %rev3A_437 : vector<16xf32>
            %select_n3A = arith.select %le3A, %cond3A_415#2, %rev3A_437 : vector<16xi1>, vector<16xf32>
            %select_n3A_443 = arith.select %le3A, %cond3A_415#3, %rev3A_442 : vector<16xi1>, vector<16xi32>
            %select_n3A_444 = arith.select %le3A, %rev3A_437, %cond3A_415#2 : vector<16xi1>, vector<16xf32>
            %select_n3A_445 = arith.select %le3A, %rev3A_442, %cond3A_415#3 : vector<16xi1>, vector<16xi32>
            %masked_sort3A_446 = arith.constant dense<true> : vector<16xi1>
            %masked_sort3A_447, %masked_sort3A_448, %masked_sort3A_449 = tpu.sort %select_n3A, %select_n3A_443 masked %masked_sort3A_446 : (vector<16xf32>, vector<16xi32>, vector<16xi1>) -> (vector<16xi1>, vector<16xf32>, vector<16xi32>)
            %masked_sort3A_450 = arith.constant dense<true> : vector<16xi1>
            %masked_sort3A_451, %masked_sort3A_452, %masked_sort3A_453 = tpu.sort %select_n3A_444, %select_n3A_445 masked %masked_sort3A_450 : (vector<16xf32>, vector<16xi32>, vector<16xi1>) -> (vector<16xi1>, vector<16xf32>, vector<16xi32>)
            %rev3A_454 = arith.constant 15 : i32
            %rev3A_455 = vector.broadcast %rev3A_454 : i32 to vector<16xi32>
            %rev3A_456 = tpu.iota {dimensions = array<i32: 0>} : vector<16xi32>
            %rev3A_457 = arith.subi %rev3A_455, %rev3A_456 : vector<16xi32>
            %rev3A_458 = tpu.dynamic_gather %masked_sort3A_448[%rev3A_457] in [0] : vector<16xf32>, vector<16xi32> -> vector<16xf32>
            %rev3A_459 = arith.constant 15 : i32
            %rev3A_460 = vector.broadcast %rev3A_459 : i32 to vector<16xi32>
            %rev3A_461 = tpu.iota {dimensions = array<i32: 0>} : vector<16xi32>
            %rev3A_462 = arith.subi %rev3A_460, %rev3A_461 : vector<16xi32>
            %rev3A_463 = tpu.dynamic_gather %masked_sort3A_449[%rev3A_462] in [0] : vector<16xi32>, vector<16xi32> -> vector<16xi32>
            %le3A_464 = arith.cmpf ole, %cond3A_415#0, %rev3A_458 : vector<16xf32>
            %select_n3A_465 = arith.select %le3A_464, %cond3A_415#0, %rev3A_458 : vector<16xi1>, vector<16xf32>
            %select_n3A_466 = arith.select %le3A_464, %cond3A_415#1, %rev3A_463 : vector<16xi1>, vector<16xi32>
            %select_n3A_467 = arith.select %le3A_464, %rev3A_458, %cond3A_415#0 : vector<16xi1>, vector<16xf32>
            %select_n3A_468 = arith.select %le3A_464, %rev3A_463, %cond3A_415#1 : vector<16xi1>, vector<16xi32>
            %masked_sort3A_469 = arith.constant dense<true> : vector<16xi1>
            %masked_sort3A_470, %masked_sort3A_471, %masked_sort3A_472 = tpu.sort %select_n3A_465, %select_n3A_466 masked %masked_sort3A_469 : (vector<16xf32>, vector<16xi32>, vector<16xi1>) -> (vector<16xi1>, vector<16xf32>, vector<16xi32>)
            %masked_sort3A_473 = arith.constant dense<true> : vector<16xi1>
            %masked_sort3A_474, %masked_sort3A_475, %masked_sort3A_476 = tpu.sort %select_n3A_467, %select_n3A_468 masked %masked_sort3A_473 : (vector<16xf32>, vector<16xi32>, vector<16xi1>) -> (vector<16xi1>, vector<16xf32>, vector<16xi32>)
            %reduce_max3A_477 = arith.constant true
            %reduce_max3A_478 = vector.broadcast %reduce_max3A_477 : i1 to vector<16xi1>
            %reduce_max3A_479 = tpu.scan <max>, %masked_sort3A_475 masked %reduce_max3A_478 : vector<16xf32>, vector<16xi1> -> vector<16xf32>
            %reduce_max3A_480 = vector.extract %reduce_max3A_479[15] : f32 from vector<16xf32>
            scf.yield %masked_sort3A_471, %masked_sort3A_472, %masked_sort3A_475, %masked_sort3A_476, %reduce_max3A_480 : vector<16xf32>, vector<16xi32>, vector<16xf32>, vector<16xi32>, f32
          } else {
            scf.yield %cond3A_415#0, %cond3A_415#1, %cond3A_415#2, %cond3A_415#3, %cond3A_415#4 : vector<16xf32>, vector<16xi32>, vector<16xf32>, vector<16xi32>, f32
          }
          scf.yield %cond3A_426#0, %cond3A_426#1, %cond3A_426#2, %cond3A_426#3, %cond3A_426#4 : vector<16xf32>, vector<16xi32>, vector<16xf32>, vector<16xi32>, f32
        } else {
          scf.yield %while3A_70, %while3A_71, %while3A_72, %while3A_73, %while3A_74 : vector<16xf32>, vector<16xi32>, vector<16xf32>, vector<16xi32>, f32
        }
        %gt3A = arith.cmpf ogt, %reduce_min3A_334, %cond3A_336#4 : f32
        %add3A_337 = arith.constant 1 : i32
        %add3A_338 = arith.addi %while3A_68, %add3A_337 : i32
        scf.yield %add3A_338, %gt3A, %cond3A_336#0, %cond3A_336#1, %cond3A_336#2, %cond3A_336#3, %cond3A_336#4 : i32, i1, vector<16xf32>, vector<16xi32>, vector<16xf32>, vector<16xi32>, f32
      }
      %sub3A = arith.constant 1 : i32
      %sub3A_55 = arith.subi %reduce_max3A_46, %sub3A : i32
      %while3A_56 = arith.constant false
      %while3A_57:7 = scf.while (%while3A_68 = %sub3A_55, %while3A_69 = %while3A_56, %while3A_70 = %while3A_54#2, %while3A_71 = %while3A_54#3, %while3A_72 = %while3A_54#4, %while3A_73 = %while3A_54#5, %while3A_74 = %while3A_54#6) : (i32, i1, vector<16xf32>, vector<16xi32>, vector<16xf32>, vector<16xi32>, f32) -> (i32, i1, vector<16xf32>, vector<16xi32>, vector<16xf32>, vector<16xi32>, f32) {
        %ge3A = arith.constant 0 : i32
        %ge3A_75 = arith.cmpi sge, %while3A_68, %ge3A : i32
        %not3A = arith.constant true
        %not3A_76 = arith.xori %while3A_69, %not3A : i1
        %and3A = arith.andi %ge3A_75, %not3A_76 : i1
        scf.condition(%and3A) %while3A_68, %while3A_69, %while3A_70, %while3A_71, %while3A_72, %while3A_73, %while3A_74 : i32, i1, vector<16xf32>, vector<16xi32>, vector<16xf32>, vector<16xi32>, f32
      } do {
      ^bb0(%while3A_68: i32, %while3A_69: i1, %while3A_70: vector<16xf32>, %while3A_71: vector<16xi32>, %while3A_72: vector<16xf32>, %while3A_73: vector<16xi32>, %while3A_74: f32):
        %mul3A_75 = arith.constant 8 : i32
        %mul3A_76 = arith.muli %while3A_68, %mul3A_75 : i32
        %add3A_77 = arith.constant 0 : i32
        %add3A_78 = arith.addi %mul3A_76, %add3A_77 : i32
        %mul3A_79 = arith.constant 16 : i32
        %mul3A_80 = arith.muli %add3A_78, %mul3A_79 : i32
        %get3A_81 = arith.index_cast %mul3A_80 : i32 to index
        %get3A_82 = tpu.vector_load %arg15[%get3A_81] {strides = array<i32>} : memref<10112xf32, #tpu.memory_space<vmem>>, vector<16xf32>,
        %sub3A_83 = arith.subf %get3A_82, %get3A_27 : vector<16xf32>
        %mul3A_84 = arith.constant 16 : i32
        %mul3A_85 = arith.muli %add3A_78, %mul3A_84 : i32
        %get3A_86 = arith.index_cast %mul3A_85 : i32 to index
        %get3A_87 = tpu.vector_load %arg16[%get3A_86] {strides = array<i32>} : memref<10112xf32, #tpu.memory_space<vmem>>, vector<16xf32>,
        %sub3A_88 = arith.subf %get3A_87, %get3A_31 : vector<16xf32>
        %mul3A_89 = arith.constant 16 : i32
        %mul3A_90 = arith.muli %add3A_78, %mul3A_89 : i32
        %get3A_91 = arith.index_cast %mul3A_90 : i32 to index
        %get3A_92 = tpu.vector_load %arg17[%get3A_91] {strides = array<i32>} : memref<10112xf32, #tpu.memory_space<vmem>>, vector<16xf32>,
        %sub3A_93 = arith.subf %get3A_92, %get3A_35 : vector<16xf32>
        %abs3A = math.absf %sub3A_83 : vector<16xf32>
        %sub3A_94 = arith.constant 3.906250e-03 : f32
        %sub3A_95 = vector.broadcast %sub3A_94 : f32 to vector<16xf32>
        %sub3A_96 = arith.subf %abs3A, %sub3A_95 : vector<16xf32>
        %max3A = arith.constant 0.000000e+00 : f32
        %max3A_97 = vector.broadcast %max3A : f32 to vector<16xf32>
        %max3A_98 = arith.maximumf %sub3A_96, %max3A_97 : vector<16xf32>
        %mul3A_99 = arith.mulf %sub3A_83, %sub3A_83 : vector<16xf32>
        %mul3A_100 = arith.mulf %sub3A_88, %sub3A_88 : vector<16xf32>
        %add3A_101 = arith.addf %mul3A_99, %mul3A_100 : vector<16xf32>
        %mul3A_102 = arith.mulf %sub3A_93, %sub3A_93 : vector<16xf32>
        %add3A_103 = arith.addf %add3A_101, %mul3A_102 : vector<16xf32>
        %mul3A_104 = arith.mulf %max3A_98, %max3A_98 : vector<16xf32>
        %add3A_105 = arith.constant 1 : i32
        %add3A_106 = arith.addi %mul3A_76, %add3A_105 : i32
        %mul3A_107 = arith.constant 16 : i32
        %mul3A_108 = arith.muli %add3A_106, %mul3A_107 : i32
        %get3A_109 = arith.index_cast %mul3A_108 : i32 to index
        %get3A_110 = tpu.vector_load %arg15[%get3A_109] {strides = array<i32>} : memref<10112xf32, #tpu.memory_space<vmem>>, vector<16xf32>,
        %sub3A_111 = arith.subf %get3A_110, %get3A_27 : vector<16xf32>
        %mul3A_112 = arith.constant 16 : i32
        %mul3A_113 = arith.muli %add3A_106, %mul3A_112 : i32
        %get3A_114 = arith.index_cast %mul3A_113 : i32 to index
        %get3A_115 = tpu.vector_load %arg16[%get3A_114] {strides = array<i32>} : memref<10112xf32, #tpu.memory_space<vmem>>, vector<16xf32>,
        %sub3A_116 = arith.subf %get3A_115, %get3A_31 : vector<16xf32>
        %mul3A_117 = arith.constant 16 : i32
        %mul3A_118 = arith.muli %add3A_106, %mul3A_117 : i32
        %get3A_119 = arith.index_cast %mul3A_118 : i32 to index
        %get3A_120 = tpu.vector_load %arg17[%get3A_119] {strides = array<i32>} : memref<10112xf32, #tpu.memory_space<vmem>>, vector<16xf32>,
        %sub3A_121 = arith.subf %get3A_120, %get3A_35 : vector<16xf32>
        %abs3A_122 = math.absf %sub3A_111 : vector<16xf32>
        %sub3A_123 = arith.constant 3.906250e-03 : f32
        %sub3A_124 = vector.broadcast %sub3A_123 : f32 to vector<16xf32>
        %sub3A_125 = arith.subf %abs3A_122, %sub3A_124 : vector<16xf32>
        %max3A_126 = arith.constant 0.000000e+00 : f32
        %max3A_127 = vector.broadcast %max3A_126 : f32 to vector<16xf32>
        %max3A_128 = arith.maximumf %sub3A_125, %max3A_127 : vector<16xf32>
        %mul3A_129 = arith.mulf %sub3A_111, %sub3A_111 : vector<16xf32>
        %mul3A_130 = arith.mulf %sub3A_116, %sub3A_116 : vector<16xf32>
        %add3A_131 = arith.addf %mul3A_129, %mul3A_130 : vector<16xf32>
        %mul3A_132 = arith.mulf %sub3A_121, %sub3A_121 : vector<16xf32>
        %add3A_133 = arith.addf %add3A_131, %mul3A_132 : vector<16xf32>
        %mul3A_134 = arith.mulf %max3A_128, %max3A_128 : vector<16xf32>
        %min3A = arith.minimumf %add3A_103, %add3A_133 : vector<16xf32>
        %min3A_135 = arith.minimumf %mul3A_104, %mul3A_134 : vector<16xf32>
        %add3A_136 = arith.constant 2 : i32
        %add3A_137 = arith.addi %mul3A_76, %add3A_136 : i32
        %mul3A_138 = arith.constant 16 : i32
        %mul3A_139 = arith.muli %add3A_137, %mul3A_138 : i32
        %get3A_140 = arith.index_cast %mul3A_139 : i32 to index
        %get3A_141 = tpu.vector_load %arg15[%get3A_140] {strides = array<i32>} : memref<10112xf32, #tpu.memory_space<vmem>>, vector<16xf32>,
        %sub3A_142 = arith.subf %get3A_141, %get3A_27 : vector<16xf32>
        %mul3A_143 = arith.constant 16 : i32
        %mul3A_144 = arith.muli %add3A_137, %mul3A_143 : i32
        %get3A_145 = arith.index_cast %mul3A_144 : i32 to index
        %get3A_146 = tpu.vector_load %arg16[%get3A_145] {strides = array<i32>} : memref<10112xf32, #tpu.memory_space<vmem>>, vector<16xf32>,
        %sub3A_147 = arith.subf %get3A_146, %get3A_31 : vector<16xf32>
        %mul3A_148 = arith.constant 16 : i32
        %mul3A_149 = arith.muli %add3A_137, %mul3A_148 : i32
        %get3A_150 = arith.index_cast %mul3A_149 : i32 to index
        %get3A_151 = tpu.vector_load %arg17[%get3A_150] {strides = array<i32>} : memref<10112xf32, #tpu.memory_space<vmem>>, vector<16xf32>,
        %sub3A_152 = arith.subf %get3A_151, %get3A_35 : vector<16xf32>
        %abs3A_153 = math.absf %sub3A_142 : vector<16xf32>
        %sub3A_154 = arith.constant 3.906250e-03 : f32
        %sub3A_155 = vector.broadcast %sub3A_154 : f32 to vector<16xf32>
        %sub3A_156 = arith.subf %abs3A_153, %sub3A_155 : vector<16xf32>
        %max3A_157 = arith.constant 0.000000e+00 : f32
        %max3A_158 = vector.broadcast %max3A_157 : f32 to vector<16xf32>
        %max3A_159 = arith.maximumf %sub3A_156, %max3A_158 : vector<16xf32>
        %mul3A_160 = arith.mulf %sub3A_142, %sub3A_142 : vector<16xf32>
        %mul3A_161 = arith.mulf %sub3A_147, %sub3A_147 : vector<16xf32>
        %add3A_162 = arith.addf %mul3A_160, %mul3A_161 : vector<16xf32>
        %mul3A_163 = arith.mulf %sub3A_152, %sub3A_152 : vector<16xf32>
        %add3A_164 = arith.addf %add3A_162, %mul3A_163 : vector<16xf32>
        %mul3A_165 = arith.mulf %max3A_159, %max3A_159 : vector<16xf32>
        %min3A_166 = arith.minimumf %min3A, %add3A_164 : vector<16xf32>
        %min3A_167 = arith.minimumf %min3A_135, %mul3A_165 : vector<16xf32>
        %add3A_168 = arith.constant 3 : i32
        %add3A_169 = arith.addi %mul3A_76, %add3A_168 : i32
        %mul3A_170 = arith.constant 16 : i32
        %mul3A_171 = arith.muli %add3A_169, %mul3A_170 : i32
        %get3A_172 = arith.index_cast %mul3A_171 : i32 to index
        %get3A_173 = tpu.vector_load %arg15[%get3A_172] {strides = array<i32>} : memref<10112xf32, #tpu.memory_space<vmem>>, vector<16xf32>,
        %sub3A_174 = arith.subf %get3A_173, %get3A_27 : vector<16xf32>
        %mul3A_175 = arith.constant 16 : i32
        %mul3A_176 = arith.muli %add3A_169, %mul3A_175 : i32
        %get3A_177 = arith.index_cast %mul3A_176 : i32 to index
        %get3A_178 = tpu.vector_load %arg16[%get3A_177] {strides = array<i32>} : memref<10112xf32, #tpu.memory_space<vmem>>, vector<16xf32>,
        %sub3A_179 = arith.subf %get3A_178, %get3A_31 : vector<16xf32>
        %mul3A_180 = arith.constant 16 : i32
        %mul3A_181 = arith.muli %add3A_169, %mul3A_180 : i32
        %get3A_182 = arith.index_cast %mul3A_181 : i32 to index
        %get3A_183 = tpu.vector_load %arg17[%get3A_182] {strides = array<i32>} : memref<10112xf32, #tpu.memory_space<vmem>>, vector<16xf32>,
        %sub3A_184 = arith.subf %get3A_183, %get3A_35 : vector<16xf32>
        %abs3A_185 = math.absf %sub3A_174 : vector<16xf32>
        %sub3A_186 = arith.constant 3.906250e-03 : f32
        %sub3A_187 = vector.broadcast %sub3A_186 : f32 to vector<16xf32>
        %sub3A_188 = arith.subf %abs3A_185, %sub3A_187 : vector<16xf32>
        %max3A_189 = arith.constant 0.000000e+00 : f32
        %max3A_190 = vector.broadcast %max3A_189 : f32 to vector<16xf32>
        %max3A_191 = arith.maximumf %sub3A_188, %max3A_190 : vector<16xf32>
        %mul3A_192 = arith.mulf %sub3A_174, %sub3A_174 : vector<16xf32>
        %mul3A_193 = arith.mulf %sub3A_179, %sub3A_179 : vector<16xf32>
        %add3A_194 = arith.addf %mul3A_192, %mul3A_193 : vector<16xf32>
        %mul3A_195 = arith.mulf %sub3A_184, %sub3A_184 : vector<16xf32>
        %add3A_196 = arith.addf %add3A_194, %mul3A_195 : vector<16xf32>
        %mul3A_197 = arith.mulf %max3A_191, %max3A_191 : vector<16xf32>
        %min3A_198 = arith.minimumf %min3A_166, %add3A_196 : vector<16xf32>
        %min3A_199 = arith.minimumf %min3A_167, %mul3A_197 : vector<16xf32>
        %add3A_200 = arith.constant 4 : i32
        %add3A_201 = arith.addi %mul3A_76, %add3A_200 : i32
        %mul3A_202 = arith.constant 16 : i32
        %mul3A_203 = arith.muli %add3A_201, %mul3A_202 : i32
        %get3A_204 = arith.index_cast %mul3A_203 : i32 to index
        %get3A_205 = tpu.vector_load %arg15[%get3A_204] {strides = array<i32>} : memref<10112xf32, #tpu.memory_space<vmem>>, vector<16xf32>,
        %sub3A_206 = arith.subf %get3A_205, %get3A_27 : vector<16xf32>
        %mul3A_207 = arith.constant 16 : i32
        %mul3A_208 = arith.muli %add3A_201, %mul3A_207 : i32
        %get3A_209 = arith.index_cast %mul3A_208 : i32 to index
        %get3A_210 = tpu.vector_load %arg16[%get3A_209] {strides = array<i32>} : memref<10112xf32, #tpu.memory_space<vmem>>, vector<16xf32>,
        %sub3A_211 = arith.subf %get3A_210, %get3A_31 : vector<16xf32>
        %mul3A_212 = arith.constant 16 : i32
        %mul3A_213 = arith.muli %add3A_201, %mul3A_212 : i32
        %get3A_214 = arith.index_cast %mul3A_213 : i32 to index
        %get3A_215 = tpu.vector_load %arg17[%get3A_214] {strides = array<i32>} : memref<10112xf32, #tpu.memory_space<vmem>>, vector<16xf32>,
        %sub3A_216 = arith.subf %get3A_215, %get3A_35 : vector<16xf32>
        %abs3A_217 = math.absf %sub3A_206 : vector<16xf32>
        %sub3A_218 = arith.constant 3.906250e-03 : f32
        %sub3A_219 = vector.broadcast %sub3A_218 : f32 to vector<16xf32>
        %sub3A_220 = arith.subf %abs3A_217, %sub3A_219 : vector<16xf32>
        %max3A_221 = arith.constant 0.000000e+00 : f32
        %max3A_222 = vector.broadcast %max3A_221 : f32 to vector<16xf32>
        %max3A_223 = arith.maximumf %sub3A_220, %max3A_222 : vector<16xf32>
        %mul3A_224 = arith.mulf %sub3A_206, %sub3A_206 : vector<16xf32>
        %mul3A_225 = arith.mulf %sub3A_211, %sub3A_211 : vector<16xf32>
        %add3A_226 = arith.addf %mul3A_224, %mul3A_225 : vector<16xf32>
        %mul3A_227 = arith.mulf %sub3A_216, %sub3A_216 : vector<16xf32>
        %add3A_228 = arith.addf %add3A_226, %mul3A_227 : vector<16xf32>
        %mul3A_229 = arith.mulf %max3A_223, %max3A_223 : vector<16xf32>
        %min3A_230 = arith.minimumf %min3A_198, %add3A_228 : vector<16xf32>
        %min3A_231 = arith.minimumf %min3A_199, %mul3A_229 : vector<16xf32>
        %add3A_232 = arith.constant 5 : i32
        %add3A_233 = arith.addi %mul3A_76, %add3A_232 : i32
        %mul3A_234 = arith.constant 16 : i32
        %mul3A_235 = arith.muli %add3A_233, %mul3A_234 : i32
        %get3A_236 = arith.index_cast %mul3A_235 : i32 to index
        %get3A_237 = tpu.vector_load %arg15[%get3A_236] {strides = array<i32>} : memref<10112xf32, #tpu.memory_space<vmem>>, vector<16xf32>,
        %sub3A_238 = arith.subf %get3A_237, %get3A_27 : vector<16xf32>
        %mul3A_239 = arith.constant 16 : i32
        %mul3A_240 = arith.muli %add3A_233, %mul3A_239 : i32
        %get3A_241 = arith.index_cast %mul3A_240 : i32 to index
        %get3A_242 = tpu.vector_load %arg16[%get3A_241] {strides = array<i32>} : memref<10112xf32, #tpu.memory_space<vmem>>, vector<16xf32>,
        %sub3A_243 = arith.subf %get3A_242, %get3A_31 : vector<16xf32>
        %mul3A_244 = arith.constant 16 : i32
        %mul3A_245 = arith.muli %add3A_233, %mul3A_244 : i32
        %get3A_246 = arith.index_cast %mul3A_245 : i32 to index
        %get3A_247 = tpu.vector_load %arg17[%get3A_246] {strides = array<i32>} : memref<10112xf32, #tpu.memory_space<vmem>>, vector<16xf32>,
        %sub3A_248 = arith.subf %get3A_247, %get3A_35 : vector<16xf32>
        %abs3A_249 = math.absf %sub3A_238 : vector<16xf32>
        %sub3A_250 = arith.constant 3.906250e-03 : f32
        %sub3A_251 = vector.broadcast %sub3A_250 : f32 to vector<16xf32>
        %sub3A_252 = arith.subf %abs3A_249, %sub3A_251 : vector<16xf32>
        %max3A_253 = arith.constant 0.000000e+00 : f32
        %max3A_254 = vector.broadcast %max3A_253 : f32 to vector<16xf32>
        %max3A_255 = arith.maximumf %sub3A_252, %max3A_254 : vector<16xf32>
        %mul3A_256 = arith.mulf %sub3A_238, %sub3A_238 : vector<16xf32>
        %mul3A_257 = arith.mulf %sub3A_243, %sub3A_243 : vector<16xf32>
        %add3A_258 = arith.addf %mul3A_256, %mul3A_257 : vector<16xf32>
        %mul3A_259 = arith.mulf %sub3A_248, %sub3A_248 : vector<16xf32>
        %add3A_260 = arith.addf %add3A_258, %mul3A_259 : vector<16xf32>
        %mul3A_261 = arith.mulf %max3A_255, %max3A_255 : vector<16xf32>
        %min3A_262 = arith.minimumf %min3A_230, %add3A_260 : vector<16xf32>
        %min3A_263 = arith.minimumf %min3A_231, %mul3A_261 : vector<16xf32>
        %add3A_264 = arith.constant 6 : i32
        %add3A_265 = arith.addi %mul3A_76, %add3A_264 : i32
        %mul3A_266 = arith.constant 16 : i32
        %mul3A_267 = arith.muli %add3A_265, %mul3A_266 : i32
        %get3A_268 = arith.index_cast %mul3A_267 : i32 to index
        %get3A_269 = tpu.vector_load %arg15[%get3A_268] {strides = array<i32>} : memref<10112xf32, #tpu.memory_space<vmem>>, vector<16xf32>,
        %sub3A_270 = arith.subf %get3A_269, %get3A_27 : vector<16xf32>
        %mul3A_271 = arith.constant 16 : i32
        %mul3A_272 = arith.muli %add3A_265, %mul3A_271 : i32
        %get3A_273 = arith.index_cast %mul3A_272 : i32 to index
        %get3A_274 = tpu.vector_load %arg16[%get3A_273] {strides = array<i32>} : memref<10112xf32, #tpu.memory_space<vmem>>, vector<16xf32>,
        %sub3A_275 = arith.subf %get3A_274, %get3A_31 : vector<16xf32>
        %mul3A_276 = arith.constant 16 : i32
        %mul3A_277 = arith.muli %add3A_265, %mul3A_276 : i32
        %get3A_278 = arith.index_cast %mul3A_277 : i32 to index
        %get3A_279 = tpu.vector_load %arg17[%get3A_278] {strides = array<i32>} : memref<10112xf32, #tpu.memory_space<vmem>>, vector<16xf32>,
        %sub3A_280 = arith.subf %get3A_279, %get3A_35 : vector<16xf32>
        %abs3A_281 = math.absf %sub3A_270 : vector<16xf32>
        %sub3A_282 = arith.constant 3.906250e-03 : f32
        %sub3A_283 = vector.broadcast %sub3A_282 : f32 to vector<16xf32>
        %sub3A_284 = arith.subf %abs3A_281, %sub3A_283 : vector<16xf32>
        %max3A_285 = arith.constant 0.000000e+00 : f32
        %max3A_286 = vector.broadcast %max3A_285 : f32 to vector<16xf32>
        %max3A_287 = arith.maximumf %sub3A_284, %max3A_286 : vector<16xf32>
        %mul3A_288 = arith.mulf %sub3A_270, %sub3A_270 : vector<16xf32>
        %mul3A_289 = arith.mulf %sub3A_275, %sub3A_275 : vector<16xf32>
        %add3A_290 = arith.addf %mul3A_288, %mul3A_289 : vector<16xf32>
        %mul3A_291 = arith.mulf %sub3A_280, %sub3A_280 : vector<16xf32>
        %add3A_292 = arith.addf %add3A_290, %mul3A_291 : vector<16xf32>
        %mul3A_293 = arith.mulf %max3A_287, %max3A_287 : vector<16xf32>
        %min3A_294 = arith.minimumf %min3A_262, %add3A_292 : vector<16xf32>
        %min3A_295 = arith.minimumf %min3A_263, %mul3A_293 : vector<16xf32>
        %add3A_296 = arith.constant 7 : i32
        %add3A_297 = arith.addi %mul3A_76, %add3A_296 : i32
        %mul3A_298 = arith.constant 16 : i32
        %mul3A_299 = arith.muli %add3A_297, %mul3A_298 : i32
        %get3A_300 = arith.index_cast %mul3A_299 : i32 to index
        %get3A_301 = tpu.vector_load %arg15[%get3A_300] {strides = array<i32>} : memref<10112xf32, #tpu.memory_space<vmem>>, vector<16xf32>,
        %sub3A_302 = arith.subf %get3A_301, %get3A_27 : vector<16xf32>
        %mul3A_303 = arith.constant 16 : i32
        %mul3A_304 = arith.muli %add3A_297, %mul3A_303 : i32
        %get3A_305 = arith.index_cast %mul3A_304 : i32 to index
        %get3A_306 = tpu.vector_load %arg16[%get3A_305] {strides = array<i32>} : memref<10112xf32, #tpu.memory_space<vmem>>, vector<16xf32>,
        %sub3A_307 = arith.subf %get3A_306, %get3A_31 : vector<16xf32>
        %mul3A_308 = arith.constant 16 : i32
        %mul3A_309 = arith.muli %add3A_297, %mul3A_308 : i32
        %get3A_310 = arith.index_cast %mul3A_309 : i32 to index
        %get3A_311 = tpu.vector_load %arg17[%get3A_310] {strides = array<i32>} : memref<10112xf32, #tpu.memory_space<vmem>>, vector<16xf32>,
        %sub3A_312 = arith.subf %get3A_311, %get3A_35 : vector<16xf32>
        %abs3A_313 = math.absf %sub3A_302 : vector<16xf32>
        %sub3A_314 = arith.constant 3.906250e-03 : f32
        %sub3A_315 = vector.broadcast %sub3A_314 : f32 to vector<16xf32>
        %sub3A_316 = arith.subf %abs3A_313, %sub3A_315 : vector<16xf32>
        %max3A_317 = arith.constant 0.000000e+00 : f32
        %max3A_318 = vector.broadcast %max3A_317 : f32 to vector<16xf32>
        %max3A_319 = arith.maximumf %sub3A_316, %max3A_318 : vector<16xf32>
        %mul3A_320 = arith.mulf %sub3A_302, %sub3A_302 : vector<16xf32>
        %mul3A_321 = arith.mulf %sub3A_307, %sub3A_307 : vector<16xf32>
        %add3A_322 = arith.addf %mul3A_320, %mul3A_321 : vector<16xf32>
        %mul3A_323 = arith.mulf %sub3A_312, %sub3A_312 : vector<16xf32>
        %add3A_324 = arith.addf %add3A_322, %mul3A_323 : vector<16xf32>
        %mul3A_325 = arith.mulf %max3A_319, %max3A_319 : vector<16xf32>
        %min3A_326 = arith.minimumf %min3A_294, %add3A_324 : vector<16xf32>
        %min3A_327 = arith.minimumf %min3A_295, %mul3A_325 : vector<16xf32>
        %reduce_min3A = arith.constant true
        %reduce_min3A_328 = vector.broadcast %reduce_min3A : i1 to vector<16xi1>
        %reduce_min3A_329 = tpu.scan <min>, %min3A_326 masked %reduce_min3A_328 : vector<16xf32>, vector<16xi1> -> vector<16xf32>
        %reduce_min3A_330 = vector.extract %reduce_min3A_329[15] : f32 from vector<16xf32>
        %reduce_min3A_331 = arith.constant true
        %reduce_min3A_332 = vector.broadcast %reduce_min3A_331 : i1 to vector<16xi1>
        %reduce_min3A_333 = tpu.scan <min>, %min3A_327 masked %reduce_min3A_332 : vector<16xf32>, vector<16xi1> -> vector<16xf32>
        %reduce_min3A_334 = vector.extract %reduce_min3A_333[15] : f32 from vector<16xf32>
        %lt3A = arith.cmpf olt, %reduce_min3A_330, %while3A_74 : f32
        %convert_element_type3A = arith.extui %lt3A : i1 to i32
        %cond3A = arith.constant 0 : i32
        %cond3A_335 = arith.cmpi ne, %convert_element_type3A, %cond3A : i32
        %cond3A_336:5 = scf.if %cond3A_335 -> (vector<16xf32>, vector<16xi32>, vector<16xf32>, vector<16xi32>, f32) {
          %add3A_339 = arith.constant 0 : i32
          %add3A_340 = arith.addi %mul3A_76, %add3A_339 : i32
          %reduce_min3A_341 = arith.constant true
          %reduce_min3A_342 = vector.broadcast %reduce_min3A_341 : i1 to vector<16xi1>
          %reduce_min3A_343 = tpu.scan <min>, %add3A_103 masked %reduce_min3A_342 : vector<16xf32>, vector<16xi1> -> vector<16xf32>
          %reduce_min3A_344 = vector.extract %reduce_min3A_343[15] : f32 from vector<16xf32>
          %lt3A_345 = arith.cmpf olt, %reduce_min3A_344, %while3A_74 : f32
          %convert_element_type3A_346 = arith.extui %lt3A_345 : i1 to i32
          %cond3A_347 = arith.constant 0 : i32
          %cond3A_348 = arith.cmpi ne, %convert_element_type3A_346, %cond3A_347 : i32
          %cond3A_349:5 = scf.if %cond3A_348 -> (vector<16xf32>, vector<16xi32>, vector<16xf32>, vector<16xi32>, f32) {
            %mul3A_427 = arith.constant 16 : i32
            %mul3A_428 = arith.muli %add3A_340, %mul3A_427 : i32
            %add3A_429 = vector.broadcast %mul3A_428 : i32 to vector<16xi32>
            %add3A_430 = arith.addi %iota3A, %add3A_429 : vector<16xi32>
            %masked_sort3A = arith.constant dense<true> : vector<16xi1>
            %masked_sort3A_431, %masked_sort3A_432, %masked_sort3A_433 = tpu.sort %add3A_103, %add3A_430 masked %masked_sort3A : (vector<16xf32>, vector<16xi32>, vector<16xi1>) -> (vector<16xi1>, vector<16xf32>, vector<16xi32>)
            %rev3A = arith.constant 15 : i32
            %rev3A_434 = vector.broadcast %rev3A : i32 to vector<16xi32>
            %rev3A_435 = tpu.iota {dimensions = array<i32: 0>} : vector<16xi32>
            %rev3A_436 = arith.subi %rev3A_434, %rev3A_435 : vector<16xi32>
            %rev3A_437 = tpu.dynamic_gather %masked_sort3A_432[%rev3A_436] in [0] : vector<16xf32>, vector<16xi32> -> vector<16xf32>
            %rev3A_438 = arith.constant 15 : i32
            %rev3A_439 = vector.broadcast %rev3A_438 : i32 to vector<16xi32>
            %rev3A_440 = tpu.iota {dimensions = array<i32: 0>} : vector<16xi32>
            %rev3A_441 = arith.subi %rev3A_439, %rev3A_440 : vector<16xi32>
            %rev3A_442 = tpu.dynamic_gather %masked_sort3A_433[%rev3A_441] in [0] : vector<16xi32>, vector<16xi32> -> vector<16xi32>
            %le3A = arith.cmpf ole, %while3A_72, %rev3A_437 : vector<16xf32>
            %select_n3A = arith.select %le3A, %while3A_72, %rev3A_437 : vector<16xi1>, vector<16xf32>
            %select_n3A_443 = arith.select %le3A, %while3A_73, %rev3A_442 : vector<16xi1>, vector<16xi32>
            %select_n3A_444 = arith.select %le3A, %rev3A_437, %while3A_72 : vector<16xi1>, vector<16xf32>
            %select_n3A_445 = arith.select %le3A, %rev3A_442, %while3A_73 : vector<16xi1>, vector<16xi32>
            %masked_sort3A_446 = arith.constant dense<true> : vector<16xi1>
            %masked_sort3A_447, %masked_sort3A_448, %masked_sort3A_449 = tpu.sort %select_n3A, %select_n3A_443 masked %masked_sort3A_446 : (vector<16xf32>, vector<16xi32>, vector<16xi1>) -> (vector<16xi1>, vector<16xf32>, vector<16xi32>)
            %masked_sort3A_450 = arith.constant dense<true> : vector<16xi1>
            %masked_sort3A_451, %masked_sort3A_452, %masked_sort3A_453 = tpu.sort %select_n3A_444, %select_n3A_445 masked %masked_sort3A_450 : (vector<16xf32>, vector<16xi32>, vector<16xi1>) -> (vector<16xi1>, vector<16xf32>, vector<16xi32>)
            %rev3A_454 = arith.constant 15 : i32
            %rev3A_455 = vector.broadcast %rev3A_454 : i32 to vector<16xi32>
            %rev3A_456 = tpu.iota {dimensions = array<i32: 0>} : vector<16xi32>
            %rev3A_457 = arith.subi %rev3A_455, %rev3A_456 : vector<16xi32>
            %rev3A_458 = tpu.dynamic_gather %masked_sort3A_448[%rev3A_457] in [0] : vector<16xf32>, vector<16xi32> -> vector<16xf32>
            %rev3A_459 = arith.constant 15 : i32
            %rev3A_460 = vector.broadcast %rev3A_459 : i32 to vector<16xi32>
            %rev3A_461 = tpu.iota {dimensions = array<i32: 0>} : vector<16xi32>
            %rev3A_462 = arith.subi %rev3A_460, %rev3A_461 : vector<16xi32>
            %rev3A_463 = tpu.dynamic_gather %masked_sort3A_449[%rev3A_462] in [0] : vector<16xi32>, vector<16xi32> -> vector<16xi32>
            %le3A_464 = arith.cmpf ole, %while3A_70, %rev3A_458 : vector<16xf32>
            %select_n3A_465 = arith.select %le3A_464, %while3A_70, %rev3A_458 : vector<16xi1>, vector<16xf32>
            %select_n3A_466 = arith.select %le3A_464, %while3A_71, %rev3A_463 : vector<16xi1>, vector<16xi32>
            %select_n3A_467 = arith.select %le3A_464, %rev3A_458, %while3A_70 : vector<16xi1>, vector<16xf32>
            %select_n3A_468 = arith.select %le3A_464, %rev3A_463, %while3A_71 : vector<16xi1>, vector<16xi32>
            %masked_sort3A_469 = arith.constant dense<true> : vector<16xi1>
            %masked_sort3A_470, %masked_sort3A_471, %masked_sort3A_472 = tpu.sort %select_n3A_465, %select_n3A_466 masked %masked_sort3A_469 : (vector<16xf32>, vector<16xi32>, vector<16xi1>) -> (vector<16xi1>, vector<16xf32>, vector<16xi32>)
            %masked_sort3A_473 = arith.constant dense<true> : vector<16xi1>
            %masked_sort3A_474, %masked_sort3A_475, %masked_sort3A_476 = tpu.sort %select_n3A_467, %select_n3A_468 masked %masked_sort3A_473 : (vector<16xf32>, vector<16xi32>, vector<16xi1>) -> (vector<16xi1>, vector<16xf32>, vector<16xi32>)
            %reduce_max3A_477 = arith.constant true
            %reduce_max3A_478 = vector.broadcast %reduce_max3A_477 : i1 to vector<16xi1>
            %reduce_max3A_479 = tpu.scan <max>, %masked_sort3A_475 masked %reduce_max3A_478 : vector<16xf32>, vector<16xi1> -> vector<16xf32>
            %reduce_max3A_480 = vector.extract %reduce_max3A_479[15] : f32 from vector<16xf32>
            scf.yield %masked_sort3A_471, %masked_sort3A_472, %masked_sort3A_475, %masked_sort3A_476, %reduce_max3A_480 : vector<16xf32>, vector<16xi32>, vector<16xf32>, vector<16xi32>, f32
          } else {
            scf.yield %while3A_70, %while3A_71, %while3A_72, %while3A_73, %while3A_74 : vector<16xf32>, vector<16xi32>, vector<16xf32>, vector<16xi32>, f32
          }
          %add3A_350 = arith.constant 1 : i32
          %add3A_351 = arith.addi %mul3A_76, %add3A_350 : i32
          %reduce_min3A_352 = arith.constant true
          %reduce_min3A_353 = vector.broadcast %reduce_min3A_352 : i1 to vector<16xi1>
          %reduce_min3A_354 = tpu.scan <min>, %add3A_133 masked %reduce_min3A_353 : vector<16xf32>, vector<16xi1> -> vector<16xf32>
          %reduce_min3A_355 = vector.extract %reduce_min3A_354[15] : f32 from vector<16xf32>
          %lt3A_356 = arith.cmpf olt, %reduce_min3A_355, %cond3A_349#4 : f32
          %convert_element_type3A_357 = arith.extui %lt3A_356 : i1 to i32
          %cond3A_358 = arith.constant 0 : i32
          %cond3A_359 = arith.cmpi ne, %convert_element_type3A_357, %cond3A_358 : i32
          %cond3A_360:5 = scf.if %cond3A_359 -> (vector<16xf32>, vector<16xi32>, vector<16xf32>, vector<16xi32>, f32) {
            %mul3A_427 = arith.constant 16 : i32
            %mul3A_428 = arith.muli %add3A_351, %mul3A_427 : i32
            %add3A_429 = vector.broadcast %mul3A_428 : i32 to vector<16xi32>
            %add3A_430 = arith.addi %iota3A, %add3A_429 : vector<16xi32>
            %masked_sort3A = arith.constant dense<true> : vector<16xi1>
            %masked_sort3A_431, %masked_sort3A_432, %masked_sort3A_433 = tpu.sort %add3A_133, %add3A_430 masked %masked_sort3A : (vector<16xf32>, vector<16xi32>, vector<16xi1>) -> (vector<16xi1>, vector<16xf32>, vector<16xi32>)
            %rev3A = arith.constant 15 : i32
            %rev3A_434 = vector.broadcast %rev3A : i32 to vector<16xi32>
            %rev3A_435 = tpu.iota {dimensions = array<i32: 0>} : vector<16xi32>
            %rev3A_436 = arith.subi %rev3A_434, %rev3A_435 : vector<16xi32>
            %rev3A_437 = tpu.dynamic_gather %masked_sort3A_432[%rev3A_436] in [0] : vector<16xf32>, vector<16xi32> -> vector<16xf32>
            %rev3A_438 = arith.constant 15 : i32
            %rev3A_439 = vector.broadcast %rev3A_438 : i32 to vector<16xi32>
            %rev3A_440 = tpu.iota {dimensions = array<i32: 0>} : vector<16xi32>
            %rev3A_441 = arith.subi %rev3A_439, %rev3A_440 : vector<16xi32>
            %rev3A_442 = tpu.dynamic_gather %masked_sort3A_433[%rev3A_441] in [0] : vector<16xi32>, vector<16xi32> -> vector<16xi32>
            %le3A = arith.cmpf ole, %cond3A_349#2, %rev3A_437 : vector<16xf32>
            %select_n3A = arith.select %le3A, %cond3A_349#2, %rev3A_437 : vector<16xi1>, vector<16xf32>
            %select_n3A_443 = arith.select %le3A, %cond3A_349#3, %rev3A_442 : vector<16xi1>, vector<16xi32>
            %select_n3A_444 = arith.select %le3A, %rev3A_437, %cond3A_349#2 : vector<16xi1>, vector<16xf32>
            %select_n3A_445 = arith.select %le3A, %rev3A_442, %cond3A_349#3 : vector<16xi1>, vector<16xi32>
            %masked_sort3A_446 = arith.constant dense<true> : vector<16xi1>
            %masked_sort3A_447, %masked_sort3A_448, %masked_sort3A_449 = tpu.sort %select_n3A, %select_n3A_443 masked %masked_sort3A_446 : (vector<16xf32>, vector<16xi32>, vector<16xi1>) -> (vector<16xi1>, vector<16xf32>, vector<16xi32>)
            %masked_sort3A_450 = arith.constant dense<true> : vector<16xi1>
            %masked_sort3A_451, %masked_sort3A_452, %masked_sort3A_453 = tpu.sort %select_n3A_444, %select_n3A_445 masked %masked_sort3A_450 : (vector<16xf32>, vector<16xi32>, vector<16xi1>) -> (vector<16xi1>, vector<16xf32>, vector<16xi32>)
            %rev3A_454 = arith.constant 15 : i32
            %rev3A_455 = vector.broadcast %rev3A_454 : i32 to vector<16xi32>
            %rev3A_456 = tpu.iota {dimensions = array<i32: 0>} : vector<16xi32>
            %rev3A_457 = arith.subi %rev3A_455, %rev3A_456 : vector<16xi32>
            %rev3A_458 = tpu.dynamic_gather %masked_sort3A_448[%rev3A_457] in [0] : vector<16xf32>, vector<16xi32> -> vector<16xf32>
            %rev3A_459 = arith.constant 15 : i32
            %rev3A_460 = vector.broadcast %rev3A_459 : i32 to vector<16xi32>
            %rev3A_461 = tpu.iota {dimensions = array<i32: 0>} : vector<16xi32>
            %rev3A_462 = arith.subi %rev3A_460, %rev3A_461 : vector<16xi32>
            %rev3A_463 = tpu.dynamic_gather %masked_sort3A_449[%rev3A_462] in [0] : vector<16xi32>, vector<16xi32> -> vector<16xi32>
            %le3A_464 = arith.cmpf ole, %cond3A_349#0, %rev3A_458 : vector<16xf32>
            %select_n3A_465 = arith.select %le3A_464, %cond3A_349#0, %rev3A_458 : vector<16xi1>, vector<16xf32>
            %select_n3A_466 = arith.select %le3A_464, %cond3A_349#1, %rev3A_463 : vector<16xi1>, vector<16xi32>
            %select_n3A_467 = arith.select %le3A_464, %rev3A_458, %cond3A_349#0 : vector<16xi1>, vector<16xf32>
            %select_n3A_468 = arith.select %le3A_464, %rev3A_463, %cond3A_349#1 : vector<16xi1>, vector<16xi32>
            %masked_sort3A_469 = arith.constant dense<true> : vector<16xi1>
            %masked_sort3A_470, %masked_sort3A_471, %masked_sort3A_472 = tpu.sort %select_n3A_465, %select_n3A_466 masked %masked_sort3A_469 : (vector<16xf32>, vector<16xi32>, vector<16xi1>) -> (vector<16xi1>, vector<16xf32>, vector<16xi32>)
            %masked_sort3A_473 = arith.constant dense<true> : vector<16xi1>
            %masked_sort3A_474, %masked_sort3A_475, %masked_sort3A_476 = tpu.sort %select_n3A_467, %select_n3A_468 masked %masked_sort3A_473 : (vector<16xf32>, vector<16xi32>, vector<16xi1>) -> (vector<16xi1>, vector<16xf32>, vector<16xi32>)
            %reduce_max3A_477 = arith.constant true
            %reduce_max3A_478 = vector.broadcast %reduce_max3A_477 : i1 to vector<16xi1>
            %reduce_max3A_479 = tpu.scan <max>, %masked_sort3A_475 masked %reduce_max3A_478 : vector<16xf32>, vector<16xi1> -> vector<16xf32>
            %reduce_max3A_480 = vector.extract %reduce_max3A_479[15] : f32 from vector<16xf32>
            scf.yield %masked_sort3A_471, %masked_sort3A_472, %masked_sort3A_475, %masked_sort3A_476, %reduce_max3A_480 : vector<16xf32>, vector<16xi32>, vector<16xf32>, vector<16xi32>, f32
          } else {
            scf.yield %cond3A_349#0, %cond3A_349#1, %cond3A_349#2, %cond3A_349#3, %cond3A_349#4 : vector<16xf32>, vector<16xi32>, vector<16xf32>, vector<16xi32>, f32
          }
          %add3A_361 = arith.constant 2 : i32
          %add3A_362 = arith.addi %mul3A_76, %add3A_361 : i32
          %reduce_min3A_363 = arith.constant true
          %reduce_min3A_364 = vector.broadcast %reduce_min3A_363 : i1 to vector<16xi1>
          %reduce_min3A_365 = tpu.scan <min>, %add3A_164 masked %reduce_min3A_364 : vector<16xf32>, vector<16xi1> -> vector<16xf32>
          %reduce_min3A_366 = vector.extract %reduce_min3A_365[15] : f32 from vector<16xf32>
          %lt3A_367 = arith.cmpf olt, %reduce_min3A_366, %cond3A_360#4 : f32
          %convert_element_type3A_368 = arith.extui %lt3A_367 : i1 to i32
          %cond3A_369 = arith.constant 0 : i32
          %cond3A_370 = arith.cmpi ne, %convert_element_type3A_368, %cond3A_369 : i32
          %cond3A_371:5 = scf.if %cond3A_370 -> (vector<16xf32>, vector<16xi32>, vector<16xf32>, vector<16xi32>, f32) {
            %mul3A_427 = arith.constant 16 : i32
            %mul3A_428 = arith.muli %add3A_362, %mul3A_427 : i32
            %add3A_429 = vector.broadcast %mul3A_428 : i32 to vector<16xi32>
            %add3A_430 = arith.addi %iota3A, %add3A_429 : vector<16xi32>
            %masked_sort3A = arith.constant dense<true> : vector<16xi1>
            %masked_sort3A_431, %masked_sort3A_432, %masked_sort3A_433 = tpu.sort %add3A_164, %add3A_430 masked %masked_sort3A : (vector<16xf32>, vector<16xi32>, vector<16xi1>) -> (vector<16xi1>, vector<16xf32>, vector<16xi32>)
            %rev3A = arith.constant 15 : i32
            %rev3A_434 = vector.broadcast %rev3A : i32 to vector<16xi32>
            %rev3A_435 = tpu.iota {dimensions = array<i32: 0>} : vector<16xi32>
            %rev3A_436 = arith.subi %rev3A_434, %rev3A_435 : vector<16xi32>
            %rev3A_437 = tpu.dynamic_gather %masked_sort3A_432[%rev3A_436] in [0] : vector<16xf32>, vector<16xi32> -> vector<16xf32>
            %rev3A_438 = arith.constant 15 : i32
            %rev3A_439 = vector.broadcast %rev3A_438 : i32 to vector<16xi32>
            %rev3A_440 = tpu.iota {dimensions = array<i32: 0>} : vector<16xi32>
            %rev3A_441 = arith.subi %rev3A_439, %rev3A_440 : vector<16xi32>
            %rev3A_442 = tpu.dynamic_gather %masked_sort3A_433[%rev3A_441] in [0] : vector<16xi32>, vector<16xi32> -> vector<16xi32>
            %le3A = arith.cmpf ole, %cond3A_360#2, %rev3A_437 : vector<16xf32>
            %select_n3A = arith.select %le3A, %cond3A_360#2, %rev3A_437 : vector<16xi1>, vector<16xf32>
            %select_n3A_443 = arith.select %le3A, %cond3A_360#3, %rev3A_442 : vector<16xi1>, vector<16xi32>
            %select_n3A_444 = arith.select %le3A, %rev3A_437, %cond3A_360#2 : vector<16xi1>, vector<16xf32>
            %select_n3A_445 = arith.select %le3A, %rev3A_442, %cond3A_360#3 : vector<16xi1>, vector<16xi32>
            %masked_sort3A_446 = arith.constant dense<true> : vector<16xi1>
            %masked_sort3A_447, %masked_sort3A_448, %masked_sort3A_449 = tpu.sort %select_n3A, %select_n3A_443 masked %masked_sort3A_446 : (vector<16xf32>, vector<16xi32>, vector<16xi1>) -> (vector<16xi1>, vector<16xf32>, vector<16xi32>)
            %masked_sort3A_450 = arith.constant dense<true> : vector<16xi1>
            %masked_sort3A_451, %masked_sort3A_452, %masked_sort3A_453 = tpu.sort %select_n3A_444, %select_n3A_445 masked %masked_sort3A_450 : (vector<16xf32>, vector<16xi32>, vector<16xi1>) -> (vector<16xi1>, vector<16xf32>, vector<16xi32>)
            %rev3A_454 = arith.constant 15 : i32
            %rev3A_455 = vector.broadcast %rev3A_454 : i32 to vector<16xi32>
            %rev3A_456 = tpu.iota {dimensions = array<i32: 0>} : vector<16xi32>
            %rev3A_457 = arith.subi %rev3A_455, %rev3A_456 : vector<16xi32>
            %rev3A_458 = tpu.dynamic_gather %masked_sort3A_448[%rev3A_457] in [0] : vector<16xf32>, vector<16xi32> -> vector<16xf32>
            %rev3A_459 = arith.constant 15 : i32
            %rev3A_460 = vector.broadcast %rev3A_459 : i32 to vector<16xi32>
            %rev3A_461 = tpu.iota {dimensions = array<i32: 0>} : vector<16xi32>
            %rev3A_462 = arith.subi %rev3A_460, %rev3A_461 : vector<16xi32>
            %rev3A_463 = tpu.dynamic_gather %masked_sort3A_449[%rev3A_462] in [0] : vector<16xi32>, vector<16xi32> -> vector<16xi32>
            %le3A_464 = arith.cmpf ole, %cond3A_360#0, %rev3A_458 : vector<16xf32>
            %select_n3A_465 = arith.select %le3A_464, %cond3A_360#0, %rev3A_458 : vector<16xi1>, vector<16xf32>
            %select_n3A_466 = arith.select %le3A_464, %cond3A_360#1, %rev3A_463 : vector<16xi1>, vector<16xi32>
            %select_n3A_467 = arith.select %le3A_464, %rev3A_458, %cond3A_360#0 : vector<16xi1>, vector<16xf32>
            %select_n3A_468 = arith.select %le3A_464, %rev3A_463, %cond3A_360#1 : vector<16xi1>, vector<16xi32>
            %masked_sort3A_469 = arith.constant dense<true> : vector<16xi1>
            %masked_sort3A_470, %masked_sort3A_471, %masked_sort3A_472 = tpu.sort %select_n3A_465, %select_n3A_466 masked %masked_sort3A_469 : (vector<16xf32>, vector<16xi32>, vector<16xi1>) -> (vector<16xi1>, vector<16xf32>, vector<16xi32>)
            %masked_sort3A_473 = arith.constant dense<true> : vector<16xi1>
            %masked_sort3A_474, %masked_sort3A_475, %masked_sort3A_476 = tpu.sort %select_n3A_467, %select_n3A_468 masked %masked_sort3A_473 : (vector<16xf32>, vector<16xi32>, vector<16xi1>) -> (vector<16xi1>, vector<16xf32>, vector<16xi32>)
            %reduce_max3A_477 = arith.constant true
            %reduce_max3A_478 = vector.broadcast %reduce_max3A_477 : i1 to vector<16xi1>
            %reduce_max3A_479 = tpu.scan <max>, %masked_sort3A_475 masked %reduce_max3A_478 : vector<16xf32>, vector<16xi1> -> vector<16xf32>
            %reduce_max3A_480 = vector.extract %reduce_max3A_479[15] : f32 from vector<16xf32>
            scf.yield %masked_sort3A_471, %masked_sort3A_472, %masked_sort3A_475, %masked_sort3A_476, %reduce_max3A_480 : vector<16xf32>, vector<16xi32>, vector<16xf32>, vector<16xi32>, f32
          } else {
            scf.yield %cond3A_360#0, %cond3A_360#1, %cond3A_360#2, %cond3A_360#3, %cond3A_360#4 : vector<16xf32>, vector<16xi32>, vector<16xf32>, vector<16xi32>, f32
          }
          %add3A_372 = arith.constant 3 : i32
          %add3A_373 = arith.addi %mul3A_76, %add3A_372 : i32
          %reduce_min3A_374 = arith.constant true
          %reduce_min3A_375 = vector.broadcast %reduce_min3A_374 : i1 to vector<16xi1>
          %reduce_min3A_376 = tpu.scan <min>, %add3A_196 masked %reduce_min3A_375 : vector<16xf32>, vector<16xi1> -> vector<16xf32>
          %reduce_min3A_377 = vector.extract %reduce_min3A_376[15] : f32 from vector<16xf32>
          %lt3A_378 = arith.cmpf olt, %reduce_min3A_377, %cond3A_371#4 : f32
          %convert_element_type3A_379 = arith.extui %lt3A_378 : i1 to i32
          %cond3A_380 = arith.constant 0 : i32
          %cond3A_381 = arith.cmpi ne, %convert_element_type3A_379, %cond3A_380 : i32
          %cond3A_382:5 = scf.if %cond3A_381 -> (vector<16xf32>, vector<16xi32>, vector<16xf32>, vector<16xi32>, f32) {
            %mul3A_427 = arith.constant 16 : i32
            %mul3A_428 = arith.muli %add3A_373, %mul3A_427 : i32
            %add3A_429 = vector.broadcast %mul3A_428 : i32 to vector<16xi32>
            %add3A_430 = arith.addi %iota3A, %add3A_429 : vector<16xi32>
            %masked_sort3A = arith.constant dense<true> : vector<16xi1>
            %masked_sort3A_431, %masked_sort3A_432, %masked_sort3A_433 = tpu.sort %add3A_196, %add3A_430 masked %masked_sort3A : (vector<16xf32>, vector<16xi32>, vector<16xi1>) -> (vector<16xi1>, vector<16xf32>, vector<16xi32>)
            %rev3A = arith.constant 15 : i32
            %rev3A_434 = vector.broadcast %rev3A : i32 to vector<16xi32>
            %rev3A_435 = tpu.iota {dimensions = array<i32: 0>} : vector<16xi32>
            %rev3A_436 = arith.subi %rev3A_434, %rev3A_435 : vector<16xi32>
            %rev3A_437 = tpu.dynamic_gather %masked_sort3A_432[%rev3A_436] in [0] : vector<16xf32>, vector<16xi32> -> vector<16xf32>
            %rev3A_438 = arith.constant 15 : i32
            %rev3A_439 = vector.broadcast %rev3A_438 : i32 to vector<16xi32>
            %rev3A_440 = tpu.iota {dimensions = array<i32: 0>} : vector<16xi32>
            %rev3A_441 = arith.subi %rev3A_439, %rev3A_440 : vector<16xi32>
            %rev3A_442 = tpu.dynamic_gather %masked_sort3A_433[%rev3A_441] in [0] : vector<16xi32>, vector<16xi32> -> vector<16xi32>
            %le3A = arith.cmpf ole, %cond3A_371#2, %rev3A_437 : vector<16xf32>
            %select_n3A = arith.select %le3A, %cond3A_371#2, %rev3A_437 : vector<16xi1>, vector<16xf32>
            %select_n3A_443 = arith.select %le3A, %cond3A_371#3, %rev3A_442 : vector<16xi1>, vector<16xi32>
            %select_n3A_444 = arith.select %le3A, %rev3A_437, %cond3A_371#2 : vector<16xi1>, vector<16xf32>
            %select_n3A_445 = arith.select %le3A, %rev3A_442, %cond3A_371#3 : vector<16xi1>, vector<16xi32>
            %masked_sort3A_446 = arith.constant dense<true> : vector<16xi1>
            %masked_sort3A_447, %masked_sort3A_448, %masked_sort3A_449 = tpu.sort %select_n3A, %select_n3A_443 masked %masked_sort3A_446 : (vector<16xf32>, vector<16xi32>, vector<16xi1>) -> (vector<16xi1>, vector<16xf32>, vector<16xi32>)
            %masked_sort3A_450 = arith.constant dense<true> : vector<16xi1>
            %masked_sort3A_451, %masked_sort3A_452, %masked_sort3A_453 = tpu.sort %select_n3A_444, %select_n3A_445 masked %masked_sort3A_450 : (vector<16xf32>, vector<16xi32>, vector<16xi1>) -> (vector<16xi1>, vector<16xf32>, vector<16xi32>)
            %rev3A_454 = arith.constant 15 : i32
            %rev3A_455 = vector.broadcast %rev3A_454 : i32 to vector<16xi32>
            %rev3A_456 = tpu.iota {dimensions = array<i32: 0>} : vector<16xi32>
            %rev3A_457 = arith.subi %rev3A_455, %rev3A_456 : vector<16xi32>
            %rev3A_458 = tpu.dynamic_gather %masked_sort3A_448[%rev3A_457] in [0] : vector<16xf32>, vector<16xi32> -> vector<16xf32>
            %rev3A_459 = arith.constant 15 : i32
            %rev3A_460 = vector.broadcast %rev3A_459 : i32 to vector<16xi32>
            %rev3A_461 = tpu.iota {dimensions = array<i32: 0>} : vector<16xi32>
            %rev3A_462 = arith.subi %rev3A_460, %rev3A_461 : vector<16xi32>
            %rev3A_463 = tpu.dynamic_gather %masked_sort3A_449[%rev3A_462] in [0] : vector<16xi32>, vector<16xi32> -> vector<16xi32>
            %le3A_464 = arith.cmpf ole, %cond3A_371#0, %rev3A_458 : vector<16xf32>
            %select_n3A_465 = arith.select %le3A_464, %cond3A_371#0, %rev3A_458 : vector<16xi1>, vector<16xf32>
            %select_n3A_466 = arith.select %le3A_464, %cond3A_371#1, %rev3A_463 : vector<16xi1>, vector<16xi32>
            %select_n3A_467 = arith.select %le3A_464, %rev3A_458, %cond3A_371#0 : vector<16xi1>, vector<16xf32>
            %select_n3A_468 = arith.select %le3A_464, %rev3A_463, %cond3A_371#1 : vector<16xi1>, vector<16xi32>
            %masked_sort3A_469 = arith.constant dense<true> : vector<16xi1>
            %masked_sort3A_470, %masked_sort3A_471, %masked_sort3A_472 = tpu.sort %select_n3A_465, %select_n3A_466 masked %masked_sort3A_469 : (vector<16xf32>, vector<16xi32>, vector<16xi1>) -> (vector<16xi1>, vector<16xf32>, vector<16xi32>)
            %masked_sort3A_473 = arith.constant dense<true> : vector<16xi1>
            %masked_sort3A_474, %masked_sort3A_475, %masked_sort3A_476 = tpu.sort %select_n3A_467, %select_n3A_468 masked %masked_sort3A_473 : (vector<16xf32>, vector<16xi32>, vector<16xi1>) -> (vector<16xi1>, vector<16xf32>, vector<16xi32>)
            %reduce_max3A_477 = arith.constant true
            %reduce_max3A_478 = vector.broadcast %reduce_max3A_477 : i1 to vector<16xi1>
            %reduce_max3A_479 = tpu.scan <max>, %masked_sort3A_475 masked %reduce_max3A_478 : vector<16xf32>, vector<16xi1> -> vector<16xf32>
            %reduce_max3A_480 = vector.extract %reduce_max3A_479[15] : f32 from vector<16xf32>
            scf.yield %masked_sort3A_471, %masked_sort3A_472, %masked_sort3A_475, %masked_sort3A_476, %reduce_max3A_480 : vector<16xf32>, vector<16xi32>, vector<16xf32>, vector<16xi32>, f32
          } else {
            scf.yield %cond3A_371#0, %cond3A_371#1, %cond3A_371#2, %cond3A_371#3, %cond3A_371#4 : vector<16xf32>, vector<16xi32>, vector<16xf32>, vector<16xi32>, f32
          }
          %add3A_383 = arith.constant 4 : i32
          %add3A_384 = arith.addi %mul3A_76, %add3A_383 : i32
          %reduce_min3A_385 = arith.constant true
          %reduce_min3A_386 = vector.broadcast %reduce_min3A_385 : i1 to vector<16xi1>
          %reduce_min3A_387 = tpu.scan <min>, %add3A_228 masked %reduce_min3A_386 : vector<16xf32>, vector<16xi1> -> vector<16xf32>
          %reduce_min3A_388 = vector.extract %reduce_min3A_387[15] : f32 from vector<16xf32>
          %lt3A_389 = arith.cmpf olt, %reduce_min3A_388, %cond3A_382#4 : f32
          %convert_element_type3A_390 = arith.extui %lt3A_389 : i1 to i32
          %cond3A_391 = arith.constant 0 : i32
          %cond3A_392 = arith.cmpi ne, %convert_element_type3A_390, %cond3A_391 : i32
          %cond3A_393:5 = scf.if %cond3A_392 -> (vector<16xf32>, vector<16xi32>, vector<16xf32>, vector<16xi32>, f32) {
            %mul3A_427 = arith.constant 16 : i32
            %mul3A_428 = arith.muli %add3A_384, %mul3A_427 : i32
            %add3A_429 = vector.broadcast %mul3A_428 : i32 to vector<16xi32>
            %add3A_430 = arith.addi %iota3A, %add3A_429 : vector<16xi32>
            %masked_sort3A = arith.constant dense<true> : vector<16xi1>
            %masked_sort3A_431, %masked_sort3A_432, %masked_sort3A_433 = tpu.sort %add3A_228, %add3A_430 masked %masked_sort3A : (vector<16xf32>, vector<16xi32>, vector<16xi1>) -> (vector<16xi1>, vector<16xf32>, vector<16xi32>)
            %rev3A = arith.constant 15 : i32
            %rev3A_434 = vector.broadcast %rev3A : i32 to vector<16xi32>
            %rev3A_435 = tpu.iota {dimensions = array<i32: 0>} : vector<16xi32>
            %rev3A_436 = arith.subi %rev3A_434, %rev3A_435 : vector<16xi32>
            %rev3A_437 = tpu.dynamic_gather %masked_sort3A_432[%rev3A_436] in [0] : vector<16xf32>, vector<16xi32> -> vector<16xf32>
            %rev3A_438 = arith.constant 15 : i32
            %rev3A_439 = vector.broadcast %rev3A_438 : i32 to vector<16xi32>
            %rev3A_440 = tpu.iota {dimensions = array<i32: 0>} : vector<16xi32>
            %rev3A_441 = arith.subi %rev3A_439, %rev3A_440 : vector<16xi32>
            %rev3A_442 = tpu.dynamic_gather %masked_sort3A_433[%rev3A_441] in [0] : vector<16xi32>, vector<16xi32> -> vector<16xi32>
            %le3A = arith.cmpf ole, %cond3A_382#2, %rev3A_437 : vector<16xf32>
            %select_n3A = arith.select %le3A, %cond3A_382#2, %rev3A_437 : vector<16xi1>, vector<16xf32>
            %select_n3A_443 = arith.select %le3A, %cond3A_382#3, %rev3A_442 : vector<16xi1>, vector<16xi32>
            %select_n3A_444 = arith.select %le3A, %rev3A_437, %cond3A_382#2 : vector<16xi1>, vector<16xf32>
            %select_n3A_445 = arith.select %le3A, %rev3A_442, %cond3A_382#3 : vector<16xi1>, vector<16xi32>
            %masked_sort3A_446 = arith.constant dense<true> : vector<16xi1>
            %masked_sort3A_447, %masked_sort3A_448, %masked_sort3A_449 = tpu.sort %select_n3A, %select_n3A_443 masked %masked_sort3A_446 : (vector<16xf32>, vector<16xi32>, vector<16xi1>) -> (vector<16xi1>, vector<16xf32>, vector<16xi32>)
            %masked_sort3A_450 = arith.constant dense<true> : vector<16xi1>
            %masked_sort3A_451, %masked_sort3A_452, %masked_sort3A_453 = tpu.sort %select_n3A_444, %select_n3A_445 masked %masked_sort3A_450 : (vector<16xf32>, vector<16xi32>, vector<16xi1>) -> (vector<16xi1>, vector<16xf32>, vector<16xi32>)
            %rev3A_454 = arith.constant 15 : i32
            %rev3A_455 = vector.broadcast %rev3A_454 : i32 to vector<16xi32>
            %rev3A_456 = tpu.iota {dimensions = array<i32: 0>} : vector<16xi32>
            %rev3A_457 = arith.subi %rev3A_455, %rev3A_456 : vector<16xi32>
            %rev3A_458 = tpu.dynamic_gather %masked_sort3A_448[%rev3A_457] in [0] : vector<16xf32>, vector<16xi32> -> vector<16xf32>
            %rev3A_459 = arith.constant 15 : i32
            %rev3A_460 = vector.broadcast %rev3A_459 : i32 to vector<16xi32>
            %rev3A_461 = tpu.iota {dimensions = array<i32: 0>} : vector<16xi32>
            %rev3A_462 = arith.subi %rev3A_460, %rev3A_461 : vector<16xi32>
            %rev3A_463 = tpu.dynamic_gather %masked_sort3A_449[%rev3A_462] in [0] : vector<16xi32>, vector<16xi32> -> vector<16xi32>
            %le3A_464 = arith.cmpf ole, %cond3A_382#0, %rev3A_458 : vector<16xf32>
            %select_n3A_465 = arith.select %le3A_464, %cond3A_382#0, %rev3A_458 : vector<16xi1>, vector<16xf32>
            %select_n3A_466 = arith.select %le3A_464, %cond3A_382#1, %rev3A_463 : vector<16xi1>, vector<16xi32>
            %select_n3A_467 = arith.select %le3A_464, %rev3A_458, %cond3A_382#0 : vector<16xi1>, vector<16xf32>
            %select_n3A_468 = arith.select %le3A_464, %rev3A_463, %cond3A_382#1 : vector<16xi1>, vector<16xi32>
            %masked_sort3A_469 = arith.constant dense<true> : vector<16xi1>
            %masked_sort3A_470, %masked_sort3A_471, %masked_sort3A_472 = tpu.sort %select_n3A_465, %select_n3A_466 masked %masked_sort3A_469 : (vector<16xf32>, vector<16xi32>, vector<16xi1>) -> (vector<16xi1>, vector<16xf32>, vector<16xi32>)
            %masked_sort3A_473 = arith.constant dense<true> : vector<16xi1>
            %masked_sort3A_474, %masked_sort3A_475, %masked_sort3A_476 = tpu.sort %select_n3A_467, %select_n3A_468 masked %masked_sort3A_473 : (vector<16xf32>, vector<16xi32>, vector<16xi1>) -> (vector<16xi1>, vector<16xf32>, vector<16xi32>)
            %reduce_max3A_477 = arith.constant true
            %reduce_max3A_478 = vector.broadcast %reduce_max3A_477 : i1 to vector<16xi1>
            %reduce_max3A_479 = tpu.scan <max>, %masked_sort3A_475 masked %reduce_max3A_478 : vector<16xf32>, vector<16xi1> -> vector<16xf32>
            %reduce_max3A_480 = vector.extract %reduce_max3A_479[15] : f32 from vector<16xf32>
            scf.yield %masked_sort3A_471, %masked_sort3A_472, %masked_sort3A_475, %masked_sort3A_476, %reduce_max3A_480 : vector<16xf32>, vector<16xi32>, vector<16xf32>, vector<16xi32>, f32
          } else {
            scf.yield %cond3A_382#0, %cond3A_382#1, %cond3A_382#2, %cond3A_382#3, %cond3A_382#4 : vector<16xf32>, vector<16xi32>, vector<16xf32>, vector<16xi32>, f32
          }
          %add3A_394 = arith.constant 5 : i32
          %add3A_395 = arith.addi %mul3A_76, %add3A_394 : i32
          %reduce_min3A_396 = arith.constant true
          %reduce_min3A_397 = vector.broadcast %reduce_min3A_396 : i1 to vector<16xi1>
          %reduce_min3A_398 = tpu.scan <min>, %add3A_260 masked %reduce_min3A_397 : vector<16xf32>, vector<16xi1> -> vector<16xf32>
          %reduce_min3A_399 = vector.extract %reduce_min3A_398[15] : f32 from vector<16xf32>
          %lt3A_400 = arith.cmpf olt, %reduce_min3A_399, %cond3A_393#4 : f32
          %convert_element_type3A_401 = arith.extui %lt3A_400 : i1 to i32
          %cond3A_402 = arith.constant 0 : i32
          %cond3A_403 = arith.cmpi ne, %convert_element_type3A_401, %cond3A_402 : i32
          %cond3A_404:5 = scf.if %cond3A_403 -> (vector<16xf32>, vector<16xi32>, vector<16xf32>, vector<16xi32>, f32) {
            %mul3A_427 = arith.constant 16 : i32
            %mul3A_428 = arith.muli %add3A_395, %mul3A_427 : i32
            %add3A_429 = vector.broadcast %mul3A_428 : i32 to vector<16xi32>
            %add3A_430 = arith.addi %iota3A, %add3A_429 : vector<16xi32>
            %masked_sort3A = arith.constant dense<true> : vector<16xi1>
            %masked_sort3A_431, %masked_sort3A_432, %masked_sort3A_433 = tpu.sort %add3A_260, %add3A_430 masked %masked_sort3A : (vector<16xf32>, vector<16xi32>, vector<16xi1>) -> (vector<16xi1>, vector<16xf32>, vector<16xi32>)
            %rev3A = arith.constant 15 : i32
            %rev3A_434 = vector.broadcast %rev3A : i32 to vector<16xi32>
            %rev3A_435 = tpu.iota {dimensions = array<i32: 0>} : vector<16xi32>
            %rev3A_436 = arith.subi %rev3A_434, %rev3A_435 : vector<16xi32>
            %rev3A_437 = tpu.dynamic_gather %masked_sort3A_432[%rev3A_436] in [0] : vector<16xf32>, vector<16xi32> -> vector<16xf32>
            %rev3A_438 = arith.constant 15 : i32
            %rev3A_439 = vector.broadcast %rev3A_438 : i32 to vector<16xi32>
            %rev3A_440 = tpu.iota {dimensions = array<i32: 0>} : vector<16xi32>
            %rev3A_441 = arith.subi %rev3A_439, %rev3A_440 : vector<16xi32>
            %rev3A_442 = tpu.dynamic_gather %masked_sort3A_433[%rev3A_441] in [0] : vector<16xi32>, vector<16xi32> -> vector<16xi32>
            %le3A = arith.cmpf ole, %cond3A_393#2, %rev3A_437 : vector<16xf32>
            %select_n3A = arith.select %le3A, %cond3A_393#2, %rev3A_437 : vector<16xi1>, vector<16xf32>
            %select_n3A_443 = arith.select %le3A, %cond3A_393#3, %rev3A_442 : vector<16xi1>, vector<16xi32>
            %select_n3A_444 = arith.select %le3A, %rev3A_437, %cond3A_393#2 : vector<16xi1>, vector<16xf32>
            %select_n3A_445 = arith.select %le3A, %rev3A_442, %cond3A_393#3 : vector<16xi1>, vector<16xi32>
            %masked_sort3A_446 = arith.constant dense<true> : vector<16xi1>
            %masked_sort3A_447, %masked_sort3A_448, %masked_sort3A_449 = tpu.sort %select_n3A, %select_n3A_443 masked %masked_sort3A_446 : (vector<16xf32>, vector<16xi32>, vector<16xi1>) -> (vector<16xi1>, vector<16xf32>, vector<16xi32>)
            %masked_sort3A_450 = arith.constant dense<true> : vector<16xi1>
            %masked_sort3A_451, %masked_sort3A_452, %masked_sort3A_453 = tpu.sort %select_n3A_444, %select_n3A_445 masked %masked_sort3A_450 : (vector<16xf32>, vector<16xi32>, vector<16xi1>) -> (vector<16xi1>, vector<16xf32>, vector<16xi32>)
            %rev3A_454 = arith.constant 15 : i32
            %rev3A_455 = vector.broadcast %rev3A_454 : i32 to vector<16xi32>
            %rev3A_456 = tpu.iota {dimensions = array<i32: 0>} : vector<16xi32>
            %rev3A_457 = arith.subi %rev3A_455, %rev3A_456 : vector<16xi32>
            %rev3A_458 = tpu.dynamic_gather %masked_sort3A_448[%rev3A_457] in [0] : vector<16xf32>, vector<16xi32> -> vector<16xf32>
            %rev3A_459 = arith.constant 15 : i32
            %rev3A_460 = vector.broadcast %rev3A_459 : i32 to vector<16xi32>
            %rev3A_461 = tpu.iota {dimensions = array<i32: 0>} : vector<16xi32>
            %rev3A_462 = arith.subi %rev3A_460, %rev3A_461 : vector<16xi32>
            %rev3A_463 = tpu.dynamic_gather %masked_sort3A_449[%rev3A_462] in [0] : vector<16xi32>, vector<16xi32> -> vector<16xi32>
            %le3A_464 = arith.cmpf ole, %cond3A_393#0, %rev3A_458 : vector<16xf32>
            %select_n3A_465 = arith.select %le3A_464, %cond3A_393#0, %rev3A_458 : vector<16xi1>, vector<16xf32>
            %select_n3A_466 = arith.select %le3A_464, %cond3A_393#1, %rev3A_463 : vector<16xi1>, vector<16xi32>
            %select_n3A_467 = arith.select %le3A_464, %rev3A_458, %cond3A_393#0 : vector<16xi1>, vector<16xf32>
            %select_n3A_468 = arith.select %le3A_464, %rev3A_463, %cond3A_393#1 : vector<16xi1>, vector<16xi32>
            %masked_sort3A_469 = arith.constant dense<true> : vector<16xi1>
            %masked_sort3A_470, %masked_sort3A_471, %masked_sort3A_472 = tpu.sort %select_n3A_465, %select_n3A_466 masked %masked_sort3A_469 : (vector<16xf32>, vector<16xi32>, vector<16xi1>) -> (vector<16xi1>, vector<16xf32>, vector<16xi32>)
            %masked_sort3A_473 = arith.constant dense<true> : vector<16xi1>
            %masked_sort3A_474, %masked_sort3A_475, %masked_sort3A_476 = tpu.sort %select_n3A_467, %select_n3A_468 masked %masked_sort3A_473 : (vector<16xf32>, vector<16xi32>, vector<16xi1>) -> (vector<16xi1>, vector<16xf32>, vector<16xi32>)
            %reduce_max3A_477 = arith.constant true
            %reduce_max3A_478 = vector.broadcast %reduce_max3A_477 : i1 to vector<16xi1>
            %reduce_max3A_479 = tpu.scan <max>, %masked_sort3A_475 masked %reduce_max3A_478 : vector<16xf32>, vector<16xi1> -> vector<16xf32>
            %reduce_max3A_480 = vector.extract %reduce_max3A_479[15] : f32 from vector<16xf32>
            scf.yield %masked_sort3A_471, %masked_sort3A_472, %masked_sort3A_475, %masked_sort3A_476, %reduce_max3A_480 : vector<16xf32>, vector<16xi32>, vector<16xf32>, vector<16xi32>, f32
          } else {
            scf.yield %cond3A_393#0, %cond3A_393#1, %cond3A_393#2, %cond3A_393#3, %cond3A_393#4 : vector<16xf32>, vector<16xi32>, vector<16xf32>, vector<16xi32>, f32
          }
          %add3A_405 = arith.constant 6 : i32
          %add3A_406 = arith.addi %mul3A_76, %add3A_405 : i32
          %reduce_min3A_407 = arith.constant true
          %reduce_min3A_408 = vector.broadcast %reduce_min3A_407 : i1 to vector<16xi1>
          %reduce_min3A_409 = tpu.scan <min>, %add3A_292 masked %reduce_min3A_408 : vector<16xf32>, vector<16xi1> -> vector<16xf32>
          %reduce_min3A_410 = vector.extract %reduce_min3A_409[15] : f32 from vector<16xf32>
          %lt3A_411 = arith.cmpf olt, %reduce_min3A_410, %cond3A_404#4 : f32
          %convert_element_type3A_412 = arith.extui %lt3A_411 : i1 to i32
          %cond3A_413 = arith.constant 0 : i32
          %cond3A_414 = arith.cmpi ne, %convert_element_type3A_412, %cond3A_413 : i32
          %cond3A_415:5 = scf.if %cond3A_414 -> (vector<16xf32>, vector<16xi32>, vector<16xf32>, vector<16xi32>, f32) {
            %mul3A_427 = arith.constant 16 : i32
            %mul3A_428 = arith.muli %add3A_406, %mul3A_427 : i32
            %add3A_429 = vector.broadcast %mul3A_428 : i32 to vector<16xi32>
            %add3A_430 = arith.addi %iota3A, %add3A_429 : vector<16xi32>
            %masked_sort3A = arith.constant dense<true> : vector<16xi1>
            %masked_sort3A_431, %masked_sort3A_432, %masked_sort3A_433 = tpu.sort %add3A_292, %add3A_430 masked %masked_sort3A : (vector<16xf32>, vector<16xi32>, vector<16xi1>) -> (vector<16xi1>, vector<16xf32>, vector<16xi32>)
            %rev3A = arith.constant 15 : i32
            %rev3A_434 = vector.broadcast %rev3A : i32 to vector<16xi32>
            %rev3A_435 = tpu.iota {dimensions = array<i32: 0>} : vector<16xi32>
            %rev3A_436 = arith.subi %rev3A_434, %rev3A_435 : vector<16xi32>
            %rev3A_437 = tpu.dynamic_gather %masked_sort3A_432[%rev3A_436] in [0] : vector<16xf32>, vector<16xi32> -> vector<16xf32>
            %rev3A_438 = arith.constant 15 : i32
            %rev3A_439 = vector.broadcast %rev3A_438 : i32 to vector<16xi32>
            %rev3A_440 = tpu.iota {dimensions = array<i32: 0>} : vector<16xi32>
            %rev3A_441 = arith.subi %rev3A_439, %rev3A_440 : vector<16xi32>
            %rev3A_442 = tpu.dynamic_gather %masked_sort3A_433[%rev3A_441] in [0] : vector<16xi32>, vector<16xi32> -> vector<16xi32>
            %le3A = arith.cmpf ole, %cond3A_404#2, %rev3A_437 : vector<16xf32>
            %select_n3A = arith.select %le3A, %cond3A_404#2, %rev3A_437 : vector<16xi1>, vector<16xf32>
            %select_n3A_443 = arith.select %le3A, %cond3A_404#3, %rev3A_442 : vector<16xi1>, vector<16xi32>
            %select_n3A_444 = arith.select %le3A, %rev3A_437, %cond3A_404#2 : vector<16xi1>, vector<16xf32>
            %select_n3A_445 = arith.select %le3A, %rev3A_442, %cond3A_404#3 : vector<16xi1>, vector<16xi32>
            %masked_sort3A_446 = arith.constant dense<true> : vector<16xi1>
            %masked_sort3A_447, %masked_sort3A_448, %masked_sort3A_449 = tpu.sort %select_n3A, %select_n3A_443 masked %masked_sort3A_446 : (vector<16xf32>, vector<16xi32>, vector<16xi1>) -> (vector<16xi1>, vector<16xf32>, vector<16xi32>)
            %masked_sort3A_450 = arith.constant dense<true> : vector<16xi1>
            %masked_sort3A_451, %masked_sort3A_452, %masked_sort3A_453 = tpu.sort %select_n3A_444, %select_n3A_445 masked %masked_sort3A_450 : (vector<16xf32>, vector<16xi32>, vector<16xi1>) -> (vector<16xi1>, vector<16xf32>, vector<16xi32>)
            %rev3A_454 = arith.constant 15 : i32
            %rev3A_455 = vector.broadcast %rev3A_454 : i32 to vector<16xi32>
            %rev3A_456 = tpu.iota {dimensions = array<i32: 0>} : vector<16xi32>
            %rev3A_457 = arith.subi %rev3A_455, %rev3A_456 : vector<16xi32>
            %rev3A_458 = tpu.dynamic_gather %masked_sort3A_448[%rev3A_457] in [0] : vector<16xf32>, vector<16xi32> -> vector<16xf32>
            %rev3A_459 = arith.constant 15 : i32
            %rev3A_460 = vector.broadcast %rev3A_459 : i32 to vector<16xi32>
            %rev3A_461 = tpu.iota {dimensions = array<i32: 0>} : vector<16xi32>
            %rev3A_462 = arith.subi %rev3A_460, %rev3A_461 : vector<16xi32>
            %rev3A_463 = tpu.dynamic_gather %masked_sort3A_449[%rev3A_462] in [0] : vector<16xi32>, vector<16xi32> -> vector<16xi32>
            %le3A_464 = arith.cmpf ole, %cond3A_404#0, %rev3A_458 : vector<16xf32>
            %select_n3A_465 = arith.select %le3A_464, %cond3A_404#0, %rev3A_458 : vector<16xi1>, vector<16xf32>
            %select_n3A_466 = arith.select %le3A_464, %cond3A_404#1, %rev3A_463 : vector<16xi1>, vector<16xi32>
            %select_n3A_467 = arith.select %le3A_464, %rev3A_458, %cond3A_404#0 : vector<16xi1>, vector<16xf32>
            %select_n3A_468 = arith.select %le3A_464, %rev3A_463, %cond3A_404#1 : vector<16xi1>, vector<16xi32>
            %masked_sort3A_469 = arith.constant dense<true> : vector<16xi1>
            %masked_sort3A_470, %masked_sort3A_471, %masked_sort3A_472 = tpu.sort %select_n3A_465, %select_n3A_466 masked %masked_sort3A_469 : (vector<16xf32>, vector<16xi32>, vector<16xi1>) -> (vector<16xi1>, vector<16xf32>, vector<16xi32>)
            %masked_sort3A_473 = arith.constant dense<true> : vector<16xi1>
            %masked_sort3A_474, %masked_sort3A_475, %masked_sort3A_476 = tpu.sort %select_n3A_467, %select_n3A_468 masked %masked_sort3A_473 : (vector<16xf32>, vector<16xi32>, vector<16xi1>) -> (vector<16xi1>, vector<16xf32>, vector<16xi32>)
            %reduce_max3A_477 = arith.constant true
            %reduce_max3A_478 = vector.broadcast %reduce_max3A_477 : i1 to vector<16xi1>
            %reduce_max3A_479 = tpu.scan <max>, %masked_sort3A_475 masked %reduce_max3A_478 : vector<16xf32>, vector<16xi1> -> vector<16xf32>
            %reduce_max3A_480 = vector.extract %reduce_max3A_479[15] : f32 from vector<16xf32>
            scf.yield %masked_sort3A_471, %masked_sort3A_472, %masked_sort3A_475, %masked_sort3A_476, %reduce_max3A_480 : vector<16xf32>, vector<16xi32>, vector<16xf32>, vector<16xi32>, f32
          } else {
            scf.yield %cond3A_404#0, %cond3A_404#1, %cond3A_404#2, %cond3A_404#3, %cond3A_404#4 : vector<16xf32>, vector<16xi32>, vector<16xf32>, vector<16xi32>, f32
          }
          %add3A_416 = arith.constant 7 : i32
          %add3A_417 = arith.addi %mul3A_76, %add3A_416 : i32
          %reduce_min3A_418 = arith.constant true
          %reduce_min3A_419 = vector.broadcast %reduce_min3A_418 : i1 to vector<16xi1>
          %reduce_min3A_420 = tpu.scan <min>, %add3A_324 masked %reduce_min3A_419 : vector<16xf32>, vector<16xi1> -> vector<16xf32>
          %reduce_min3A_421 = vector.extract %reduce_min3A_420[15] : f32 from vector<16xf32>
          %lt3A_422 = arith.cmpf olt, %reduce_min3A_421, %cond3A_415#4 : f32
          %convert_element_type3A_423 = arith.extui %lt3A_422 : i1 to i32
          %cond3A_424 = arith.constant 0 : i32
          %cond3A_425 = arith.cmpi ne, %convert_element_type3A_423, %cond3A_424 : i32
          %cond3A_426:5 = scf.if %cond3A_425 -> (vector<16xf32>, vector<16xi32>, vector<16xf32>, vector<16xi32>, f32) {
            %mul3A_427 = arith.constant 16 : i32
            %mul3A_428 = arith.muli %add3A_417, %mul3A_427 : i32
            %add3A_429 = vector.broadcast %mul3A_428 : i32 to vector<16xi32>
            %add3A_430 = arith.addi %iota3A, %add3A_429 : vector<16xi32>
            %masked_sort3A = arith.constant dense<true> : vector<16xi1>
            %masked_sort3A_431, %masked_sort3A_432, %masked_sort3A_433 = tpu.sort %add3A_324, %add3A_430 masked %masked_sort3A : (vector<16xf32>, vector<16xi32>, vector<16xi1>) -> (vector<16xi1>, vector<16xf32>, vector<16xi32>)
            %rev3A = arith.constant 15 : i32
            %rev3A_434 = vector.broadcast %rev3A : i32 to vector<16xi32>
            %rev3A_435 = tpu.iota {dimensions = array<i32: 0>} : vector<16xi32>
            %rev3A_436 = arith.subi %rev3A_434, %rev3A_435 : vector<16xi32>
            %rev3A_437 = tpu.dynamic_gather %masked_sort3A_432[%rev3A_436] in [0] : vector<16xf32>, vector<16xi32> -> vector<16xf32>
            %rev3A_438 = arith.constant 15 : i32
            %rev3A_439 = vector.broadcast %rev3A_438 : i32 to vector<16xi32>
            %rev3A_440 = tpu.iota {dimensions = array<i32: 0>} : vector<16xi32>
            %rev3A_441 = arith.subi %rev3A_439, %rev3A_440 : vector<16xi32>
            %rev3A_442 = tpu.dynamic_gather %masked_sort3A_433[%rev3A_441] in [0] : vector<16xi32>, vector<16xi32> -> vector<16xi32>
            %le3A = arith.cmpf ole, %cond3A_415#2, %rev3A_437 : vector<16xf32>
            %select_n3A = arith.select %le3A, %cond3A_415#2, %rev3A_437 : vector<16xi1>, vector<16xf32>
            %select_n3A_443 = arith.select %le3A, %cond3A_415#3, %rev3A_442 : vector<16xi1>, vector<16xi32>
            %select_n3A_444 = arith.select %le3A, %rev3A_437, %cond3A_415#2 : vector<16xi1>, vector<16xf32>
            %select_n3A_445 = arith.select %le3A, %rev3A_442, %cond3A_415#3 : vector<16xi1>, vector<16xi32>
            %masked_sort3A_446 = arith.constant dense<true> : vector<16xi1>
            %masked_sort3A_447, %masked_sort3A_448, %masked_sort3A_449 = tpu.sort %select_n3A, %select_n3A_443 masked %masked_sort3A_446 : (vector<16xf32>, vector<16xi32>, vector<16xi1>) -> (vector<16xi1>, vector<16xf32>, vector<16xi32>)
            %masked_sort3A_450 = arith.constant dense<true> : vector<16xi1>
            %masked_sort3A_451, %masked_sort3A_452, %masked_sort3A_453 = tpu.sort %select_n3A_444, %select_n3A_445 masked %masked_sort3A_450 : (vector<16xf32>, vector<16xi32>, vector<16xi1>) -> (vector<16xi1>, vector<16xf32>, vector<16xi32>)
            %rev3A_454 = arith.constant 15 : i32
            %rev3A_455 = vector.broadcast %rev3A_454 : i32 to vector<16xi32>
            %rev3A_456 = tpu.iota {dimensions = array<i32: 0>} : vector<16xi32>
            %rev3A_457 = arith.subi %rev3A_455, %rev3A_456 : vector<16xi32>
            %rev3A_458 = tpu.dynamic_gather %masked_sort3A_448[%rev3A_457] in [0] : vector<16xf32>, vector<16xi32> -> vector<16xf32>
            %rev3A_459 = arith.constant 15 : i32
            %rev3A_460 = vector.broadcast %rev3A_459 : i32 to vector<16xi32>
            %rev3A_461 = tpu.iota {dimensions = array<i32: 0>} : vector<16xi32>
            %rev3A_462 = arith.subi %rev3A_460, %rev3A_461 : vector<16xi32>
            %rev3A_463 = tpu.dynamic_gather %masked_sort3A_449[%rev3A_462] in [0] : vector<16xi32>, vector<16xi32> -> vector<16xi32>
            %le3A_464 = arith.cmpf ole, %cond3A_415#0, %rev3A_458 : vector<16xf32>
            %select_n3A_465 = arith.select %le3A_464, %cond3A_415#0, %rev3A_458 : vector<16xi1>, vector<16xf32>
            %select_n3A_466 = arith.select %le3A_464, %cond3A_415#1, %rev3A_463 : vector<16xi1>, vector<16xi32>
            %select_n3A_467 = arith.select %le3A_464, %rev3A_458, %cond3A_415#0 : vector<16xi1>, vector<16xf32>
            %select_n3A_468 = arith.select %le3A_464, %rev3A_463, %cond3A_415#1 : vector<16xi1>, vector<16xi32>
            %masked_sort3A_469 = arith.constant dense<true> : vector<16xi1>
            %masked_sort3A_470, %masked_sort3A_471, %masked_sort3A_472 = tpu.sort %select_n3A_465, %select_n3A_466 masked %masked_sort3A_469 : (vector<16xf32>, vector<16xi32>, vector<16xi1>) -> (vector<16xi1>, vector<16xf32>, vector<16xi32>)
            %masked_sort3A_473 = arith.constant dense<true> : vector<16xi1>
            %masked_sort3A_474, %masked_sort3A_475, %masked_sort3A_476 = tpu.sort %select_n3A_467, %select_n3A_468 masked %masked_sort3A_473 : (vector<16xf32>, vector<16xi32>, vector<16xi1>) -> (vector<16xi1>, vector<16xf32>, vector<16xi32>)
            %reduce_max3A_477 = arith.constant true
            %reduce_max3A_478 = vector.broadcast %reduce_max3A_477 : i1 to vector<16xi1>
            %reduce_max3A_479 = tpu.scan <max>, %masked_sort3A_475 masked %reduce_max3A_478 : vector<16xf32>, vector<16xi1> -> vector<16xf32>
            %reduce_max3A_480 = vector.extract %reduce_max3A_479[15] : f32 from vector<16xf32>
            scf.yield %masked_sort3A_471, %masked_sort3A_472, %masked_sort3A_475, %masked_sort3A_476, %reduce_max3A_480 : vector<16xf32>, vector<16xi32>, vector<16xf32>, vector<16xi32>, f32
          } else {
            scf.yield %cond3A_415#0, %cond3A_415#1, %cond3A_415#2, %cond3A_415#3, %cond3A_415#4 : vector<16xf32>, vector<16xi32>, vector<16xf32>, vector<16xi32>, f32
          }
          scf.yield %cond3A_426#0, %cond3A_426#1, %cond3A_426#2, %cond3A_426#3, %cond3A_426#4 : vector<16xf32>, vector<16xi32>, vector<16xf32>, vector<16xi32>, f32
        } else {
          scf.yield %while3A_70, %while3A_71, %while3A_72, %while3A_73, %while3A_74 : vector<16xf32>, vector<16xi32>, vector<16xf32>, vector<16xi32>, f32
        }
        %gt3A = arith.cmpf ogt, %reduce_min3A_334, %cond3A_336#4 : f32
        %sub3A_337 = arith.constant 1 : i32
        %sub3A_338 = arith.subi %while3A_68, %sub3A_337 : i32
        scf.yield %sub3A_338, %gt3A, %cond3A_336#0, %cond3A_336#1, %cond3A_336#2, %cond3A_336#3, %cond3A_336#4 : i32, i1, vector<16xf32>, vector<16xi32>, vector<16xf32>, vector<16xi32>, f32
      }
      %gather3A = tpu.vector_load_idx %arg18[%while3A_57#3] : memref<10112xi32, #tpu.memory_space<vmem>>[vector<16xi32>], vector<16xi32>,
      %mul3A_58 = arith.constant 32 : i32
      %mul3A_59 = arith.muli %scan3A_24, %mul3A_58 : i32
      %swap3A = arith.index_cast %mul3A_59 : i32 to index
      %swap3A_60 = tpu.vector_load %arg23[%swap3A] {strides = array<i32>} : memref<10240xi32, #tpu.memory_space<vmem>>, vector<16xi32>,
      tpu.vector_store %arg23[%swap3A], %gather3A {strides = array<i32>} : memref<10240xi32, #tpu.memory_space<vmem>>, vector<16xi32>,
      %gather3A_61 = tpu.vector_load_idx %arg18[%while3A_57#5] : memref<10112xi32, #tpu.memory_space<vmem>>[vector<16xi32>], vector<16xi32>,
      %mul3A_62 = arith.constant 32 : i32
      %mul3A_63 = arith.muli %scan3A_24, %mul3A_62 : i32
      %add3A_64 = arith.constant 16 : i32
      %add3A_65 = arith.addi %mul3A_63, %add3A_64 : i32
      %swap3A_66 = arith.index_cast %add3A_65 : i32 to index
      %swap3A_67 = tpu.vector_load %arg23[%swap3A_66] {strides = array<i32>} : memref<10240xi32, #tpu.memory_space<vmem>>, vector<16xi32>,
      tpu.vector_store %arg23[%swap3A_66], %gather3A_61 {strides = array<i32>} : memref<10240xi32, #tpu.memory_space<vmem>>, vector<16xi32>,
    }
    %scan3A_21 = arith.constant 320 : i32
    %mul3A_22 = arith.constant 32 : i32
    %mul3A_23 = arith.muli %mul3A_2, %mul3A_22 : i32
    "tpu.region"() ({
      %run_scoped3A = tpu.sem_alloc : memref<!tpu.dma_semaphore, #tpu.memory_space<semaphore_mem>>
      %dma_start3A = tpu.memref_slice %arg10[%mul3A_23] : memref<327680xi32, #tpu.memory_space<hbm>> -> memref<10240xi32, #tpu.memory_space<hbm>>
      %dma_start3A_24 = tpu.memref_slice %arg10[%mul3A_23] : memref<327680xi32, #tpu.memory_space<hbm>> -> memref<10240xi32, #tpu.memory_space<hbm>>
      tpu.enqueue_dma source(%arg23 : memref<10240xi32, #tpu.memory_space<vmem>>) target(%dma_start3A_24 : memref<10240xi32, #tpu.memory_space<hbm>>) target_semaphore(%run_scoped3A : memref<!tpu.dma_semaphore, #tpu.memory_space<semaphore_mem>>)
      %dma_wait3A = tpu.memref_slice %arg10[%mul3A_23] : memref<327680xi32, #tpu.memory_space<hbm>> -> memref<10240xi32, #tpu.memory_space<hbm>>
      %dma_wait3A_25 = tpu.memref_slice %arg10[%mul3A_23] : memref<327680xi32, #tpu.memory_space<hbm>> -> memref<10240xi32, #tpu.memory_space<hbm>>
      tpu.wait_dma2 semaphore(%run_scoped3A : memref<!tpu.dma_semaphore, #tpu.memory_space<semaphore_mem>>) src(%arg23 : memref<10240xi32, #tpu.memory_space<vmem>>) dst(%dma_wait3A_25 : memref<10240xi32, #tpu.memory_space<hbm>>)
      tpu.yield
    }) : () -> ()
    return
  }
}

#map = affine_map<(d0, d1) -> (0, 0)>
#map1 = affine_map<(d0, d1) -> (0)>
module attributes {stable_mosaic.version = 14 : i64} {
  func.func @_gather_sc_kernel(%arg0: i32, %arg1: i32, %arg2: memref<10000x128xf32, #tpu.memory_space<hbm>>, %arg3: memref<320000xi32, #tpu.memory_space<hbm>>, %arg4: memref<320000x128xf32, #tpu.memory_space<hbm>>, %arg5: memref<10000xi32, #tpu.memory_space<vmem>>, %arg6: memref<400x128xf32, #tpu.memory_space<vmem>>, %arg7: memref<!tpu.dma_semaphore, #tpu.memory_space<semaphore_mem>>) attributes {dimension_semantics = [#tpu.dimension_semantics<core_parallel>, #tpu.dimension_semantics<subcore_parallel>], iteration_bounds = array<i64: 2, 16>, scalar_prefetch = 0 : i64, scratch_operands = 3 : i64, tpu.core_type = #tpu.core_type<sc_vector_subcore>, window_params = [{transform_indices = #map}, {transform_indices = #map1}, {transform_indices = #map}]} {
    %mul3A = arith.constant 2 : i32
    %mul3A_0 = arith.muli %arg1, %mul3A : i32
    %add3A = arith.addi %mul3A_0, %arg0 : i32
    %mul3A_1 = arith.constant 10000 : i32
    %mul3A_2 = arith.muli %add3A, %mul3A_1 : i32
    "tpu.region"() ({
      %run_scoped3A = tpu.sem_alloc : memref<!tpu.dma_semaphore, #tpu.memory_space<semaphore_mem>>
      %dma_start3A = tpu.memref_slice %arg3[%mul3A_2] : memref<320000xi32, #tpu.memory_space<hbm>> -> memref<10000xi32, #tpu.memory_space<hbm>>
      %dma_start3A_8 = tpu.memref_slice %arg3[%mul3A_2] : memref<320000xi32, #tpu.memory_space<hbm>> -> memref<10000xi32, #tpu.memory_space<hbm>>
      tpu.enqueue_dma source(%dma_start3A_8 : memref<10000xi32, #tpu.memory_space<hbm>>) target(%arg5 : memref<10000xi32, #tpu.memory_space<vmem>>) target_semaphore(%run_scoped3A : memref<!tpu.dma_semaphore, #tpu.memory_space<semaphore_mem>>)
      %dma_wait3A = tpu.memref_slice %arg3[%mul3A_2] : memref<320000xi32, #tpu.memory_space<hbm>> -> memref<10000xi32, #tpu.memory_space<hbm>>
      %dma_wait3A_9 = tpu.memref_slice %arg3[%mul3A_2] : memref<320000xi32, #tpu.memory_space<hbm>> -> memref<10000xi32, #tpu.memory_space<hbm>>
      tpu.wait_dma2 semaphore(%run_scoped3A : memref<!tpu.dma_semaphore, #tpu.memory_space<semaphore_mem>>) src(%dma_wait3A_9 : memref<10000xi32, #tpu.memory_space<hbm>>) dst(%arg5 : memref<10000xi32, #tpu.memory_space<vmem>>)
      tpu.yield
    }) : () -> ()
    %scan3A = arith.constant 0 : i32
    %scan3A_3 = arith.constant 0 : i32
    %scan3A_4 = arith.constant 25 : i32
    %scan3A_5 = arith.addi %scan3A_3, %scan3A_4 : i32
    %scan3A_6 = arith.constant 1 : i32
    scf.for %scan3A_8 = %scan3A_3 to %scan3A_5 step %scan3A_6  : i32 {
      %mul3A_9 = arith.constant 400 : i32
      %mul3A_10 = arith.muli %scan3A_8, %mul3A_9 : i32
      %dma_start3A = tpu.memref_slice %arg5[%mul3A_10] : memref<10000xi32, #tpu.memory_space<vmem>> -> memref<400xi32, #tpu.memory_space<vmem>>
      %dma_start3A_11 = arith.constant 0 : i32
      %dma_start3A_12 = arith.constant 0 : i32
      %dma_start3A_13 = tpu.memref_slice %arg2[%dma_start3A_11, %dma_start3A_12] : memref<10000x128xf32, #tpu.memory_space<hbm>> -> memref<10000x128xf32, #tpu.memory_space<hbm>>
      tpu.enqueue_indirect_dma source(%dma_start3A_13 : memref<10000x128xf32, #tpu.memory_space<hbm>>) target(%arg6 : memref<400x128xf32, #tpu.memory_space<vmem>>) offsets(%dma_start3A : memref<400xi32, #tpu.memory_space<vmem>>) semaphore(%arg7 : memref<!tpu.dma_semaphore, #tpu.memory_space<semaphore_mem>>)
      %dma_wait3A = tpu.memref_slice %arg5[%mul3A_10] : memref<10000xi32, #tpu.memory_space<vmem>> -> memref<400xi32, #tpu.memory_space<vmem>>
      %dma_wait3A_14 = arith.constant 0 : i32
      %dma_wait3A_15 = arith.constant 0 : i32
      %dma_wait3A_16 = tpu.memref_slice %arg2[%dma_wait3A_14, %dma_wait3A_15] : memref<10000x128xf32, #tpu.memory_space<hbm>> -> memref<10000x128xf32, #tpu.memory_space<hbm>>
      tpu.wait_indirect_dma semaphore(%arg7 : memref<!tpu.dma_semaphore, #tpu.memory_space<semaphore_mem>>) src(%dma_wait3A_16 : memref<10000x128xf32, #tpu.memory_space<hbm>>) dst(%arg6 : memref<400x128xf32, #tpu.memory_space<vmem>>)
      %mul3A_17 = arith.constant 400 : i32
      %mul3A_18 = arith.muli %scan3A_8, %mul3A_17 : i32
      %add3A_19 = arith.addi %mul3A_2, %mul3A_18 : i32
      "tpu.region"() ({
        %run_scoped3A = tpu.sem_alloc : memref<!tpu.dma_semaphore, #tpu.memory_space<semaphore_mem>>
        %dma_start3A_20 = arith.constant 0 : i32
        %dma_start3A_21 = tpu.memref_slice %arg4[%add3A_19, %dma_start3A_20] : memref<320000x128xf32, #tpu.memory_space<hbm>> -> memref<400x128xf32, #tpu.memory_space<hbm>>
        %dma_start3A_22 = arith.constant 0 : i32
        %dma_start3A_23 = tpu.memref_slice %arg4[%add3A_19, %dma_start3A_22] : memref<320000x128xf32, #tpu.memory_space<hbm>> -> memref<400x128xf32, #tpu.memory_space<hbm>>
        tpu.enqueue_dma source(%arg6 : memref<400x128xf32, #tpu.memory_space<vmem>>) target(%dma_start3A_23 : memref<400x128xf32, #tpu.memory_space<hbm>>) target_semaphore(%run_scoped3A : memref<!tpu.dma_semaphore, #tpu.memory_space<semaphore_mem>>)
        %dma_wait3A_24 = arith.constant 0 : i32
        %dma_wait3A_25 = tpu.memref_slice %arg4[%add3A_19, %dma_wait3A_24] : memref<320000x128xf32, #tpu.memory_space<hbm>> -> memref<400x128xf32, #tpu.memory_space<hbm>>
        %dma_wait3A_26 = arith.constant 0 : i32
        %dma_wait3A_27 = tpu.memref_slice %arg4[%add3A_19, %dma_wait3A_26] : memref<320000x128xf32, #tpu.memory_space<hbm>> -> memref<400x128xf32, #tpu.memory_space<hbm>>
        tpu.wait_dma2 semaphore(%run_scoped3A : memref<!tpu.dma_semaphore, #tpu.memory_space<semaphore_mem>>) src(%arg6 : memref<400x128xf32, #tpu.memory_space<vmem>>) dst(%dma_wait3A_27 : memref<400x128xf32, #tpu.memory_space<hbm>>)
        tpu.yield
      }) : () -> ()
    }
    %scan3A_7 = arith.constant 25 : i32
    return
  }
}

module attributes {stable_mosaic.version = 14 : i64} {
  func.func @_mlp_body(%arg0: i32, %arg1: memref<2560x128xf32, #tpu.memory_space<vmem>>, %arg2: memref<80x128xf32, #tpu.memory_space<vmem>>, %arg3: memref<80x32xf32, #tpu.memory_space<vmem>>, %arg4: memref<128x128xf32, #tpu.memory_space<vmem>>, %arg5: memref<128xf32, #tpu.memory_space<vmem>>, %arg6: memref<128x128xf32, #tpu.memory_space<vmem>>, %arg7: memref<128xf32, #tpu.memory_space<vmem>>, %arg8: memref<128xf32, #tpu.memory_space<vmem>>, %arg9: memref<1xf32, #tpu.memory_space<vmem>>, %arg10: memref<80x32xf32, #tpu.memory_space<vmem>>, %arg11: memref<1x1xf32, #tpu.memory_space<vmem>>) attributes {dimension_semantics = [#tpu.dimension_semantics<arbitrary>], iteration_bounds = array<i64: 125>, scalar_prefetch = 0 : i64, scratch_operands = 0 : i64, tpu.core_type = #tpu.core_type<tc>, window_params = [{transform_indices = @transform_0, window_bounds = array<i64: 2560, 128>}, {transform_indices = @transform_1, window_bounds = array<i64: 80, 128>}, {transform_indices = @transform_2, window_bounds = array<i64: 80, 32>}, {pipeline_mode = #tpu.pipeline_mode<synchronous>, transform_indices = @transform_3, window_bounds = array<i64: 128, 128>}, {pipeline_mode = #tpu.pipeline_mode<synchronous>, transform_indices = @transform_4, window_bounds = array<i64: 128>}, {pipeline_mode = #tpu.pipeline_mode<synchronous>, transform_indices = @transform_5, window_bounds = array<i64: 128, 128>}, {pipeline_mode = #tpu.pipeline_mode<synchronous>, transform_indices = @transform_6, window_bounds = array<i64: 128>}, {pipeline_mode = #tpu.pipeline_mode<synchronous>, transform_indices = @transform_7, window_bounds = array<i64: 128>}, {pipeline_mode = #tpu.pipeline_mode<synchronous>, transform_indices = @transform_8, window_bounds = array<i64: 1>}, {transform_indices = @transform_9, window_bounds = array<i64: 80, 32>}, {pipeline_mode = #tpu.pipeline_mode<synchronous>, transform_indices = @transform_10, window_bounds = array<i64: 1, 1>}]} {
    %get3A = arith.constant 0 : index
    %get3A_0 = arith.constant 0 : index
    %get3A_1 = vector.load %arg2[%get3A, %get3A_0] : memref<80x128xf32, #tpu.memory_space<vmem>>, vector<80x128xf32>
    %get3A_2 = arith.constant 0 : index
    %get3A_3 = arith.constant 0 : index
    %get3A_4 = vector.load %arg1[%get3A_2, %get3A_3] : memref<2560x128xf32, #tpu.memory_space<vmem>>, vector<2560x128xf32>
    %broadcast_in_dim3A = vector.shape_cast %get3A_1 : vector<80x128xf32> to vector<80x1x128xf32>
    %broadcast_in_dim3A_5 = vector.shape_cast %broadcast_in_dim3A : vector<80x1x128xf32> to vector<80x1x128xf32>
    %broadcast_in_dim3A_6 = vector.broadcast %broadcast_in_dim3A_5 : vector<80x1x128xf32> to vector<80x32x128xf32>
    %reshape3A = vector.shape_cast %broadcast_in_dim3A_6 : vector<80x32x128xf32> to vector<2560x128xf32>
    %add3A = arith.addf %get3A_4, %reshape3A : vector<2560x128xf32>
    %max3A = arith.constant 0.000000e+00 : f32
    %max3A_7 = vector.broadcast %max3A : f32 to vector<2560x128xf32>
    %max3A_8 = arith.maximumf %add3A, %max3A_7 : vector<2560x128xf32>
    %get3A_9 = arith.constant 0 : index
    %get3A_10 = arith.constant 0 : index
    %get3A_11 = vector.load %arg4[%get3A_9, %get3A_10] : memref<128x128xf32, #tpu.memory_space<vmem>>, vector<128x128xf32>
    %dot_general3A = arith.constant dense<0.000000e+00> : vector<2560x128xf32>
    %dot_general3A_12 = tpu.matmul %max3A_8, %get3A_11, %dot_general3A {dimension_numbers = #tpu.dot_dimension_numbers<[1], [0], [0], [1], [0, 0, 1, 1], [], []>, precision = #tpu.contract_precision<fp32>, transpose_lhs_hint = false} : vector<2560x128xf32>, vector<128x128xf32>, vector<2560x128xf32> -> vector<2560x128xf32>
    %get3A_13 = arith.constant 0 : index
    %get3A_14 = vector.load %arg5[%get3A_13] : memref<128xf32, #tpu.memory_space<vmem>>, vector<128xf32>
    %broadcast_in_dim3A_15 = vector.shape_cast %get3A_14 : vector<128xf32> to vector<1x128xf32>
    %add3A_16 = vector.broadcast %broadcast_in_dim3A_15 : vector<1x128xf32> to vector<2560x128xf32>
    %add3A_17 = arith.addf %dot_general3A_12, %add3A_16 : vector<2560x128xf32>
    %max3A_18 = arith.constant 0.000000e+00 : f32
    %max3A_19 = vector.broadcast %max3A_18 : f32 to vector<2560x128xf32>
    %max3A_20 = arith.maximumf %add3A_17, %max3A_19 : vector<2560x128xf32>
    %get3A_21 = arith.constant 0 : index
    %get3A_22 = arith.constant 0 : index
    %get3A_23 = vector.load %arg6[%get3A_21, %get3A_22] : memref<128x128xf32, #tpu.memory_space<vmem>>, vector<128x128xf32>
    %dot_general3A_24 = arith.constant dense<0.000000e+00> : vector<2560x128xf32>
    %dot_general3A_25 = tpu.matmul %max3A_20, %get3A_23, %dot_general3A_24 {dimension_numbers = #tpu.dot_dimension_numbers<[1], [0], [0], [1], [0, 0, 1, 1], [], []>, precision = #tpu.contract_precision<fp32>, transpose_lhs_hint = false} : vector<2560x128xf32>, vector<128x128xf32>, vector<2560x128xf32> -> vector<2560x128xf32>
    %get3A_26 = arith.constant 0 : index
    %get3A_27 = vector.load %arg7[%get3A_26] : memref<128xf32, #tpu.memory_space<vmem>>, vector<128xf32>
    %broadcast_in_dim3A_28 = vector.shape_cast %get3A_27 : vector<128xf32> to vector<1x128xf32>
    %add3A_29 = vector.broadcast %broadcast_in_dim3A_28 : vector<1x128xf32> to vector<2560x128xf32>
    %add3A_30 = arith.addf %dot_general3A_25, %add3A_29 : vector<2560x128xf32>
    %get3A_31 = arith.constant 0 : index
    %get3A_32 = vector.load %arg8[%get3A_31] : memref<128xf32, #tpu.memory_space<vmem>>, vector<128xf32>
    %dot_general3A_33 = arith.constant dense<0.000000e+00> : vector<2560xf32>
    %dot_general3A_34 = tpu.matmul %add3A_30, %get3A_32, %dot_general3A_33 {dimension_numbers = #tpu.dot_dimension_numbers<[1], [0], [0], [], [0, 0], [], []>, precision = #tpu.contract_precision<fp32>, transpose_lhs_hint = false} : vector<2560x128xf32>, vector<128xf32>, vector<2560xf32> -> vector<2560xf32>
    %get3A_35 = arith.constant 0 : index
    %get3A_36 = vector.load %arg9[%get3A_35] : memref<1xf32, #tpu.memory_space<vmem>>, vector<1xf32>
    %add3A_37 = vector.broadcast %get3A_36 : vector<1xf32> to vector<2560xf32>
    %add3A_38 = arith.addf %dot_general3A_34, %add3A_37 : vector<2560xf32>
    %reshape3A_39 = vector.shape_cast %add3A_38 : vector<2560xf32> to vector<80x32xf32>
    %swap3A = arith.constant 0 : index
    %swap3A_40 = arith.constant 0 : index
    %swap3A_41 = vector.load %arg10[%swap3A, %swap3A_40] : memref<80x32xf32, #tpu.memory_space<vmem>>, vector<80x32xf32>
    tpu.vector_store %arg10[%swap3A, %swap3A_40], %reshape3A_39 {strides = array<i32>} : memref<80x32xf32, #tpu.memory_space<vmem>>, vector<80x32xf32>,
    %get3A_42 = arith.constant 0 : index
    %get3A_43 = arith.constant 0 : index
    %get3A_44 = vector.load %arg3[%get3A_42, %get3A_43] : memref<80x32xf32, #tpu.memory_space<vmem>>, vector<80x32xf32>
    %max3A_45 = arith.constant 0.000000e+00 : f32
    %max3A_46 = vector.broadcast %max3A_45 : f32 to vector<80x32xf32>
    %max3A_47 = arith.maximumf %reshape3A_39, %max3A_46 : vector<80x32xf32>
    %mul3A = arith.mulf %reshape3A_39, %get3A_44 : vector<80x32xf32>
    %sub3A = arith.subf %max3A_47, %mul3A : vector<80x32xf32>
    %abs3A = math.absf %reshape3A_39 : vector<80x32xf32>
    %neg3A = arith.constant 0.000000e+00 : f32
    %neg3A_48 = vector.broadcast %neg3A : f32 to vector<80x32xf32>
    %neg3A_49 = arith.subf %neg3A_48, %abs3A : vector<80x32xf32>
    %exp3A = math.exp %neg3A_49 : vector<80x32xf32>
    %log1p3A = math.log1p %exp3A : vector<80x32xf32>
    %add3A_50 = arith.addf %sub3A, %log1p3A : vector<80x32xf32>
    %reduce_sum3A = vector.shape_cast %add3A_50 : vector<80x32xf32> to vector<1x80x32xf32>
    %reduce_sum3A_51 = arith.constant dense<0.000000e+00> : vector<1xf32>
    %reduce_sum3A_52 = vector.multi_reduction <add>, %reduce_sum3A, %reduce_sum3A_51 [1, 2] : vector<1x80x32xf32> to vector<1xf32>
    %reduce_sum3A_53 = vector.shape_cast %reduce_sum3A_52 : vector<1xf32> to vector<1x1x1xf32>
    %reduce_sum3A_54 = vector.extract %reduce_sum3A_53[0, 0, 0] : f32 from vector<1x1x1xf32>
    %reshape3A_55 = vector.broadcast %reduce_sum3A_54 : f32 to vector<1x1xf32>
    %eq3A = arith.constant 0 : i32
    %eq3A_56 = arith.cmpi eq, %arg0, %eq3A : i32
    %convert_element_type3A = arith.extui %eq3A_56 : i1 to i32
    %cond3A = arith.constant 0 : i32
    %cond3A_57 = arith.cmpi ne, %convert_element_type3A, %cond3A : i32
    scf.if %cond3A_57 {
      %broadcast_in_dim3A_65 = arith.constant 0.000000e+00 : f32
      %broadcast_in_dim3A_66 = vector.broadcast %broadcast_in_dim3A_65 : f32 to vector<1x1xf32>
      %swap3A_67 = arith.constant 0 : index
      %swap3A_68 = arith.constant 0 : index
      %swap3A_69 = vector.load %arg11[%swap3A_67, %swap3A_68] : memref<1x1xf32, #tpu.memory_space<vmem>>, vector<1x1xf32>
      tpu.vector_store %arg11[%swap3A_67, %swap3A_68], %broadcast_in_dim3A_66 {strides = array<i32>} : memref<1x1xf32, #tpu.memory_space<vmem>>, vector<1x1xf32>,
    } else {
    }
    %get3A_58 = arith.constant 0 : index
    %get3A_59 = arith.constant 0 : index
    %get3A_60 = vector.load %arg11[%get3A_58, %get3A_59] : memref<1x1xf32, #tpu.memory_space<vmem>>, vector<1x1xf32>
    %add3A_61 = arith.addf %get3A_60, %reshape3A_55 : vector<1x1xf32>
    %swap3A_62 = arith.constant 0 : index
    %swap3A_63 = arith.constant 0 : index
    %swap3A_64 = vector.load %arg11[%swap3A_62, %swap3A_63] : memref<1x1xf32, #tpu.memory_space<vmem>>, vector<1x1xf32>
    tpu.vector_store %arg11[%swap3A_62, %swap3A_63], %add3A_61 {strides = array<i32>} : memref<1x1xf32, #tpu.memory_space<vmem>>, vector<1x1xf32>,
    return
  }
  func.func @transform_0(%arg0: i32) -> (i32, i32) {
    %c0_i32 = arith.constant 0 : i32
    %c0_i32_0 = arith.constant 0 : i32
    return %arg0, %c0_i32 : i32, i32
  }
  func.func @transform_1(%arg0: i32) -> (i32, i32) {
    %c0_i32 = arith.constant 0 : i32
    %c0_i32_0 = arith.constant 0 : i32
    return %arg0, %c0_i32 : i32, i32
  }
  func.func @transform_2(%arg0: i32) -> (i32, i32) {
    %c0_i32 = arith.constant 0 : i32
    %c0_i32_0 = arith.constant 0 : i32
    return %arg0, %c0_i32 : i32, i32
  }
  func.func @transform_3(%arg0: i32) -> (i32, i32) {
    %c0_i32 = arith.constant 0 : i32
    %c0_i32_0 = arith.constant 0 : i32
    %c0_i32_1 = arith.constant 0 : i32
    return %c0_i32, %c0_i32_0 : i32, i32
  }
  func.func @transform_4(%arg0: i32) -> i32 {
    %c0_i32 = arith.constant 0 : i32
    %c0_i32_0 = arith.constant 0 : i32
    return %c0_i32 : i32
  }
  func.func @transform_5(%arg0: i32) -> (i32, i32) {
    %c0_i32 = arith.constant 0 : i32
    %c0_i32_0 = arith.constant 0 : i32
    %c0_i32_1 = arith.constant 0 : i32
    return %c0_i32, %c0_i32_0 : i32, i32
  }
  func.func @transform_6(%arg0: i32) -> i32 {
    %c0_i32 = arith.constant 0 : i32
    %c0_i32_0 = arith.constant 0 : i32
    return %c0_i32 : i32
  }
  func.func @transform_7(%arg0: i32) -> i32 {
    %c0_i32 = arith.constant 0 : i32
    %c0_i32_0 = arith.constant 0 : i32
    return %c0_i32 : i32
  }
  func.func @transform_8(%arg0: i32) -> i32 {
    %c0_i32 = arith.constant 0 : i32
    %c0_i32_0 = arith.constant 0 : i32
    return %c0_i32 : i32
  }
  func.func @transform_9(%arg0: i32) -> (i32, i32) {
    %c0_i32 = arith.constant 0 : i32
    %c0_i32_0 = arith.constant 0 : i32
    return %arg0, %c0_i32 : i32, i32
  }
  func.func @transform_10(%arg0: i32) -> (i32, i32) {
    %c0_i32 = arith.constant 0 : i32
    %c0_i32_0 = arith.constant 0 : i32
    %c0_i32_1 = arith.constant 0 : i32
    return %c0_i32, %c0_i32_0 : i32, i32
  }
}

</mosaic_0001>

<sc_bundles>
// kernel: gather_offload_async_start
scs
__scs_entry_jumppad:
0x0: {  	(pc) =	sbr.rel $0x88, $3  }
0x1: {  	(tag) =	ssettag $0x0;
	lr =	simm.s32 $0x1  }
0x2: {  	[smem:$0x3F94] =	sst lr;
	_ =	strace $0xD0000000  }
0x3: {  	_ = 	snop  }
0x4: {  	_ = 	snop  }
0x5: {  	_ = 	snop  }
0x6: {  	_ = 	snop  }
0x7: {  	_ = 	snop  }
__scs_overlays_trampoline_lowered:
0x8: {  	[smem:$0x3FA3] =	sst s0  }
0x9: {  	[smem:$0x3FA4] =	sst s1  }
0xa: {  	[smem:$0x3FA5] =	sst s2  }
0xb: {  	[smem:$0x3FA6] =	sst s3  }
0xc: {  	[smem:$0x3FA7] =	sst s4  }
0xd: {  	[smem:$0x3FA8] =	sst s5  }
0xe: {  	[smem:$0x3FA9] =	sst s6  }
0xf: {  	[smem:$0x3FAA] =	sst s7  }
0x10: {  	[smem:$0x3FAB] =	sst s8  }
0x11: {  	[smem:$0x3FAC] =	sst s9;
	s0 =	simm.s32 @!p0 $0x0  }
0x12: {  	s1 =	sld [smem:$0x3F92];
	s0 =	simm.s32 @p0 $0x1  }
0x13: {  	[smem:$0x3FAD] =	sst s0;
	s0 =	simm.s32 @!p1 $0x0  }
0x14: {  	s2 =	sld [smem:$0x3F91];
	s0 =	simm.s32 @p1 $0x1  }
0x15: {  	[smem:$0x3FAE] =	sst s0;
	s0 =	simm.s32 @!p2 $0x0  }
0x16: {  	s3 =	sld [smem:$0x3FDB];
	s0 =	simm.s32 @p2 $0x1  }
0x17: {  	s4 =	simm.s32 $0x1BF5;
	[smem:$0x3FB0] =	sst s0  }
0x18: {  	s0 =	sld [smem:$0x3F93];
	_ =	swait.ge [sflag:s4], $0x0  }
0x19: {  	s7 =	sld [smem:$0x3F94]  }
0x1a: {  	s8 =	sadd.s32 $0xFFFFE003, lr  }
0x1b: {  	s9 =	sadd.s32 $0xFFFFFEF7, lr;
	s5 =	simm.s32 $0xFFFFFFFF;
	p2 =	slt.u32 s8, $0xFFFFF086  }
0x1c: {  	p1 =	slt.u32 s9, $0xF7A;
	s5 =	simm.s32 @!p2 $0x0  }
0x1d: {  	s5 =	simm.s32 @p1 $0x1;
	p0 =	seq.s32 s7, s2  }
0x1e: {  	s7 =	smul.u32 @!p0 $0xF7A, s2;
	p2 =	seq.s32 @!p0 s5, $0x0  }
0x1f: {  	s9 =	smul.u32 $0xF7A, s1;
	s8 =	simm.s32 @!p0 $0x1BF5;
	p2 =	por !p2, p0  }
0x20: {  	[sflag:s8] =	ssyncset.s32 @!p0 $0xFFFFF086;
	s6 =	sadd.s32 @!p0 s3, s7;
	s7 =	simm.s32 @!p0 $0x108  }
0x21: {  	s3 =	sadd.s32 s3, s9;
	s6 =	sadd.s32 @!p0 $0x88, s6;
	s7 =	simm.s32 @p2 $0x1082  }
0x22: {  	[simem:s7], [sflag:s8] =	dma.local @!p0 [hbm:s6], $0xF7A  }
0x23: {  	s9 =	sor.u32 $0xD0000000, s2;
	s6 =	simm.s32 $0x108;
	_ =	swait.ge @!p0 [sflag:s8], $0x0  }
0x24: {  	s3 =	sadd.s32 $0x88, s3;
	s6 =	simm.s32 @!p1 $0x1082;
	[sflag:s4] =	ssyncset.s32 $0xFFFFF086  }
0x25: {  	[simem:s6], [sflag:s4] =	dma.local [hbm:s3], $0xF7A  }
0x26: {  	[smem:$0x3F94] =	sst s1;
	(tag) =	ssettag s2;
	_ =	strace s9  }
0x27: {  	s1 =	sld [smem:$0x3FA4]  }
0x28: {  	s2 =	sld [smem:$0x3FA5]  }
0x29: {  	s4 =	sld [smem:$0x3FA7]  }
0x2a: {  	p0 =	seq.s32 s5, $0x0;
	s5 =	sld [smem:$0x3FA8]  }
0x2b: {  	s6 =	sld [smem:$0x3FA9]  }
0x2c: {  	s7 =	sld [smem:$0x3FAA]  }
0x2d: {  	s3 =	simm.s32 $0x108;
	s8 =	sld [smem:$0x3FAB]  }
0x2e: {  	s3 =	simm.s32 @!p0 $0x1082;
	s9 =	sld [smem:$0x3FAC]  }
0x2f: {  	lr =	sadd.s32 s0, s3;
	s0 =	sld [smem:$0x3FA3]  }
0x30: {  	s3 =	sld [smem:$0x3FA6]  }
0x31: {  	[smem:$0x3FAF] =	sst s10  }
0x32: {  	s10 =	sld [smem:$0x3FAD];
	_ =	sdelay $0x3  }
0x33: {  	p0 =	seq.s32 s10, $0x1;
	s10 =	sld [smem:$0x3FAF];
	_ =	sdelay $0x3  }
0x34: {  	[smem:$0x3FAF] =	sst s10  }
0x35: {  	s10 =	sld [smem:$0x3FAE];
	_ =	sdelay $0x3  }
0x36: {  	p1 =	seq.s32 s10, $0x1;
	s10 =	sld [smem:$0x3FAF];
	_ =	sdelay $0x3  }
0x37: {  	[smem:$0x3FAF] =	sst s10  }
0x38: {  	s10 =	sld [smem:$0x3FB0]  }
0x39: {  	_ = 	snop;
	(pc) =	sbr.ind lr, $3  }
0x3a: {  	_ = 	snop  }
0x3b: {  	_ = 	snop  }
0x3c: {  	p2 =	seq.s32 s10, $0x1;
	s10 =	sld [smem:$0x3FAF]  }
0x3d: {  	_ =	shalt  }
0x3e: {  	_ =	shalt  }
0x3f: {  	_ =	shalt  }
0x40: {  	_ =	shalt  }
0x41: {  	_ =	shalt  }
0x42: {  	_ =	shalt  }
0x43: {  	_ =	shalt  }
0x44: {  	_ =	shalt  }
0x45: {  	_ =	shalt  }
0x46: {  	_ =	shalt  }
0x47: {  	_ =	shalt  }
0x48: {  	_ =	shalt  }
0x49: {  	_ =	shalt  }
0x4a: {  	_ =	shalt  }
0x4b: {  	_ =	shalt  }
0x4c: {  	_ =	shalt  }
0x4d: {  	_ =	shalt  }
0x4e: {  	_ =	shalt  }
0x4f: {  	_ =	shalt  }
0x50: {  	_ =	shalt  }
0x51: {  	_ =	shalt  }
0x52: {  	_ =	shalt  }
0x53: {  	_ =	shalt  }
0x54: {  	_ =	shalt  }
0x55: {  	_ =	shalt  }
0x56: {  	_ =	shalt  }
0x57: {  	_ =	shalt  }
0x58: {  	_ =	shalt  }
0x59: {  	_ =	shalt  }
0x5a: {  	_ =	shalt  }
0x5b: {  	_ =	shalt  }
0x5c: {  	_ =	shalt  }
0x5d: {  	_ =	shalt  }
0x5e: {  	_ =	shalt  }
0x5f: {  	_ =	shalt  }
0x60: {  	_ =	shalt  }
0x61: {  	_ =	shalt  }
0x62: {  	_ =	shalt  }
0x63: {  	_ =	shalt  }
0x64: {  	_ =	shalt  }
0x65: {  	_ =	shalt  }
0x66: {  	_ =	shalt  }
0x67: {  	_ =	shalt  }
0x68: {  	_ =	shalt  }
0x69: {  	_ =	shalt  }
0x6a: {  	_ =	shalt  }
0x6b: {  	_ =	shalt  }
0x6c: {  	_ =	shalt  }
0x6d: {  	_ =	shalt  }
0x6e: {  	_ =	shalt  }
0x6f: {  	_ =	shalt  }
0x70: {  	_ =	shalt  }
0x71: {  	_ =	shalt  }
0x72: {  	_ =	shalt  }
0x73: {  	_ =	shalt  }
0x74: {  	_ =	shalt  }
0x75: {  	_ =	shalt  }
0x76: {  	_ =	shalt  }
0x77: {  	_ =	shalt  }
0x78: {  	_ =	shalt  }
0x79: {  	_ =	shalt  }
0x7a: {  	_ =	shalt  }
0x7b: {  	_ =	shalt  }
0x7c: {  	_ =	shalt  }
0x7d: {  	_ =	shalt  }
0x7e: {  	_ =	shalt  }
0x7f: {  	_ =	shalt  }
0x80: {  	_ =	shalt  }
0x81: {  	_ =	shalt  }
0x82: {  	_ =	shalt  }
0x83: {  	_ =	shalt  }
0x84: {  	_ =	shalt  }
0x85: {  	_ =	shalt  }
0x86: {  	_ =	shalt  }
0x87: {  	_ =	shalt  }
.Lfunc_end0:
.L_simem_size_0:
called_computation_lowered:
.L_overlay_start_0:
0x88: {  	s0 =	sld [smem:$0x3FD9]  }
0x89: {  	s1 =	sld [smem:$0x3FFE];
	_ =	sdelay $0x3  }
0x8a: {  	s0 =	sadd.s32 s1, s0  }
0x8b: {  	[smem:$0x3FBB] =	sst s0  }
0x8c: {  	_ = 	snop  }
0x8d: {  	(tm) =	ssettm $0x1  }
0x8e: {  	s15 =	sld [smem:$0x3FFB];
	_ =	sdelay $0x3  }
0x8f: {  	_ =	strace s15  }
0x90: {  	s0 =	sld [smem:$0x3FFC];
	_ =	sdelay $0x3  }
0x91: {  	_ =	strace s0  }
0x92: {  	s0 =	sld [smem:$0x3FFD];
	_ =	sdelay $0x3  }
0x93: {  	_ =	strace s0  }
0x94: {  	_ =	strace $0x8FFFFFFF  }
0x95: {  	s16 =	sld [smem:$0x3FDB];
	_ =	sdelay $0x1  }
0x96: {  	s17 =	simm.s32 $_scs_section_size  }
0x97: {  	s2 =	simm.s32 $_size__tile_overlayer_lowered;
	s3 =	simm.s32 $_tile_overlayer_lowered  }
0x98: {  	s20 =	simm.s32 $0x1BFF;
	s19 =	sshll.u32 s3, $0x1;
	s0 =	sadd.s32 s17, s16  }
0x99: {  	s4 =	simm.s32 $0x0;
	s18 =	sshll.u32 s2, $0x1;
	s2 =	sadd.s32 s19, s0  }
0x9a: {  	[timem:s4], [sflag:s20] =	dma.local [hbm:s2], s18  }
0x9b: {  	_ =	swait.ge [sflag:s20], s18  }
0x9c: {  	s1 =	ssub.s32 $0x0, s18;
	[sflag:s20] =	ssyncset.done $0x0  }
0x9d: {  	[sflag:s20] =	ssyncadd.s32 s1;
	_ =	sdelay $0x1  }
0x9e: {  	s21 =	simm.s32 $0x1B8B  }
0x9f: {  	_ =	swait.ge [sflag:s21], $0x1  }
0xa0: {  	[sflag:s21] =	ssyncset.done $0x0  }
0xa1: {  	s23 =	simm.s32 $0x1B8E;
	s22 =	sld [smem:$0x3FFE];
	[sflag:s21] =	ssyncadd.s32 $0xFFFFFFFF  }
0xa2: {  	s24 =	simm.s32 $execute0_lowered;
	[smem:$0x3FD2] =	sst s23  }
0xa3: {  	s2 =	sshll.u32 s24, $0x1;
	_ =	strace $0x80000046;
	[dreg:$0x1] =	wrdreg $0xFFFFFFFF  }
0xa4: {  	s25 =	simm.s32 $_size_execute0_lowered;
	s0 =	sadd.s32 s0, s2;
	[dreg:$0x0] =	wrdreg $0x0  }
0xa5: {  	s2 =	sshll.u32 s25, $0x1;
	[dreg:$0x2] =	wrdreg s0  }
0xa6: {  	[dreg:$0x3] =	wrdreg s2  }
0xa7: {  	[dreg:$0x4] =	wrdreg $0xC0  }
0xa8: {  	_ =	task [dreg:s4], $0x5FFFF  }
0xa9: {  	[dreg:$0x1] =	wrdreg $0xFFFFFFFF  }
0xaa: {  	[dreg:$0x0] =	wrdreg $0x60  }
0xab: {  	[dreg:$0x2] =	wrdreg s22  }
0xac: {  	[dreg:$0x3] =	wrdreg $0x9  }
0xad: {  	_ =	task.clear_ibuf [dreg:s4], $0x4FFFF;
	_ =	strace $0x90000046  }
0xae: {  	s26 =	simm.s32 $0x9;
	_ =	strace $0x80000048  }
0xaf: {  	_ =	swait.ge [sflag:s26], $0x1  }
0xb0: {  	[sflag:s26] =	ssyncadd.s32 $0xFFFFFFFF  }
0xb1: {  	_ =	strace $0x90000048  }
0xb2: {  	_ =	sfence  }
0xb3: {  	s28 =	sld [smem:$0x0];
	_ =	sdelay $0x1  }
0xb4: {  	s29 =	srdreg.scid  }
0xb5: {  	s30 =	sshll.u32 s29, $0xD;
	s31 =	sshrl.u32 s29, $0x2  }
0xb6: {  	s1 =	sand.u32 $0x1, s29;
	s2 =	sand.u32 $0x4000, s30;
	s0 =	sadd.s32 s31, s28  }
0xb7: {  	s1 =	sor.u32 s2, s1;
	s0 =	sshll.u32 s0, $0x11  }
0xb8: {  	s0 =	sor.u32 s0, s1  }
0xb9: {  	s0 =	sadd.s32 $0x8F2B, s0  }
0xba: {  	[sflag:s0] =	ssyncadd.remote.s32 $0x1  }
0xbb: {  	_ =	sfence.sel $0xFFFF  }
0xbc: {  	[dreg:$0x0] =	wrdreg $0xFFFFFFFF;
	(pc) =	sbr.abs _section_cstart, $3  }
0xbd: {  	[dreg:$0x1] =	wrdreg $0xFFFFFFFF  }
0xbe: {  	_ =	task.clear_ibuf [dreg:s4], $0x2FFFF;
	_ =	strace $0x9FFFFFFF  }
0xbf: {  	(tm) =	ssettm $0x7FFFFFFF  }
tec
execute0_lowered:
.L_overlay_start_1:
0x0: {  	(tag) =	ssettag $0x1  }
0x1: {  	s2 =	rddreg [dreg:$0x0]  }
0x2: {  	s0 =	rddreg [dreg:$0x1]  }
0x3: {  	_ =	strace $0x80000047;
	s4 =	simm.s32 $0x1;
	s1 =	stileid.u32  }
0x4: {  	s7 =	simm.s32 $0x1;
	s8 =	simm.s32 $0x1;
	s6 =	simm.s32 $0x2  }
0x5: {  	s9 =	simm.s32 $0x3;
	s10 =	simm.s32 $0x0;
	s13 =	simm.s32 $0x0  }
.Ltmp0:
0x6: {  	s12 =	simm.s32 $0x0;
	p0 =	slt.u32 s1, $0xA;
	(pc) =	sbr.rel .LBB2_1-.Ltmp0, $4  }
0x7: {  	[sflag:s4] =	ssyncpa.u1 $0x0;
	s7 =	simm.s32 @!p0 $0x0;
	p0 =	sne.s32 s1, $0x9  }
0x8: {  	s5 =	smul.u32 $0x190, s1;
	[sflag:s6] =	ssyncpa.u1 $0x0;
	s8 =	simm.s32 @!p0 $0x0  }
0x9: {  	s3 =	sadd.s32 $0x400, s2;
	[sflag:s9] =	ssyncpa.u1 $0x0;
	s7 =	sadd.s32 s8, s7  }
0xa: {  	vm0 =	vmmov $0xffff;
	s11 =	smov.u32 s5;
	s8 =	sadd.s32 $0xB600, s2;
	s9 =	sadd.s32 $0x1, s7  }
.LBB2_4:
0xb: {  	vm1 =	veq.s32 v0, $0x80000000;
	v63 =	vand.u32 $0x1F, v0;
	v2 =	vand.u32 $0xFF, v2  }
0xc: {  	v0 =	vsel vm1, $0xFFFFFFFF, v63;
	v2 =	vsel vm1, $0xFFFFFFFF, v2  }
0xd: {  	v3 =	vshll.u32 v0, $0x8;
	v4 =	vshll.u32 v2, $0x3  }
0xe: {  	v0 =	vshll.u32 v0, $0x7;
	v3 =	vand.u32 $0xFFFFF800, v3;
	v4 =	vand.u32 $0xFFFFFC00, v4  }
0xf: {  	v0 =	vand.u32 $0x380, v0;
	v3 =	vadd.s32 v3, v4  }
0x10: {  	v2 =	vand.u32 $0x7F, v2;
	v0 =	vor.u32 v0, v3  }
0x11: {  	v0 =	vor.u32 v2, v0;
	_ =	sdelay $0x1  }
0x12: {  	(ifvalue) =	ssetifvalue $0x7FFFFFFF;
	s15 =	sadd.s32 $0x10, s15  }
0x13: {  	[tilespmem:s15], [sflag:$0x1] =	stream.indirect_vreg.gather [hbm4b:s2+s10], $0x1, v1, vm0, $0x4038;
	[tilespmem:$0x640] =	vst v63  }
0x14: {  	(ifvalue) =	ssetifvalue $0x7FFFFFFF;
	s15 =	sadd.s32 $0x10, s15  }
0x15: {  	[tilespmem:s15], [sflag:$0x1] =	stream.indirect_vreg.gather [hbm4b:s2+s10], $0x1, v0, vm0, $0x4038;
	[tilespmem:$0x640] =	vst v63  }
0x16: {  	_ =	swait.ge [sflag:s4], $0x190  }
0x17: {  	s30 =	sshrl.u32 s13, $0x3;
	[sflag:s4] =	ssyncset.done $0x0  }
0x18: {  	s31 =	sand.u32 $0x7, s13;
	s15 =	sadd.s32 s8, s30;
	[sflag:s4] =	ssyncadd.s32 $0xFFFFFE70  }
0x19: {  	[hbm4b:s15+s31] =	stream.linear.scatter [tilespmem:s14], [sflag:$0x3], $0x190, $0x38;
	[tilespmem:$0x640] =	vst v63  }
.LBB2_5:
0x1a: {  	s15 =	sadd.s32 $0x1900, s11  }
0x1b: {  	p1 =	sgt.s32 s15, $0x270F  }
0x1c: {  	s15 =	smov.u32 @p1 s5;
	p1 =	sne.s32 s12, s9  }
.Ltmp1:
0x1d: {  	p0 =	slt.u32 s12, $0x2;
	(pc) =	sbr.rel @!p1 .LBB2_6-.Ltmp1, $4  }
0x1e: {  	s14 =	simm.s32 @!p0 $0x3  }
0x1f: {  	_ =	swait.ge @!p0 [sflag:s14], $0x190  }
0x20: {  	s16 =	sadd.s32 $0x1, s12;
	s13 =	smov.u32 s11;
	[sflag:s14] =	ssyncset.done @!p0 $0x0  }
0x21: {  	s12 =	smov.u32 s16;
	s11 =	smov.u32 s15;
	[sflag:s14] =	ssyncadd.s32 @!p0 $0xFFFFFE70  }
.LBB2_1:
0x22: {  	p0 =	sge.u32 s12, s7  }
0x23: {  	s14 =	sxor.u32 @!p0 $0x1, s12  }
0x24: {  	s14 =	smul.u32 @!p0 $0x640, s14  }
0x25: {  	s31 =	sadd.s32 $0xFFFFFFFF, s12;
	s15 =	sshrl.u32 @!p0 s11, $0x3  }
0x26: {  	s16 =	sand.u32 @!p0 $0x7, s11;
	s15 =	sadd.s32 @!p0 s3, s15;
	s14 =	sshra.s32 @!p0 s14, $0x2  }
0x27: {  	[tilespmem:s14], [sflag:$0x2] =	stream.linear.gather @!p0 [hbm4b:s15+s16], $0x190, $0x38;
	[tilespmem:$0x640] =	vst v63  }
0x28: {  	p0 =	sge.u32 s31, s7  }
.Ltmp2:
0x29: {  	_ = 	snop;
	(pc) =	sbr.rel @p0 .LBB2_5-.Ltmp2, $1  }
0x2a: {  	_ =	sdelay $0x3  }
0x2b: {  	s14 =	sand.u32 $0x1, s12  }
0x2c: {  	_ =	swait.ge [sflag:s6], $0x190;
	p0 =	seq.s32 s14, $0x1;
	s14 =	simm.s32 $0x190  }
0x2d: {  	[sflag:s6] =	ssyncset.done $0x0;
	s14 =	simm.s32 @!p0 $0x0  }
0x2e: {  	[sflag:s6] =	ssyncadd.s32 $0xFFFFFE70;
	(ifvalue) =	ssetifvalue $0x7FFFFFFF;
	v0 =	vld.msk [tilespmem:s14+$0x0 ss:$0x1], $0xffff;
	_ =	sdelay $0x3  }
0x2f: {  	s15 =	sadd.s32 $0x10, s14  }
0x30: {  	v2 =	vld.msk [tilespmem:s15+$0x0 ss:$0x1], $0xffff;
	v1 =	vshrl.u32 v0, $0x5  }
0x31: {  	vm1 =	veq.s32 v0, $0x80000000;
	v0 =	vand.u32 $0x1F, v0;
	v1 =	vand.u32 $0xFF, v1  }
0x32: {  	v0 =	vsel vm1, $0xFFFFFFFF, v0;
	v1 =	vsel vm1, $0xFFFFFFFF, v1  }
0x33: {  	v3 =	vshll.u32 v0, $0x8;
	v4 =	vshll.u32 v1, $0x3  }
0x34: {  	v0 =	vshll.u32 v0, $0x7;
	v3 =	vand.u32 $0xFFFFF800, v3;
	v4 =	vand.u32 $0xFFFFFC00, v4  }
0x35: {  	vm1 =	veq.s32 v2, $0x80000000;
	v0 =	vand.u32 $0x380, v0;
	v3 =	vadd.s32 v3, v4  }
0x36: {  	v1 =	vand.u32 $0x7F, v1;
	v0 =	vor.u32 v0, v3;
	v3 =	vshrl.u32 v2, $0x5  }
0x37: {  	s15 =	sadd.s32 $0x10, s15;
	v2 =	vand.u32 $0x1F, v2;
	v1 =	vor.u32 v1, v0;
	v3 =	vand.u32 $0xFF, v3  }
0x38: {  	v0 =	vld.msk [tilespmem:s15+$0x0 ss:$0x1], $0xffff;
	v2 =	vsel vm1, $0xFFFFFFFF, v2;
	v3 =	vsel vm1, $0xFFFFFFFF, v3  }
0x39: {  	v63 =	vshll.u32 v2, $0x8;
	v5 =	vshll.u32 v3, $0x3  }
0x3a: {  	v2 =	vshll.u32 v2, $0x7;
	v4 =	vand.u32 $0xFFFFF800, v63;
	v5 =	vand.u32 $0xFFFFFC00, v5  }
0x3b: {  	s14 =	sadd.s32 $0x320, s14;
	(ifvalue) =	ssetifvalue $0x7FFFFFFF;
	v2 =	vand.u32 $0x380, v2;
	v4 =	vadd.s32 v4, v5  }
0x3c: {  	[tilespmem:s14], [sflag:$0x1] =	stream.indirect_vreg.gather [hbm4b:s2+s10], $0x1, v1, vm0, $0x4038;
	v1 =	vand.u32 $0x7F, v3;
	v3 =	vor.u32 v2, v4;
	[tilespmem:$0x640] =	vst v63  }
0x3d: {  	s16 =	simm.s32 $0x20;
	s17 =	sadd.s32 $0x10, s15;
	s15 =	smov.u32 s14;
	v2 =	vshrl.u32 v0, $0x5;
	v1 =	vor.u32 v1, v3  }
.LBB2_3:
0x3e: {  	s16 =	sadd.s32 $0x10, s16;
	vm1 =	veq.s32 v0, $0x80000000;
	v3 =	vand.u32 $0x1F, v0;
	v0 =	vld.msk [tilespmem:s17+$0x0 ss:$0x1], $0xffff;
	v2 =	vand.u32 $0xFF, v2  }
0x3f: {  	p0 =	slt.u32 s16, $0x180;
	v3 =	vsel vm1, $0xFFFFFFFF, v3;
	v2 =	vsel vm1, $0xFFFFFFFF, v2  }
.Ltmp3:
0x40: {  	v4 =	vshll.u32 v3, $0x8;
	v5 =	vshll.u32 v2, $0x3;
	(pc) =	sbr.rel @p0 .LBB2_3-.Ltmp3, $4  }
0x41: {  	s15 =	sadd.s32 $0x10, s15;
	v3 =	vshll.u32 v3, $0x7;
	v4 =	vand.u32 $0xFFFFF800, v4;
	v5 =	vand.u32 $0xFFFFFC00, v5;
	(ifvalue) =	ssetifvalue $0x7FFFFFFF  }
0x42: {  	v3 =	vand.u32 $0x380, v3;
	v4 =	vadd.s32 v4, v5;
	[tilespmem:s15], [sflag:$0x1] =	stream.indirect_vreg.gather [hbm4b:s2+s10], $0x1, v1, vm0, $0x4038;
	[tilespmem:$0x640] =	vst v63  }
0x43: {  	v1 =	vand.u32 $0x7F, v2;
	v3 =	vor.u32 v3, v4  }
0x44: {  	s17 =	sadd.s32 $0x10, s17;
	v2 =	vshrl.u32 v0, $0x5;
	v1 =	vor.u32 v1, v3  }
.Ltmp4:
0x45: {  	_ = 	snop;
	(pc) =	sbr.rel .LBB2_4-.Ltmp4, $1  }
0x46: {  	_ =	sdelay $0x3  }
.LBB2_6:
0x47: {  	_ =	sfence.sel $0x180000  }
0x48: {  	s2 =	simm.s32 $0x2;
	[bflag:$0x0] =	sbarrier.arrive $0xFFFF  }
0x49: {  	s30 =	simm.s32 $0x3;
	[sflag:s2] =	ssyncpa.u1 $0x1  }
0x4a: {  	s31 =	simm.s32 $0x1;
	[sflag:s30] =	ssyncpa.u1 $0x1  }
0x4b: {  	[sflag:s31] =	ssyncpa.u1 $0x1  }
0x4c: {  	p0 =	sne.s32 s1, $0x0;
	_ =	strace $0x90000047  }
0x4d: {  	s0 =	sadd.s32 @!p0 $0x100000, s0;
	[bflag:$0x2] =	sbarrier.arrive $0xFFFF  }
0x4e: {  	[sflag:s0] =	ssyncadd.tile.s32 @!p0 $0x1;
	_ =	shalt  }
.Lfunc_end2:
_tile_overlayer_lowered:
.L_overlay_start_2:
0x4f: {  	(tag) =	ssettag $0x2  }
0x50: {  	s0 =	rddreg [dreg:$0x0];
	s2 =	stileid.u32  }
0x51: {  	s1 =	rddreg [dreg:$0x1];
	p0 =	sne.s32 s2, $0x0  }
0x52: {  	s3 =	rddreg [dreg:$0x2];
	[bflag:$0x3] =	sbarrier.arrive $0xFFFF;
	s2 =	simm.s32 @!p0 $0x1C01  }
0x53: {  	[timem:s3], [sflag:s2] =	dma.local @!p0 [hbm:s0], s1  }
0x54: {  	s0 =	simm.s32 @!p0 $0x1  }
0x55: {  	_ =	swait.ge @!p0 [sflag:s0], s1  }
0x56: {  	s1 =	ssub.s32 @!p0 $0x0, s1;
	[sflag:s0] =	ssyncset.done @!p0 $0x0  }
0x57: {  	[sflag:s0] =	ssyncadd.s32 @!p0 s1  }
0x58: {  	[bflag:$0x3] =	sbarrier.arrive $0xFFFF  }
0x59: {  	_ =	shalt  }

// kernel: kernel.5.cloned.1.call-start
scs
__scs_entry_jumppad:
0x0: {  	(pc) =	sbr.rel $0x88, $3  }
0x1: {  	(tag) =	ssettag $0x0;
	lr =	simm.s32 $0x1  }
0x2: {  	[smem:$0x3F94] =	sst lr;
	_ =	strace $0xD0000000  }
0x3: {  	_ = 	snop  }
0x4: {  	_ = 	snop  }
0x5: {  	_ = 	snop  }
0x6: {  	_ = 	snop  }
0x7: {  	_ = 	snop  }
__scs_overlays_trampoline_lowered:
0x8: {  	[smem:$0x3FA3] =	sst s0  }
0x9: {  	[smem:$0x3FA4] =	sst s1  }
0xa: {  	[smem:$0x3FA5] =	sst s2  }
0xb: {  	[smem:$0x3FA6] =	sst s3  }
0xc: {  	[smem:$0x3FA7] =	sst s4  }
0xd: {  	[smem:$0x3FA8] =	sst s5  }
0xe: {  	[smem:$0x3FA9] =	sst s6  }
0xf: {  	[smem:$0x3FAA] =	sst s7  }
0x10: {  	[smem:$0x3FAB] =	sst s8  }
0x11: {  	[smem:$0x3FAC] =	sst s9;
	s0 =	simm.s32 @!p0 $0x0  }
0x12: {  	s1 =	sld [smem:$0x3F92];
	s0 =	simm.s32 @p0 $0x1  }
0x13: {  	[smem:$0x3FAD] =	sst s0;
	s0 =	simm.s32 @!p1 $0x0  }
0x14: {  	s2 =	sld [smem:$0x3F91];
	s0 =	simm.s32 @p1 $0x1  }
0x15: {  	[smem:$0x3FAE] =	sst s0;
	s0 =	simm.s32 @!p2 $0x0  }
0x16: {  	s3 =	sld [smem:$0x3FDB];
	s0 =	simm.s32 @p2 $0x1  }
0x17: {  	s4 =	simm.s32 $0x1BF5;
	[smem:$0x3FB0] =	sst s0  }
0x18: {  	s0 =	sld [smem:$0x3F93];
	_ =	swait.ge [sflag:s4], $0x0  }
0x19: {  	s7 =	sld [smem:$0x3F94]  }
0x1a: {  	s8 =	sadd.s32 $0xFFFFE003, lr  }
0x1b: {  	s9 =	sadd.s32 $0xFFFFFEF7, lr;
	s5 =	simm.s32 $0xFFFFFFFF;
	p2 =	slt.u32 s8, $0xFFFFF086  }
0x1c: {  	p1 =	slt.u32 s9, $0xF7A;
	s5 =	simm.s32 @!p2 $0x0  }
0x1d: {  	s5 =	simm.s32 @p1 $0x1;
	p0 =	seq.s32 s7, s2  }
0x1e: {  	s7 =	smul.u32 @!p0 $0xF7A, s2;
	p2 =	seq.s32 @!p0 s5, $0x0  }
0x1f: {  	s9 =	smul.u32 $0xF7A, s1;
	s8 =	simm.s32 @!p0 $0x1BF5;
	p2 =	por !p2, p0  }
0x20: {  	[sflag:s8] =	ssyncset.s32 @!p0 $0xFFFFF086;
	s6 =	sadd.s32 @!p0 s3, s7;
	s7 =	simm.s32 @!p0 $0x108  }
0x21: {  	s3 =	sadd.s32 s3, s9;
	s6 =	sadd.s32 @!p0 $0x88, s6;
	s7 =	simm.s32 @p2 $0x1082  }
0x22: {  	[simem:s7], [sflag:s8] =	dma.local @!p0 [hbm:s6], $0xF7A  }
0x23: {  	s9 =	sor.u32 $0xD0000000, s2;
	s6 =	simm.s32 $0x108;
	_ =	swait.ge @!p0 [sflag:s8], $0x0  }
0x24: {  	s3 =	sadd.s32 $0x88, s3;
	s6 =	simm.s32 @!p1 $0x1082;
	[sflag:s4] =	ssyncset.s32 $0xFFFFF086  }
0x25: {  	[simem:s6], [sflag:s4] =	dma.local [hbm:s3], $0xF7A  }
0x26: {  	[smem:$0x3F94] =	sst s1;
	(tag) =	ssettag s2;
	_ =	strace s9  }
0x27: {  	s1 =	sld [smem:$0x3FA4]  }
0x28: {  	s2 =	sld [smem:$0x3FA5]  }
0x29: {  	s4 =	sld [smem:$0x3FA7]  }
0x2a: {  	p0 =	seq.s32 s5, $0x0;
	s5 =	sld [smem:$0x3FA8]  }
0x2b: {  	s6 =	sld [smem:$0x3FA9]  }
0x2c: {  	s7 =	sld [smem:$0x3FAA]  }
0x2d: {  	s3 =	simm.s32 $0x108;
	s8 =	sld [smem:$0x3FAB]  }
0x2e: {  	s3 =	simm.s32 @!p0 $0x1082;
	s9 =	sld [smem:$0x3FAC]  }
0x2f: {  	lr =	sadd.s32 s0, s3;
	s0 =	sld [smem:$0x3FA3]  }
0x30: {  	s3 =	sld [smem:$0x3FA6]  }
0x31: {  	[smem:$0x3FAF] =	sst s10  }
0x32: {  	s10 =	sld [smem:$0x3FAD];
	_ =	sdelay $0x3  }
0x33: {  	p0 =	seq.s32 s10, $0x1;
	s10 =	sld [smem:$0x3FAF];
	_ =	sdelay $0x3  }
0x34: {  	[smem:$0x3FAF] =	sst s10  }
0x35: {  	s10 =	sld [smem:$0x3FAE];
	_ =	sdelay $0x3  }
0x36: {  	p1 =	seq.s32 s10, $0x1;
	s10 =	sld [smem:$0x3FAF];
	_ =	sdelay $0x3  }
0x37: {  	[smem:$0x3FAF] =	sst s10  }
0x38: {  	s10 =	sld [smem:$0x3FB0]  }
0x39: {  	_ = 	snop;
	(pc) =	sbr.ind lr, $3  }
0x3a: {  	_ = 	snop  }
0x3b: {  	_ = 	snop  }
0x3c: {  	p2 =	seq.s32 s10, $0x1;
	s10 =	sld [smem:$0x3FAF]  }
0x3d: {  	_ =	shalt  }
0x3e: {  	_ =	shalt  }
0x3f: {  	_ =	shalt  }
0x40: {  	_ =	shalt  }
0x41: {  	_ =	shalt  }
0x42: {  	_ =	shalt  }
0x43: {  	_ =	shalt  }
0x44: {  	_ =	shalt  }
0x45: {  	_ =	shalt  }
0x46: {  	_ =	shalt  }
0x47: {  	_ =	shalt  }
0x48: {  	_ =	shalt  }
0x49: {  	_ =	shalt  }
0x4a: {  	_ =	shalt  }
0x4b: {  	_ =	shalt  }
0x4c: {  	_ =	shalt  }
0x4d: {  	_ =	shalt  }
0x4e: {  	_ =	shalt  }
0x4f: {  	_ =	shalt  }
0x50: {  	_ =	shalt  }
0x51: {  	_ =	shalt  }
0x52: {  	_ =	shalt  }
0x53: {  	_ =	shalt  }
0x54: {  	_ =	shalt  }
0x55: {  	_ =	shalt  }
0x56: {  	_ =	shalt  }
0x57: {  	_ =	shalt  }
0x58: {  	_ =	shalt  }
0x59: {  	_ =	shalt  }
0x5a: {  	_ =	shalt  }
0x5b: {  	_ =	shalt  }
0x5c: {  	_ =	shalt  }
0x5d: {  	_ =	shalt  }
0x5e: {  	_ =	shalt  }
0x5f: {  	_ =	shalt  }
0x60: {  	_ =	shalt  }
0x61: {  	_ =	shalt  }
0x62: {  	_ =	shalt  }
0x63: {  	_ =	shalt  }
0x64: {  	_ =	shalt  }
0x65: {  	_ =	shalt  }
0x66: {  	_ =	shalt  }
0x67: {  	_ =	shalt  }
0x68: {  	_ =	shalt  }
0x69: {  	_ =	shalt  }
0x6a: {  	_ =	shalt  }
0x6b: {  	_ =	shalt  }
0x6c: {  	_ =	shalt  }
0x6d: {  	_ =	shalt  }
0x6e: {  	_ =	shalt  }
0x6f: {  	_ =	shalt  }
0x70: {  	_ =	shalt  }
0x71: {  	_ =	shalt  }
0x72: {  	_ =	shalt  }
0x73: {  	_ =	shalt  }
0x74: {  	_ =	shalt  }
0x75: {  	_ =	shalt  }
0x76: {  	_ =	shalt  }
0x77: {  	_ =	shalt  }
0x78: {  	_ =	shalt  }
0x79: {  	_ =	shalt  }
0x7a: {  	_ =	shalt  }
0x7b: {  	_ =	shalt  }
0x7c: {  	_ =	shalt  }
0x7d: {  	_ =	shalt  }
0x7e: {  	_ =	shalt  }
0x7f: {  	_ =	shalt  }
0x80: {  	_ =	shalt  }
0x81: {  	_ =	shalt  }
0x82: {  	_ =	shalt  }
0x83: {  	_ =	shalt  }
0x84: {  	_ =	shalt  }
0x85: {  	_ =	shalt  }
0x86: {  	_ =	shalt  }
0x87: {  	_ =	shalt  }
.Lfunc_end0:
.L_simem_size_0:
called_computation.1_lowered:
.L_overlay_start_0:
0x88: {  	s2 =	sld [smem:$0x3FD9]  }
0x89: {  	s3 =	sld [smem:$0x3FFE];
	_ =	sdelay $0x1  }
0x8a: {  	s1 =	srdreg.scid  }
0x8b: {  	s0 =	sand.u32 $0x1, s1  }
0x8c: {  	s14 =	sshll.u32 s0, $0xA;
	s2 =	sadd.s32 s3, s2  }
0x8d: {  	s2 =	sadd.s32 s2, s14  }
0x8e: {  	[smem:$0x3FBB] =	sst s2  }
0x8f: {  	_ = 	snop  }
0x90: {  	s2 =	sld [smem:$0x3FD0];
	_ =	sdelay $0x2  }
0x91: {  	s15 =	simm.s32 $0xA;
	s4 =	simm.s32 $0x10  }
0x92: {  	[smem:s4], [sflag:s15] =	dma.local [hbm:s2], $0x1  }
0x93: {  	_ =	swait.eq [sflag:s15], $0x1  }
0x94: {  	[sflag:s15] =	ssyncset.done $0x0  }
0x95: {  	s16 =	sld [smem:$0x10];
	[sflag:s15] =	ssyncadd.s32 $0xFFFFFFFF  }
0x96: {  	s17 =	sld [smem:$0x11];
	(tm) =	ssettm $0x1  }
0x97: {  	s18 =	sld [smem:$0x3FFB];
	_ =	sdelay $0x3  }
0x98: {  	_ =	strace s18  }
0x99: {  	s4 =	sld [smem:$0x3FFC];
	_ =	sdelay $0x3  }
0x9a: {  	_ =	strace s4  }
0x9b: {  	s4 =	sld [smem:$0x3FFD];
	_ =	sdelay $0x3  }
0x9c: {  	_ =	strace s4  }
0x9d: {  	_ =	strace $0x8FFFFFFF  }
0x9e: {  	s19 =	sld [smem:$0x3FDB];
	_ =	sdelay $0x1  }
0x9f: {  	s5 =	simm.s32 $_scs_section_size  }
0xa0: {  	s6 =	simm.s32 $_size__tile_overlayer_lowered;
	s7 =	simm.s32 $_tile_overlayer_lowered  }
0xa1: {  	s22 =	simm.s32 $0x1BFF;
	s21 =	sshll.u32 s7, $0x1;
	s4 =	sadd.s32 s5, s19  }
0xa2: {  	s8 =	simm.s32 $0x0;
	s20 =	sshll.u32 s6, $0x1;
	s6 =	sadd.s32 s21, s4  }
0xa3: {  	[timem:s8], [sflag:s22] =	dma.local [hbm:s6], s20  }
0xa4: {  	_ =	swait.ge [sflag:s22], s20  }
0xa5: {  	s5 =	ssub.s32 $0x0, s20;
	[sflag:s22] =	ssyncset.done $0x0  }
0xa6: {  	[sflag:s22] =	ssyncadd.s32 s5;
	_ =	sdelay $0x1  }
0xa7: {  	s23 =	simm.s32 $0x1B8B  }
0xa8: {  	_ =	swait.ge [sflag:s23], $0x1  }
0xa9: {  	[sflag:s23] =	ssyncset.done $0x0  }
0xaa: {  	s25 =	simm.s32 $0x1B8E;
	s24 =	sld [smem:$0x3FFE];
	[sflag:s23] =	ssyncadd.s32 $0xFFFFFFFF  }
0xab: {  	s26 =	simm.s32 $execute0_lowered;
	[smem:$0x3FD2] =	sst s25  }
0xac: {  	s6 =	sshll.u32 s26, $0x1;
	_ =	strace $0x80000049;
	[dreg:$0x1] =	wrdreg $0xFFFFFFFF  }
0xad: {  	s28 =	simm.s32 $_size_execute0_lowered;
	s4 =	sadd.s32 s4, s6;
	[dreg:$0x0] =	wrdreg $0x0  }
0xae: {  	s6 =	sshll.u32 s28, $0x1;
	[dreg:$0x2] =	wrdreg s4  }
0xaf: {  	[dreg:$0x3] =	wrdreg s6  }
0xb0: {  	[dreg:$0x4] =	wrdreg $0xC0  }
0xb1: {  	_ =	task [dreg:s8], $0x5FFFF  }
0xb2: {  	[dreg:$0x1] =	wrdreg $0xFFFFFFFF  }
0xb3: {  	[dreg:$0x0] =	wrdreg $0x60  }
0xb4: {  	[dreg:$0x2] =	wrdreg s24  }
0xb5: {  	[dreg:$0x3] =	wrdreg s17  }
0xb6: {  	[dreg:$0x4] =	wrdreg s16  }
0xb7: {  	[dreg:$0x5] =	wrdreg $0x9  }
0xb8: {  	_ =	task.clear_ibuf [dreg:s8], $0x6FFFF;
	_ =	strace $0x90000049  }
0xb9: {  	s29 =	simm.s32 $0x9;
	_ =	strace $0x8000004B  }
0xba: {  	_ =	swait.ge [sflag:s29], $0x1  }
0xbb: {  	[sflag:s29] =	ssyncadd.s32 $0xFFFFFFFF  }
0xbc: {  	_ =	strace $0x9000004B  }
0xbd: {  	_ =	sfence  }
0xbe: {  	s30 =	sld [smem:$0x0];
	_ =	sdelay $0x2  }
0xbf: {  	s31 =	sshll.u32 s1, $0xD;
	s1 =	sshrl.u32 s1, $0x2  }
0xc0: {  	s3 =	sand.u32 $0x4000, s31;
	s1 =	sadd.s32 s1, s30  }
0xc1: {  	s0 =	sor.u32 s3, s0;
	s1 =	sshll.u32 s1, $0x11  }
0xc2: {  	s0 =	sor.u32 s1, s0  }
0xc3: {  	s0 =	sadd.s32 $0x8F2B, s0  }
0xc4: {  	[sflag:s0] =	ssyncadd.remote.s32 $0x1  }
0xc5: {  	_ =	sfence.sel $0xFFFF  }
0xc6: {  	[dreg:$0x0] =	wrdreg $0xFFFFFFFF;
	(pc) =	sbr.abs _section_cstart, $3  }
0xc7: {  	[dreg:$0x1] =	wrdreg $0xFFFFFFFF  }
0xc8: {  	_ =	task.clear_ibuf [dreg:s8], $0x2FFFF;
	_ =	strace $0x9FFFFFFF  }
0xc9: {  	(tm) =	ssettm $0x7FFFFFFF  }
tec
execute0_lowered:
.L_overlay_start_1:
0x0: {  	(tag) =	ssettag $0x1  }
0x1: {  	s0 =	rddreg [dreg:$0x0]  }
0x2: {  	s1 =	rddreg [dreg:$0x1]  }
0x3: {  	s8 =	rddreg [dreg:$0x2]  }
0x4: {  	s3 =	srdreg.scid;
	s4 =	stileid.u32;
	s2 =	simm.s32 $0x0  }
0x5: {  	s13 =	simm.s32 $0x1;
	s15 =	simm.s32 $0x15000;
	s16 =	simm.s32 $0x16400  }
0x6: {  	s17 =	simm.s32 $0x17800;
	s18 =	simm.s32 $0x9E00;
	s19 =	simm.s32 $0xC580  }
0x7: {  	s20 =	simm.s32 $0xED00;
	s7 =	sand.u32 $0x1, s3;
	s30 =	sshll.u32 s4, $0x1  }
0x8: {  	s21 =	simm.s32 $0x11480;
	s22 =	simm.s32 $0x18C00;
	s5 =	sor.u32 s7, s30  }
0x9: {  	s23 =	simm.s32 $0x0;
	[smem:$0x7FF] =	sst s2;
	s9 =	smul.u32 $0x280, s5  }
0xa: {  	s3 =	sadd.s32 $0x5A00, s0;
	s4 =	sadd.s32 $0xB000, s0;
	s10 =	smul.u32 $0x500, s5  }
.Ltmp0:
0xb: {  	s6 =	sadd.s32 $0xB600, s0;
	s7 =	ssub.s32 $0x2, s7;
	(pc) =	sbr.rel .LBB2_1-.Ltmp0, $4  }
0xc: {  	_ =	strace $0x8000004A;
	s5 =	sadd.s32 $0xBC00, s0;
	s31 =	sshrl.u32 s7, $0x1  }
0xd: {  	s12 =	ssub.s32 s7, s31;
	s11 =	sadd.s32 s9, s0;
	s0 =	sadd.s32 s10, s0  }
0xe: {  	s7 =	sadd.s32 s1, s9;
	s8 =	sadd.s32 s8, s9;
	s12 =	smax.u32 s12, $0x1  }
0xf: {  	v0 =	vlaneseq.u32;
	s9 =	sadd.s32 $0x6000, s11;
	s10 =	sadd.s32 $0xA00, s11;
	s11 =	sadd.s32 $0xC200, s0  }
.LBB2_18:
0x10: {  	s23 =	sadd.s32 $0x1, s23  }
0x11: {  	p0 =	sne.s32 s23, s12  }
.Ltmp1:
0x12: {  	_ = 	snop;
	(pc) =	sbr.rel @!p0 .LBB2_19-.Ltmp1, $4  }
0x13: {  	[hbm4b:s11+s2] =	stream.linear.scatter [tilespmem:s22], [sflag:$0x1], $0x2800, $0x38;
	[tilespmem:$0x1B400] =	vst v63  }
0x14: {  	_ =	swait.ge [sflag:s13], $0x2800  }
0x15: {  	[sflag:s13] =	ssyncset.done $0x0  }
0x16: {  	[sflag:s13] =	ssyncadd.s32 $0xFFFFD800  }
.LBB2_1:
0x17: {  	[tilespmem:s2], [sflag:$0x1] =	stream.linear.gather [hbm4b:s3+s2], $0x2780, $0x38;
	[tilespmem:$0x1B400] =	vst v63  }
0x18: {  	_ =	swait.ge [sflag:s13], $0x2780  }
0x19: {  	[sflag:s13] =	ssyncset.done $0x0  }
0x1a: {  	s0 =	simm.s32 $0x2780;
	[sflag:s13] =	ssyncadd.s32 $0xFFFFD880  }
0x1b: {  	[tilespmem:s0], [sflag:$0x1] =	stream.linear.gather [hbm4b:s4+s2], $0x2780, $0x38;
	[tilespmem:$0x1B400] =	vst v63  }
0x1c: {  	_ =	swait.ge [sflag:s13], $0x2780  }
0x1d: {  	[sflag:s13] =	ssyncset.done $0x0  }
0x1e: {  	s1 =	simm.s32 $0x4F00;
	[sflag:s13] =	ssyncadd.s32 $0xFFFFD880  }
0x1f: {  	[tilespmem:s1], [sflag:$0x1] =	stream.linear.gather [hbm4b:s5+s2], $0x2780, $0x38;
	[tilespmem:$0x1B400] =	vst v63  }
0x20: {  	_ =	swait.ge [sflag:s13], $0x2780  }
0x21: {  	[sflag:s13] =	ssyncset.done $0x0  }
0x22: {  	s24 =	simm.s32 $0x7680;
	[sflag:s13] =	ssyncadd.s32 $0xFFFFD880  }
0x23: {  	[tilespmem:s24], [sflag:$0x1] =	stream.linear.gather [hbm4b:s6+s2], $0x2780, $0x38;
	[tilespmem:$0x1B400] =	vst v63  }
0x24: {  	_ =	swait.ge [sflag:s13], $0x2780  }
0x25: {  	[sflag:s13] =	ssyncset.done $0x0  }
0x26: {  	s14 =	simm.s32 $0x13C00;
	[sflag:s13] =	ssyncadd.s32 $0xFFFFD880  }
0x27: {  	[tilespmem:s14], [sflag:$0x1] =	stream.linear.gather [hbm4b:s7+s2], $0x1400, $0x38;
	[tilespmem:$0x1B400] =	vst v63  }
0x28: {  	_ =	swait.ge [sflag:s13], $0x1400  }
0x29: {  	[sflag:s13] =	ssyncset.done $0x0  }
0x2a: {  	[sflag:s13] =	ssyncadd.s32 $0xFFFFEC00  }
0x2b: {  	[tilespmem:s15], [sflag:$0x1] =	stream.linear.gather [hbm4b:s8+s2], $0x1400, $0x38;
	[tilespmem:$0x1B400] =	vst v63  }
0x2c: {  	_ =	swait.ge [sflag:s13], $0x1400  }
0x2d: {  	[sflag:s13] =	ssyncset.done $0x0  }
0x2e: {  	[sflag:s13] =	ssyncadd.s32 $0xFFFFEC00  }
0x2f: {  	[tilespmem:s16], [sflag:$0x1] =	stream.linear.gather [hbm4b:s9+s2], $0x1400, $0x38;
	[tilespmem:$0x1B400] =	vst v63  }
0x30: {  	_ =	swait.ge [sflag:s13], $0x1400  }
0x31: {  	[sflag:s13] =	ssyncset.done $0x0  }
0x32: {  	[sflag:s13] =	ssyncadd.s32 $0xFFFFEC00  }
0x33: {  	[tilespmem:s17], [sflag:$0x1] =	stream.linear.gather [hbm4b:s10+s2], $0x1400, $0x38;
	[tilespmem:$0x1B400] =	vst v63  }
0x34: {  	_ =	swait.ge [sflag:s13], $0x1400  }
0x35: {  	[sflag:s13] =	ssyncset.done $0x0  }
0x36: {  	s25 =	simm.s32 $0x0;
	s26 =	simm.s32 $0x0;
	[sflag:s13] =	ssyncadd.s32 $0xFFFFEC00  }
.LBB2_2:
0x37: {  	v1 =	vld [tilespmem:s24+$0x0];
	_ =	sdelay $0x2  }
0x38: {  	v2 =	vld [tilespmem:s25+$0x0];
	_ =	sdelay $0x4  }
0x39: {  	[tilespmem:v1+s18+$0x0] =	vst.idx.msk $0xffff, v2  }
0x3a: {  	v2 =	vld [tilespmem:s0+$0x0];
	_ =	sdelay $0x4  }
0x3b: {  	[tilespmem:v1+s19+$0x0] =	vst.idx.msk $0xffff, v2  }
0x3c: {  	v2 =	vld [tilespmem:s1+$0x0]  }
0x3d: {  	p0 =	sne.s32 s26, $0x2770  }
.Ltmp2:
0x3e: {  	_ = 	snop;
	(pc) =	sbr.rel @p0 .LBB2_2-.Ltmp2, $3  }
0x3f: {  	_ =	sdelay $0x1  }
0x40: {  	s24 =	sadd.s32 $0x10, s24;
	s25 =	sadd.s32 $0x10, s25;
	[tilespmem:v1+s20+$0x0] =	vst.idx.msk $0xffff, v2;
	v2 =	vor.u32 s26, v0  }
0x41: {  	s0 =	sadd.s32 $0x10, s0;
	s1 =	sadd.s32 $0x10, s1;
	s26 =	sadd.s32 $0x10, s26;
	[tilespmem:v1+s21+$0x0] =	vst.idx.msk $0xffff, v2  }
.Ltmp3:
0x42: {  	(pc) =	sbr.rel .LBB2_4-.Ltmp3, $2  }
0x43: {  	_ =	sdelay $0x2  }
0x44: {  	s24 =	simm.s32 $0x0  }
.LBB2_16:
0x45: {  	v6 =	vpsel p0, v6, v6;
	v8 =	vpsel p0, v8, v8  }
.LBB2_17:
0x46: {  	_ =	sdelay $0x3  }
0x47: {  	v1 =	vld.idx.msk [tilespmem:v6+s21+$0x0], $0xffff;
	_ =	sdelay $0x2  }
0x48: {  	s0 =	sshll.u32 s24, $0x5  }
0x49: {  	s0 =	sand.u32 $0x3FFFFFE0, s0  }
0x4a: {  	s24 =	sadd.s32 $0x1, s24;
	[tilespmem:s0+$0x18C00] =	vst v1  }
0x4b: {  	p0 =	sne.s32 s24, $0x140;
	v1 =	vld.idx.msk [tilespmem:v8+s21+$0x0], $0xffff  }
.Ltmp4:
0x4c: {  	_ = 	snop;
	(pc) =	sbr.rel @!p0 .LBB2_18-.Ltmp4, $2  }
0x4d: {  	_ =	sdelay $0x2  }
0x4e: {  	[tilespmem:s0+$0x18C10] =	vst v1  }
.LBB2_4:
0x4f: {  	s0 =	sshll.u32 s24, $0x4  }
0x50: {  	v1 =	vld [tilespmem:s0+$0x17800];
	_ =	sdelay $0x4  }
0x51: {  	v1 =	vxor.u32 $0x80000000, v1  }
0x52: {  	(xrf0) =	vmax.scan.msk.u32 $0xffff, v1;
	_ =	sdelay $0x5  }
0x53: {  	v1, _, _ =	vpop (xrf0)  }
0x54: {  	(v2sf) =	vpush v1, $0xF;
	_ =	sdelay $0xe  }
0x55: {  	s26 =	spop (v2sf)  }
0x56: {  	s28 =	sxor.u32 $0x80000000, s26  }
0x57: {  	p0 =	sgt.s32 s28, $0x4E  }
.Ltmp5:
0x58: {  	_ = 	snop;
	(pc) =	sbr.rel @!p0 .LBB2_6-.Ltmp5, $4  }
0x59: {  	_ = 	snop  }
0x5a: {  	v2 =	vld [tilespmem:s0+$0x15000]  }
0x5b: {  	v3 =	vld [tilespmem:s0+$0x16400]  }
0x5c: {  	v1 =	vld [tilespmem:s0+$0x13C00]  }
.Ltmp6:
0x5d: {  	(pc) =	sbr.rel .LBB2_11-.Ltmp6, $3  }
0x5e: {  	_ =	sdelay $0x1  }
0x5f: {  	v6 =	vlaneseq.u32  }
0x60: {  	s25 =	simm.f32 $3.000000010e+38;
	v7 =	vimm.f32 $3.000000010e+38;
	v10 =	vimm.f32 $3.000000010e+38;
	v8 =	vor.u32 $0x10, v6  }
.LBB2_6:
.Ltmp7:
0x61: {  	(pc) =	sbr.rel .LBB2_7-.Ltmp7, $4  }
0x62: {  	_ = 	snop  }
0x63: {  	s0 =	sshll.u32 s26, $0x9;
	s1 =	sshll.u32 s26, $0x7  }
0x64: {  	v8 =	vlaneseq.u32;
	v11 =	vimm.f32 $3.000000010e+38;
	s25 =	simm.f32 $3.000000010e+38;
	v7 =	vimm.f32 $3.000000010e+38;
	s0 =	sshra.s32 s0, $0x2;
	s31 =	sor.u32 $0x40, s1  }
0x65: {  	v9 =	vor.u32 $0x10, v8;
	s29 =	sadd.s32 $0xED40, s0;
	s30 =	sadd.s32 $0xC5C0, s0;
	s0 =	sadd.s32 $0x9E40, s0  }
.LBB2_9:
0x66: {  	p0 =	sgt.s32 s28, $0x4D  }
0x67: {  	p1 =	sgt.f32 @!p0 s1, s25;
	_ =	sdelay $0x1  }
0x68: {  	p1 =	por p0, p1  }
.Ltmp8:
0x69: {  	_ = 	snop;
	(pc) =	sbr.rel @p1 .LBB2_10-.Ltmp8, $3  }
0x6a: {  	_ =	sdelay $0x1  }
0x6b: {  	s28 =	sadd.s32 $0x1, s28;
	s31 =	sadd.s32 $0x80, s31  }
0x6c: {  	s29 =	sadd.s32 $0x80, s29;
	s30 =	sadd.s32 $0x80, s30;
	s0 =	sadd.s32 $0x80, s0  }
.LBB2_7:
0x6d: {  	v4 =	vld [tilespmem:s0+$0xFFFFFFC0]  }
0x6e: {  	v5 =	vld [tilespmem:s30+$0xFFFFFFC0]  }
0x6f: {  	v6 =	vld [tilespmem:s29+$0xFFFFFFC0]  }
0x70: {  	v10 =	vld [tilespmem:s0+$0xFFFFFFD0]  }
0x71: {  	v12 =	vld [tilespmem:s30+$0xFFFFFFD0]  }
0x72: {  	v13 =	vld [tilespmem:s29+$0xFFFFFFD0]  }
0x73: {  	v16 =	vld [tilespmem:s0+$0xFFFFFFE0]  }
0x74: {  	v17 =	vld [tilespmem:s30+$0xFFFFFFE0]  }
0x75: {  	v19 =	vld [tilespmem:s0+$0xFFFFFFF0]  }
0x76: {  	v4 =	vsub.f32 v4, v1  }
0x77: {  	v20 =	vld [tilespmem:s0+$0x0];
	v5 =	vsub.f32 v5, v2;
	v6 =	vsub.f32 v6, v3  }
0x78: {  	v21 =	vld [tilespmem:s30+$0x0];
	v10 =	vsub.f32 v10, v1;
	v12 =	vsub.f32 v12, v2  }
0x79: {  	v13 =	vsub.f32 v13, v3;
	v16 =	vsub.f32 v16, v1  }
0x7a: {  	v24 =	vld [tilespmem:s0+$0x10];
	v17 =	vsub.f32 v17, v2;
	v19 =	vsub.f32 v19, v1  }
0x7b: {  	v53 =	vld [tilespmem:s0+$0x30];
	v14 =	vand.u32 $0x7FFFFFFF, v4;
	v4 =	vmul.f32 v4, v4;
	v5 =	vmul.f32 v5, v5  }
0x7c: {  	v47 =	vsub.f32 v20, v1;
	v14 =	vadd.f32 $-3.906250000e-03, v14  }
0x7d: {  	v54 =	vld [tilespmem:s30+$0x30];
	v48 =	vsub.f32 v21, v2;
	v4 =	vadd.f32 v5, v4;
	v5 =	vmul.f32 v6, v6  }
0x7e: {  	v18 =	vand.u32 $0x7FFFFFFF, v10;
	v10 =	vmul.f32 v10, v10;
	v6 =	vld [tilespmem:s29+$0xFFFFFFE0];
	v14 =	vmax.f32 v14, $0.0e+00  }
0x7f: {  	v12 =	vmul.f32 v12, v12;
	v15 =	vadd.f32 v5, v4;
	v4 =	vmul.f32 v14, v14;
	v14 =	vld [tilespmem:s30+$0xFFFFFFF0]  }
0x80: {  	v46 =	vld [tilespmem:s29+$0xFFFFFFF0];
	v52 =	vsub.f32 v24, v1;
	v57 =	vsub.f32 v53, v1;
	v17 =	vmul.f32 v17, v17  }
0x81: {  	v10 =	vadd.f32 v12, v10;
	v12 =	vmul.f32 v13, v13;
	v13 =	vmul.f32 v16, v16  }
0x82: {  	v21 =	vsub.f32 v54, v2;
	v5 =	vadd.f32 $-3.906250000e-03, v18  }
0x83: {  	v22 =	vmul.f32 v19, v19;
	v16 =	vand.u32 $0x7FFFFFFF, v16;
	v13 =	vadd.f32 v17, v13  }
0x84: {  	v17 =	vld [tilespmem:s29+$0x0];
	v5 =	vmax.f32 v5, $0.0e+00;
	v6 =	vsub.f32 v6, v3;
	v14 =	vsub.f32 v14, v2  }
0x85: {  	v16 =	vadd.f32 $-3.906250000e-03, v16;
	v18 =	vsub.f32 v46, v3;
	v5 =	vmul.f32 v5, v5  }
0x86: {  	v6 =	vmul.f32 v6, v6;
	v23 =	vmul.f32 v14, v14;
	v14 =	vadd.f32 v12, v10;
	v10 =	vld [tilespmem:s30+$0x10]  }
0x87: {  	v27 =	vld [tilespmem:s29+$0x20];
	v50 =	vmul.f32 v47, v47;
	v4 =	vmin.f32 v4, v5;
	v5 =	vmax.f32 v16, $0.0e+00  }
0x88: {  	v13 =	vadd.f32 v6, v13;
	v12 =	vmul.f32 v18, v18;
	v6 =	vadd.f32 v23, v22  }
0x89: {  	v51 =	vld [tilespmem:s30+$0x20];
	v16 =	vand.u32 $0x7FFFFFFF, v19;
	v17 =	vsub.f32 v17, v3;
	v19 =	vmul.f32 v48, v48  }
0x8a: {  	v16 =	vadd.f32 $-3.906250000e-03, v16;
	v12 =	vadd.f32 v12, v6;
	v6 =	vld [tilespmem:s0+$0x20]  }
0x8b: {  	v19 =	vadd.f32 v19, v50;
	v17 =	vmul.f32 v17, v17;
	v10 =	vsub.f32 v10, v2  }
0x8c: {  	v49 =	vld [tilespmem:s29+$0x10];
	v58 =	vsub.f32 v27, v3;
	v5 =	vmul.f32 v5, v5;
	v18 =	vand.u32 $0x7FFFFFFF, v47  }
0x8d: {  	v16 =	vmax.f32 v16, $0.0e+00;
	v26 =	vmul.f32 v10, v10;
	v10 =	vadd.f32 v17, v19;
	v17 =	vld [tilespmem:s29+$0x30]  }
0x8e: {  	v4 =	vmin.f32 v4, v5;
	v5 =	vadd.f32 $-3.906250000e-03, v18;
	v16 =	vmul.f32 v16, v16  }
0x8f: {  	v25 =	vmul.f32 v52, v52;
	v56 =	vsub.f32 v6, v1;
	v6 =	vsub.f32 v51, v2  }
0x90: {  	v60 =	vmul.f32 v57, v57;
	v5 =	vmax.f32 v5, $0.0e+00;
	v4 =	vmin.f32 v4, v16  }
0x91: {  	v16 =	vsub.f32 v49, v3;
	v59 =	vmul.f32 v56, v56;
	v6 =	vmul.f32 v6, v6  }
0x92: {  	v21 =	vmul.f32 v21, v21;
	v5 =	vmul.f32 v5, v5;
	v17 =	vsub.f32 v17, v3  }
0x93: {  	v24 =	vadd.f32 v6, v59;
	v6 =	vmul.f32 v16, v16;
	v16 =	vmul.f32 v58, v58  }
0x94: {  	v61 =	vmin.f32 v4, v5;
	v4 =	vadd.f32 v21, v60;
	v55 =	vadd.f32 v26, v25  }
0x95: {  	v17 =	vmul.f32 v17, v17;
	v5 =	vadd.f32 v16, v24;
	v16 =	vmin.f32 v15, v14  }
0x96: {  	v6 =	vadd.f32 v6, v55;
	v16 =	vmin.f32 v16, v13  }
0x97: {  	v4 =	vadd.f32 v17, v4;
	v17 =	vand.u32 $0x7FFFFFFF, v52;
	v16 =	vmin.f32 v16, v12  }
0x98: {  	v62 =	vand.u32 $0x7FFFFFFF, v56;
	v17 =	vadd.f32 $-3.906250000e-03, v17;
	v16 =	vmin.f32 v16, v10  }
0x99: {  	v63 =	vand.u32 $0x7FFFFFFF, v57;
	v18 =	vadd.f32 $-3.906250000e-03, v62;
	v16 =	vmin.f32 v16, v6  }
0x9a: {  	v19 =	vadd.f32 $-3.906250000e-03, v63;
	v17 =	vmax.f32 v17, $0.0e+00;
	v16 =	vmin.f32 v16, v5  }
0x9b: {  	v18 =	vmax.f32 v18, $0.0e+00;
	v17 =	vmul.f32 v17, v17;
	v16 =	vmin.f32 v16, v4  }
0x9c: {  	v19 =	vmax.f32 v19, $0.0e+00;
	v18 =	vmul.f32 v18, v18;
	(xrf0) =	vmin.scan.msk.f32 $0xffff, v16  }
0x9d: {  	v19 =	vmul.f32 v19, v19;
	v17 =	vmin.f32 v61, v17  }
0x9e: {  	v16 =	vmin.f32 v17, v18  }
0x9f: {  	v16 =	vmin.f32 v16, v19;
	_ =	sdelay $0x2  }
0xa0: {  	(xrf0) =	vmin.scan.msk.f32 $0xffff, v16;
	v16, _, _ =	vpop (xrf0)  }
0xa1: {  	(v2sf) =	vpush v16, $0xF;
	_ =	sdelay $0x4  }
0xa2: {  	v16, _, _ =	vpop (xrf0)  }
0xa3: {  	(v2sf) =	vpush v16, $0xF;
	_ =	sdelay $0x8  }
0xa4: {  	s1 =	spop (v2sf)  }
0xa5: {  	p0 =	slt.f32 s1, s25  }
.Ltmp9:
0xa6: {  	_ = 	snop;
	(pc) =	sbr.rel @!p0 .LBB2_9-.Ltmp9, $2  }
0xa7: {  	_ =	sdelay $0x2  }
0xa8: {  	s1 =	spop (v2sf)  }
0xa9: {  	(xrf0) =	vmin.scan.msk.f32 $0xffff, v15;
	_ =	sdelay $0x5  }
0xaa: {  	v16, _, _ =	vpop (xrf0)  }
0xab: {  	(v2sf) =	vpush v16, $0xF;
	_ =	sdelay $0xe  }
0xac: {  	s14 =	spop (v2sf)  }
0xad: {  	p1 =	slt.f32 s14, s25;
	_ =	sdelay $0x1  }
0xae: {  	s14 =	sadd.s32 $0xFFFFFFC0, s31;
	v16 =	vlaneseq.u32 @p1  }
0xaf: {  	v17 =	vor.u32 @p1 s14, v16  }
0xb0: {  	(xrf1) =	vsort.ascd.msk.f32 @p1 $0xffff, v15, v17;
	_ =	sdelay $0xb  }
0xb1: {  	v15 =	vmul.u32 @p1 $0xFFFFFFFF, v16;
	_ =	sdelay $0x1  }
0xb2: {  	v15 =	vadd.s32 @p1 $0xF, v15;
	v16, v17, _ =	vpop @p1 (xrf1)  }
0xb3: {  	v16 =	vperm.xlane @p1 v16, v15  }
0xb4: {  	v17 =	vperm.xlane @p1 v17, v15  }
0xb5: {  	vm0 =	vle.f32 @p1 v11, v16  }
0xb6: {  	v16 =	vsel @p1 vm0, v11, v16;
	v17 =	vsel @p1 vm0, v9, v17  }
0xb7: {  	(xrf1) =	vsort.ascd.msk.f32 @p1 $0xffff, v16, v17;
	_ =	sdelay $0xd  }
0xb8: {  	v16, v17, _ =	vpop @p1 (xrf1)  }
0xb9: {  	v16 =	vperm.xlane @p1 v16, v15  }
0xba: {  	v15 =	vperm.xlane @p1 v17, v15  }
0xbb: {  	vm0 =	vle.f32 @p1 v7, v16  }
0xbc: {  	v17 =	vsel @p1 vm0, v7, v16;
	v18 =	vsel @p1 vm0, v8, v15  }
0xbd: {  	v16 =	vsel @p1 vm0, v16, v7;
	v15 =	vsel @p1 vm0, v15, v8;
	(xrf1) =	vsort.ascd.msk.f32 @p1 $0xffff, v17, v18  }
0xbe: {  	(xrf1) =	vsort.ascd.msk.f32 @p1 $0xffff, v16, v15;
	_ =	sdelay $0xc  }
0xbf: {  	v15, v16, _ =	vpop @p1 (xrf1)  }
0xc0: {  	v17, v18, _ =	vpop @p1 (xrf1)  }
0xc1: {  	(xrf0) =	vmax.scan.msk.f32 @p1 $0xffff, v17  }
0xc2: {  	(xrf0) =	vmin.scan.msk.f32 $0xffff, v14;
	_ =	sdelay $0x4  }
0xc3: {  	v19, _, _ =	vpop @p1 (xrf0)  }
0xc4: {  	(v2sf) =	vpush @p1 v19, $0xF;
	v57, _, _ =	vpop (xrf0)  }
0xc5: {  	(v2sf) =	vpush v57, $0xF;
	_ =	sdelay $0xd  }
0xc6: {  	s14 =	spop @p1 (v2sf)  }
0xc7: {  	s25 =	smov.u32 @p1 s14;
	s14 =	spop (v2sf)  }
0xc8: {  	p0 =	slt.f32 s14, s25;
	_ =	sdelay $0x1  }
0xc9: {  	s14 =	sadd.s32 $0xFFFFFFD0, s31;
	v19 =	vlaneseq.u32 @p0  }
0xca: {  	v20 =	vor.u32 @p0 s14, v19  }
0xcb: {  	(xrf1) =	vsort.ascd.msk.f32 @p0 $0xffff, v14, v20;
	_ =	sdelay $0xb  }
0xcc: {  	v14 =	vmul.u32 @p0 $0xFFFFFFFF, v19;
	_ =	sdelay $0x1  }
0xcd: {  	v14 =	vadd.s32 @p0 $0xF, v14;
	v19, v20, _ =	vpop @p0 (xrf1)  }
0xce: {  	v19 =	vperm.xlane @p0 v19, v14  }
0xcf: {  	v11 =	vpsel p1, v17, v11;
	v17 =	vperm.xlane @p0 v20, v14  }
0xd0: {  	v9 =	vpsel p1, v18, v9;
	vm0 =	vle.f32 @p0 v11, v19  }
0xd1: {  	v18 =	vsel @p0 vm0, v11, v19;
	v17 =	vsel @p0 vm0, v9, v17  }
0xd2: {  	(xrf1) =	vsort.ascd.msk.f32 @p0 $0xffff, v18, v17;
	_ =	sdelay $0xd  }
0xd3: {  	v17, v18, _ =	vpop @p0 (xrf1)  }
0xd4: {  	v17 =	vperm.xlane @p0 v17, v14  }
0xd5: {  	v7 =	vpsel p1, v15, v7;
	v14 =	vperm.xlane @p0 v18, v14  }
0xd6: {  	v8 =	vpsel p1, v16, v8;
	vm0 =	vle.f32 @p0 v7, v17  }
0xd7: {  	v15 =	vsel @p0 vm0, v7, v17;
	v16 =	vsel @p0 vm0, v8, v14  }
0xd8: {  	v17 =	vsel @p0 vm0, v17, v7;
	v14 =	vsel @p0 vm0, v14, v8;
	(xrf1) =	vsort.ascd.msk.f32 @p0 $0xffff, v15, v16  }
0xd9: {  	(xrf1) =	vsort.ascd.msk.f32 @p0 $0xffff, v17, v14;
	_ =	sdelay $0xc  }
0xda: {  	v14, v15, _ =	vpop @p0 (xrf1)  }
0xdb: {  	v16, v17, _ =	vpop @p0 (xrf1)  }
0xdc: {  	(xrf0) =	vmax.scan.msk.f32 @p0 $0xffff, v16  }
0xdd: {  	(xrf0) =	vmin.scan.msk.f32 $0xffff, v13;
	_ =	sdelay $0x4  }
0xde: {  	v18, _, _ =	vpop @p0 (xrf0)  }
0xdf: {  	(v2sf) =	vpush @p0 v18, $0xF;
	v58, _, _ =	vpop (xrf0)  }
0xe0: {  	(v2sf) =	vpush v58, $0xF;
	_ =	sdelay $0xd  }
0xe1: {  	s14 =	spop @p0 (v2sf)  }
0xe2: {  	s25 =	smov.u32 @p0 s14;
	s14 =	spop (v2sf)  }
0xe3: {  	p1 =	slt.f32 s14, s25;
	_ =	sdelay $0x1  }
0xe4: {  	s14 =	sadd.s32 $0xFFFFFFE0, s31;
	v18 =	vlaneseq.u32 @p1  }
0xe5: {  	v19 =	vor.u32 @p1 s14, v18  }
0xe6: {  	(xrf1) =	vsort.ascd.msk.f32 @p1 $0xffff, v13, v19;
	_ =	sdelay $0xb  }
0xe7: {  	v13 =	vmul.u32 @p1 $0xFFFFFFFF, v18;
	_ =	sdelay $0x1  }
0xe8: {  	v13 =	vadd.s32 @p1 $0xF, v13;
	v18, v19, _ =	vpop @p1 (xrf1)  }
0xe9: {  	v18 =	vperm.xlane @p1 v18, v13  }
0xea: {  	v11 =	vpsel p0, v16, v11;
	v16 =	vperm.xlane @p1 v19, v13  }
0xeb: {  	v9 =	vpsel p0, v17, v9;
	vm0 =	vle.f32 @p1 v11, v18  }
0xec: {  	v17 =	vsel @p1 vm0, v11, v18;
	v16 =	vsel @p1 vm0, v9, v16  }
0xed: {  	(xrf1) =	vsort.ascd.msk.f32 @p1 $0xffff, v17, v16;
	_ =	sdelay $0xd  }
0xee: {  	v16, v17, _ =	vpop @p1 (xrf1)  }
0xef: {  	v16 =	vperm.xlane @p1 v16, v13  }
0xf0: {  	v7 =	vpsel p0, v14, v7;
	v13 =	vperm.xlane @p1 v17, v13  }
0xf1: {  	v8 =	vpsel p0, v15, v8;
	vm0 =	vle.f32 @p1 v7, v16  }
0xf2: {  	v14 =	vsel @p1 vm0, v7, v16;
	v15 =	vsel @p1 vm0, v8, v13  }
0xf3: {  	v16 =	vsel @p1 vm0, v16, v7;
	v13 =	vsel @p1 vm0, v13, v8;
	(xrf1) =	vsort.ascd.msk.f32 @p1 $0xffff, v14, v15  }
0xf4: {  	(xrf1) =	vsort.ascd.msk.f32 @p1 $0xffff, v16, v13;
	_ =	sdelay $0xc  }
0xf5: {  	v13, v14, _ =	vpop @p1 (xrf1)  }
0xf6: {  	v15, v16, _ =	vpop @p1 (xrf1)  }
0xf7: {  	(xrf0) =	vmax.scan.msk.f32 @p1 $0xffff, v15  }
0xf8: {  	(xrf0) =	vmin.scan.msk.f32 $0xffff, v12;
	_ =	sdelay $0x4  }
0xf9: {  	v17, _, _ =	vpop @p1 (xrf0)  }
0xfa: {  	(v2sf) =	vpush @p1 v17, $0xF;
	v59, _, _ =	vpop (xrf0)  }
0xfb: {  	(v2sf) =	vpush v59, $0xF;
	_ =	sdelay $0xd  }
0xfc: {  	s14 =	spop @p1 (v2sf)  }
0xfd: {  	s25 =	smov.u32 @p1 s14;
	s14 =	spop (v2sf)  }
0xfe: {  	p0 =	slt.f32 s14, s25;
	_ =	sdelay $0x1  }
0xff: {  	s14 =	sadd.s32 $0xFFFFFFF0, s31;
	v17 =	vlaneseq.u32 @p0  }
0x100: {  	v18 =	vor.u32 @p0 s14, v17  }
0x101: {  	(xrf1) =	vsort.ascd.msk.f32 @p0 $0xffff, v12, v18;
	_ =	sdelay $0xb  }
0x102: {  	v12 =	vmul.u32 @p0 $0xFFFFFFFF, v17;
	_ =	sdelay $0x1  }
0x103: {  	v12 =	vadd.s32 @p0 $0xF, v12;
	v17, v18, _ =	vpop @p0 (xrf1)  }
0x104: {  	v17 =	vperm.xlane @p0 v17, v12  }
0x105: {  	v11 =	vpsel p1, v15, v11;
	v15 =	vperm.xlane @p0 v18, v12  }
0x106: {  	v9 =	vpsel p1, v16, v9;
	vm0 =	vle.f32 @p0 v11, v17  }
0x107: {  	v16 =	vsel @p0 vm0, v11, v17;
	v15 =	vsel @p0 vm0, v9, v15  }
0x108: {  	(xrf1) =	vsort.ascd.msk.f32 @p0 $0xffff, v16, v15;
	_ =	sdelay $0xd  }
0x109: {  	v15, v16, _ =	vpop @p0 (xrf1)  }
0x10a: {  	v15 =	vperm.xlane @p0 v15, v12  }
0x10b: {  	v7 =	vpsel p1, v13, v7;
	v12 =	vperm.xlane @p0 v16, v12  }
0x10c: {  	v8 =	vpsel p1, v14, v8;
	vm0 =	vle.f32 @p0 v7, v15  }
0x10d: {  	v13 =	vsel @p0 vm0, v7, v15;
	v14 =	vsel @p0 vm0, v8, v12  }
0x10e: {  	v15 =	vsel @p0 vm0, v15, v7;
	v12 =	vsel @p0 vm0, v12, v8;
	(xrf1) =	vsort.ascd.msk.f32 @p0 $0xffff, v13, v14  }
0x10f: {  	(xrf1) =	vsort.ascd.msk.f32 @p0 $0xffff, v15, v12;
	_ =	sdelay $0xc  }
0x110: {  	v12, v13, _ =	vpop @p0 (xrf1)  }
0x111: {  	v14, v15, _ =	vpop @p0 (xrf1)  }
0x112: {  	(xrf0) =	vmax.scan.msk.f32 @p0 $0xffff, v14  }
0x113: {  	(xrf0) =	vmin.scan.msk.f32 $0xffff, v10;
	_ =	sdelay $0x4  }
0x114: {  	v16, _, _ =	vpop @p0 (xrf0)  }
0x115: {  	(v2sf) =	vpush @p0 v16, $0xF;
	v60, _, _ =	vpop (xrf0)  }
0x116: {  	(v2sf) =	vpush v60, $0xF;
	_ =	sdelay $0xd  }
0x117: {  	s14 =	spop @p0 (v2sf)  }
0x118: {  	s25 =	smov.u32 @p0 s14;
	s14 =	spop (v2sf)  }
0x119: {  	p1 =	slt.f32 s14, s25;
	_ =	sdelay $0x1  }
0x11a: {  	v16 =	vlaneseq.u32 @p1  }
0x11b: {  	v17 =	vor.u32 @p1 s31, v16  }
0x11c: {  	(xrf1) =	vsort.ascd.msk.f32 @p1 $0xffff, v10, v17;
	_ =	sdelay $0xb  }
0x11d: {  	v10 =	vmul.u32 @p1 $0xFFFFFFFF, v16;
	_ =	sdelay $0x1  }
0x11e: {  	v10 =	vadd.s32 @p1 $0xF, v10;
	v16, v17, _ =	vpop @p1 (xrf1)  }
0x11f: {  	v16 =	vperm.xlane @p1 v16, v10  }
0x120: {  	v11 =	vpsel p0, v14, v11;
	v14 =	vperm.xlane @p1 v17, v10  }
0x121: {  	v9 =	vpsel p0, v15, v9;
	vm0 =	vle.f32 @p1 v11, v16  }
0x122: {  	v15 =	vsel @p1 vm0, v11, v16;
	v14 =	vsel @p1 vm0, v9, v14  }
0x123: {  	(xrf1) =	vsort.ascd.msk.f32 @p1 $0xffff, v15, v14;
	_ =	sdelay $0xd  }
0x124: {  	v14, v15, _ =	vpop @p1 (xrf1)  }
0x125: {  	v14 =	vperm.xlane @p1 v14, v10  }
0x126: {  	v7 =	vpsel p0, v12, v7;
	v10 =	vperm.xlane @p1 v15, v10  }
0x127: {  	v8 =	vpsel p0, v13, v8;
	vm0 =	vle.f32 @p1 v7, v14  }
0x128: {  	v12 =	vsel @p1 vm0, v7, v14;
	v13 =	vsel @p1 vm0, v8, v10  }
0x129: {  	v14 =	vsel @p1 vm0, v14, v7;
	v10 =	vsel @p1 vm0, v10, v8;
	(xrf1) =	vsort.ascd.msk.f32 @p1 $0xffff, v12, v13  }
0x12a: {  	(xrf1) =	vsort.ascd.msk.f32 @p1 $0xffff, v14, v10;
	_ =	sdelay $0xc  }
0x12b: {  	v10, v12, _ =	vpop @p1 (xrf1)  }
0x12c: {  	v13, v14, _ =	vpop @p1 (xrf1)  }
0x12d: {  	(xrf0) =	vmax.scan.msk.f32 @p1 $0xffff, v13  }
0x12e: {  	(xrf0) =	vmin.scan.msk.f32 $0xffff, v6;
	_ =	sdelay $0x4  }
0x12f: {  	v15, _, _ =	vpop @p1 (xrf0)  }
0x130: {  	(v2sf) =	vpush @p1 v15, $0xF;
	v61, _, _ =	vpop (xrf0)  }
0x131: {  	(v2sf) =	vpush v61, $0xF;
	_ =	sdelay $0xd  }
0x132: {  	s14 =	spop @p1 (v2sf)  }
0x133: {  	s25 =	smov.u32 @p1 s14;
	s14 =	spop (v2sf)  }
0x134: {  	p0 =	slt.f32 s14, s25;
	_ =	sdelay $0x1  }
0x135: {  	s14 =	sadd.s32 $0x10, s31;
	v15 =	vlaneseq.u32 @p0  }
0x136: {  	v16 =	vor.u32 @p0 s14, v15  }
0x137: {  	(xrf1) =	vsort.ascd.msk.f32 @p0 $0xffff, v6, v16;
	_ =	sdelay $0xb  }
0x138: {  	v6 =	vmul.u32 @p0 $0xFFFFFFFF, v15;
	_ =	sdelay $0x1  }
0x139: {  	v6 =	vadd.s32 @p0 $0xF, v6;
	v15, v16, _ =	vpop @p0 (xrf1)  }
0x13a: {  	v15 =	vperm.xlane @p0 v15, v6  }
0x13b: {  	v11 =	vpsel p1, v13, v11;
	v13 =	vperm.xlane @p0 v16, v6  }
0x13c: {  	v9 =	vpsel p1, v14, v9;
	vm0 =	vle.f32 @p0 v11, v15  }
0x13d: {  	v14 =	vsel @p0 vm0, v11, v15;
	v13 =	vsel @p0 vm0, v9, v13  }
0x13e: {  	(xrf1) =	vsort.ascd.msk.f32 @p0 $0xffff, v14, v13;
	_ =	sdelay $0xd  }
0x13f: {  	v13, v14, _ =	vpop @p0 (xrf1)  }
0x140: {  	v13 =	vperm.xlane @p0 v13, v6  }
0x141: {  	v7 =	vpsel p1, v10, v7;
	v6 =	vperm.xlane @p0 v14, v6  }
0x142: {  	v8 =	vpsel p1, v12, v8;
	vm0 =	vle.f32 @p0 v7, v13  }
0x143: {  	v10 =	vsel @p0 vm0, v7, v13;
	v12 =	vsel @p0 vm0, v8, v6  }
0x144: {  	v13 =	vsel @p0 vm0, v13, v7;
	v6 =	vsel @p0 vm0, v6, v8;
	(xrf1) =	vsort.ascd.msk.f32 @p0 $0xffff, v10, v12  }
0x145: {  	(xrf1) =	vsort.ascd.msk.f32 @p0 $0xffff, v13, v6;
	_ =	sdelay $0xc  }
0x146: {  	v6, v10, _ =	vpop @p0 (xrf1)  }
0x147: {  	v12, v13, _ =	vpop @p0 (xrf1)  }
0x148: {  	(xrf0) =	vmax.scan.msk.f32 @p0 $0xffff, v12  }
0x149: {  	(xrf0) =	vmin.scan.msk.f32 $0xffff, v5;
	_ =	sdelay $0x4  }
0x14a: {  	v14, _, _ =	vpop @p0 (xrf0)  }
0x14b: {  	(v2sf) =	vpush @p0 v14, $0xF;
	v62, _, _ =	vpop (xrf0)  }
0x14c: {  	(v2sf) =	vpush v62, $0xF;
	_ =	sdelay $0xd  }
0x14d: {  	s14 =	spop @p0 (v2sf)  }
0x14e: {  	s25 =	smov.u32 @p0 s14;
	s14 =	spop (v2sf)  }
0x14f: {  	p1 =	slt.f32 s14, s25;
	_ =	sdelay $0x1  }
0x150: {  	s14 =	sadd.s32 $0x20, s31;
	v14 =	vlaneseq.u32 @p1  }
0x151: {  	v15 =	vor.u32 @p1 s14, v14  }
0x152: {  	(xrf1) =	vsort.ascd.msk.f32 @p1 $0xffff, v5, v15;
	_ =	sdelay $0xb  }
0x153: {  	v5 =	vmul.u32 @p1 $0xFFFFFFFF, v14;
	_ =	sdelay $0x1  }
0x154: {  	v5 =	vadd.s32 @p1 $0xF, v5;
	v14, v15, _ =	vpop @p1 (xrf1)  }
0x155: {  	v14 =	vperm.xlane @p1 v14, v5  }
0x156: {  	v11 =	vpsel p0, v12, v11;
	v12 =	vperm.xlane @p1 v15, v5  }
0x157: {  	v9 =	vpsel p0, v13, v9;
	vm0 =	vle.f32 @p1 v11, v14  }
0x158: {  	v13 =	vsel @p1 vm0, v11, v14;
	v12 =	vsel @p1 vm0, v9, v12  }
0x159: {  	(xrf1) =	vsort.ascd.msk.f32 @p1 $0xffff, v13, v12;
	_ =	sdelay $0xd  }
0x15a: {  	v12, v13, _ =	vpop @p1 (xrf1)  }
0x15b: {  	v12 =	vperm.xlane @p1 v12, v5  }
0x15c: {  	v6 =	vpsel p0, v6, v7;
	v5 =	vperm.xlane @p1 v13, v5  }
0x15d: {  	v7 =	vpsel p0, v10, v8;
	vm0 =	vle.f32 @p1 v6, v12  }
0x15e: {  	v8 =	vsel @p1 vm0, v6, v12;
	v10 =	vsel @p1 vm0, v7, v5  }
0x15f: {  	v12 =	vsel @p1 vm0, v12, v6;
	v5 =	vsel @p1 vm0, v5, v7;
	(xrf1) =	vsort.ascd.msk.f32 @p1 $0xffff, v8, v10  }
0x160: {  	(xrf1) =	vsort.ascd.msk.f32 @p1 $0xffff, v12, v5;
	_ =	sdelay $0xc  }
0x161: {  	v5, v8, _ =	vpop @p1 (xrf1)  }
0x162: {  	v10, v12, _ =	vpop @p1 (xrf1)  }
0x163: {  	(xrf0) =	vmax.scan.msk.f32 @p1 $0xffff, v10  }
0x164: {  	(xrf0) =	vmin.scan.msk.f32 $0xffff, v4;
	_ =	sdelay $0x4  }
0x165: {  	v13, _, _ =	vpop @p1 (xrf0)  }
0x166: {  	(v2sf) =	vpush @p1 v13, $0xF;
	v63, _, _ =	vpop (xrf0)  }
0x167: {  	(v2sf) =	vpush v63, $0xF;
	_ =	sdelay $0xd  }
0x168: {  	s14 =	spop @p1 (v2sf)  }
0x169: {  	s25 =	smov.u32 @p1 s14;
	s14 =	spop (v2sf)  }
0x16a: {  	p0 =	slt.f32 s14, s25;
	_ =	sdelay $0x1  }
0x16b: {  	s14 =	sadd.s32 $0x30, s31;
	v13 =	vlaneseq.u32 @p0  }
0x16c: {  	v14 =	vor.u32 @p0 s14, v13  }
0x16d: {  	(xrf1) =	vsort.ascd.msk.f32 @p0 $0xffff, v4, v14;
	_ =	sdelay $0xb  }
0x16e: {  	v4 =	vmul.u32 @p0 $0xFFFFFFFF, v13;
	_ =	sdelay $0x1  }
0x16f: {  	v4 =	vadd.s32 @p0 $0xF, v4;
	v13, v14, _ =	vpop @p0 (xrf1)  }
0x170: {  	v13 =	vperm.xlane @p0 v13, v4  }
0x171: {  	v10 =	vpsel p1, v10, v11;
	v11 =	vperm.xlane @p0 v14, v4  }
0x172: {  	v9 =	vpsel p1, v12, v9;
	vm0 =	vle.f32 @p0 v10, v13  }
0x173: {  	v12 =	vsel @p0 vm0, v10, v13;
	v11 =	vsel @p0 vm0, v9, v11  }
0x174: {  	(xrf1) =	vsort.ascd.msk.f32 @p0 $0xffff, v12, v11;
	_ =	sdelay $0xd  }
0x175: {  	v11, v12, _ =	vpop @p0 (xrf1)  }
0x176: {  	v11 =	vperm.xlane @p0 v11, v4  }
0x177: {  	v5 =	vpsel p1, v5, v6;
	v4 =	vperm.xlane @p0 v12, v4  }
0x178: {  	v6 =	vpsel p1, v8, v7;
	vm0 =	vle.f32 @p0 v5, v11  }
0x179: {  	v7 =	vsel @p0 vm0, v5, v11;
	v8 =	vsel @p0 vm0, v6, v4  }
0x17a: {  	v11 =	vsel @p0 vm0, v11, v5;
	v4 =	vsel @p0 vm0, v4, v6;
	(xrf1) =	vsort.ascd.msk.f32 @p0 $0xffff, v7, v8  }
0x17b: {  	(xrf1) =	vsort.ascd.msk.f32 @p0 $0xffff, v11, v4;
	_ =	sdelay $0xc  }
0x17c: {  	v4, v8, _ =	vpop @p0 (xrf1)  }
0x17d: {  	v11, v12, _ =	vpop @p0 (xrf1)  }
0x17e: {  	(xrf0) =	vmax.scan.msk.f32 @p0 $0xffff, v11;
	_ =	sdelay $0x5  }
0x17f: {  	v7, _, _ =	vpop @p0 (xrf0)  }
0x180: {  	(v2sf) =	vpush @p0 v7, $0xF;
	_ =	sdelay $0xb  }
.Ltmp10:
0x181: {  	_ = 	snop;
	(pc) =	sbr.rel .LBB2_9-.Ltmp10, $3  }
0x182: {  	_ =	sdelay $0x1  }
0x183: {  	v8 =	vpsel p0, v8, v6;
	s14 =	spop @p0 (v2sf)  }
0x184: {  	v11 =	vpsel p0, v11, v10;
	v9 =	vpsel p0, v12, v9;
	v7 =	vpsel p0, v4, v5;
	s25 =	smov.u32 @p0 s14  }
.LBB2_10:
0x185: {  	v7 =	vpsel p0, v7, v7  }
0x186: {  	v6 =	vpsel p0, v8, v8;
	v10 =	vpsel p0, v11, v11;
	v8 =	vpsel p0, v9, v9;
	s25 =	smov.u32 @p0 s25  }
.LBB2_11:
0x187: {  	s28 =	sadd.s32 $0x7FFFFFFF, s26  }
0x188: {  	p0 =	slt.s32 s28, $0x0  }
.Ltmp11:
0x189: {  	_ = 	snop;
	(pc) =	sbr.rel @p0 .LBB2_17-.Ltmp11, $1  }
0x18a: {  	_ =	sdelay $0x3  }
.Ltmp12:
0x18b: {  	(pc) =	sbr.rel .LBB2_13-.Ltmp12, $4  }
0x18c: {  	_ = 	snop  }
0x18d: {  	s0 =	sshll.u32 s26, $0x7;
	s1 =	sshll.u32 s26, $0x9  }
0x18e: {  	s26 =	sadd.s32 $0xFFFFFFC0, s0;
	s1 =	sshra.s32 s1, $0x2  }
0x18f: {  	s0 =	sadd.s32 $0xECC0, s1;
	s29 =	sadd.s32 $0xC540, s1;
	s30 =	sadd.s32 $0x9DC0, s1  }
.LBB2_15:
0x190: {  	p0 =	slt.s32 s28, $0x1  }
0x191: {  	p1 =	sgt.f32 @!p0 s1, s25;
	_ =	sdelay $0x1  }
0x192: {  	p1 =	por p0, p1  }
.Ltmp13:
0x193: {  	_ = 	snop;
	(pc) =	sbr.rel @p1 .LBB2_16-.Ltmp13, $3  }
0x194: {  	_ =	sdelay $0x1  }
0x195: {  	s28 =	sadd.s32 $0xFFFFFFFF, s28;
	s26 =	sadd.s32 $0xFFFFFF80, s26  }
0x196: {  	s0 =	sadd.s32 $0xFFFFFF80, s0;
	s29 =	sadd.s32 $0xFFFFFF80, s29;
	s30 =	sadd.s32 $0xFFFFFF80, s30  }
.LBB2_13:
0x197: {  	v4 =	vld [tilespmem:s30+$0xFFFFFFC0]  }
0x198: {  	v5 =	vld [tilespmem:s29+$0xFFFFFFC0]  }
0x199: {  	v9 =	vld [tilespmem:s0+$0xFFFFFFC0]  }
0x19a: {  	v11 =	vld [tilespmem:s30+$0xFFFFFFD0]  }
0x19b: {  	v12 =	vld [tilespmem:s29+$0xFFFFFFD0]  }
0x19c: {  	v13 =	vld [tilespmem:s0+$0xFFFFFFD0]  }
0x19d: {  	v16 =	vld [tilespmem:s30+$0xFFFFFFE0]  }
0x19e: {  	v17 =	vld [tilespmem:s29+$0xFFFFFFE0]  }
0x19f: {  	v19 =	vld [tilespmem:s30+$0xFFFFFFF0]  }
0x1a0: {  	v4 =	vsub.f32 v4, v1  }
0x1a1: {  	v20 =	vld [tilespmem:s30+$0x0];
	v5 =	vsub.f32 v5, v2;
	v9 =	vsub.f32 v9, v3  }
0x1a2: {  	v21 =	vld [tilespmem:s29+$0x0];
	v11 =	vsub.f32 v11, v1;
	v12 =	vsub.f32 v12, v2  }
0x1a3: {  	v13 =	vsub.f32 v13, v3;
	v16 =	vsub.f32 v16, v1  }
0x1a4: {  	v24 =	vld [tilespmem:s30+$0x10];
	v17 =	vsub.f32 v17, v2;
	v19 =	vsub.f32 v19, v1  }
0x1a5: {  	v53 =	vld [tilespmem:s30+$0x30];
	v14 =	vand.u32 $0x7FFFFFFF, v4;
	v4 =	vmul.f32 v4, v4;
	v5 =	vmul.f32 v5, v5  }
0x1a6: {  	v47 =	vsub.f32 v20, v1;
	v14 =	vadd.f32 $-3.906250000e-03, v14  }
0x1a7: {  	v54 =	vld [tilespmem:s29+$0x30];
	v48 =	vsub.f32 v21, v2;
	v4 =	vadd.f32 v5, v4;
	v5 =	vmul.f32 v9, v9  }
0x1a8: {  	v18 =	vand.u32 $0x7FFFFFFF, v11;
	v11 =	vmul.f32 v11, v11;
	v9 =	vld [tilespmem:s0+$0xFFFFFFE0];
	v14 =	vmax.f32 v14, $0.0e+00  }
0x1a9: {  	v12 =	vmul.f32 v12, v12;
	v15 =	vadd.f32 v5, v4;
	v4 =	vmul.f32 v14, v14;
	v14 =	vld [tilespmem:s29+$0xFFFFFFF0]  }
0x1aa: {  	v46 =	vld [tilespmem:s0+$0xFFFFFFF0];
	v52 =	vsub.f32 v24, v1;
	v57 =	vsub.f32 v53, v1;
	v17 =	vmul.f32 v17, v17  }
0x1ab: {  	v11 =	vadd.f32 v12, v11;
	v12 =	vmul.f32 v13, v13;
	v13 =	vmul.f32 v16, v16  }
0x1ac: {  	v21 =	vsub.f32 v54, v2;
	v5 =	vadd.f32 $-3.906250000e-03, v18  }
0x1ad: {  	v22 =	vmul.f32 v19, v19;
	v16 =	vand.u32 $0x7FFFFFFF, v16;
	v13 =	vadd.f32 v17, v13  }
0x1ae: {  	v17 =	vld [tilespmem:s0+$0x0];
	v5 =	vmax.f32 v5, $0.0e+00;
	v9 =	vsub.f32 v9, v3;
	v14 =	vsub.f32 v14, v2  }
0x1af: {  	v16 =	vadd.f32 $-3.906250000e-03, v16;
	v18 =	vsub.f32 v46, v3;
	v5 =	vmul.f32 v5, v5  }
0x1b0: {  	v9 =	vmul.f32 v9, v9;
	v23 =	vmul.f32 v14, v14;
	v14 =	vadd.f32 v12, v11;
	v11 =	vld [tilespmem:s29+$0x10]  }
0x1b1: {  	v27 =	vld [tilespmem:s0+$0x20];
	v50 =	vmul.f32 v47, v47;
	v4 =	vmin.f32 v4, v5;
	v5 =	vmax.f32 v16, $0.0e+00  }
0x1b2: {  	v13 =	vadd.f32 v9, v13;
	v12 =	vmul.f32 v18, v18;
	v9 =	vadd.f32 v23, v22  }
0x1b3: {  	v51 =	vld [tilespmem:s29+$0x20];
	v16 =	vand.u32 $0x7FFFFFFF, v19;
	v17 =	vsub.f32 v17, v3;
	v19 =	vmul.f32 v48, v48  }
0x1b4: {  	v16 =	vadd.f32 $-3.906250000e-03, v16;
	v12 =	vadd.f32 v12, v9;
	v9 =	vld [tilespmem:s30+$0x20]  }
0x1b5: {  	v19 =	vadd.f32 v19, v50;
	v17 =	vmul.f32 v17, v17;
	v11 =	vsub.f32 v11, v2  }
0x1b6: {  	v49 =	vld [tilespmem:s0+$0x10];
	v58 =	vsub.f32 v27, v3;
	v5 =	vmul.f32 v5, v5;
	v18 =	vand.u32 $0x7FFFFFFF, v47  }
0x1b7: {  	v16 =	vmax.f32 v16, $0.0e+00;
	v26 =	vmul.f32 v11, v11;
	v11 =	vadd.f32 v17, v19;
	v17 =	vld [tilespmem:s0+$0x30]  }
0x1b8: {  	v4 =	vmin.f32 v4, v5;
	v5 =	vadd.f32 $-3.906250000e-03, v18;
	v16 =	vmul.f32 v16, v16  }
0x1b9: {  	v25 =	vmul.f32 v52, v52;
	v56 =	vsub.f32 v9, v1;
	v9 =	vsub.f32 v51, v2  }
0x1ba: {  	v60 =	vmul.f32 v57, v57;
	v5 =	vmax.f32 v5, $0.0e+00;
	v4 =	vmin.f32 v4, v16  }
0x1bb: {  	v16 =	vsub.f32 v49, v3;
	v59 =	vmul.f32 v56, v56;
	v9 =	vmul.f32 v9, v9  }
0x1bc: {  	v21 =	vmul.f32 v21, v21;
	v5 =	vmul.f32 v5, v5;
	v17 =	vsub.f32 v17, v3  }
0x1bd: {  	v24 =	vadd.f32 v9, v59;
	v9 =	vmul.f32 v16, v16;
	v16 =	vmul.f32 v58, v58  }
0x1be: {  	v61 =	vmin.f32 v4, v5;
	v4 =	vadd.f32 v21, v60;
	v55 =	vadd.f32 v26, v25  }
0x1bf: {  	v17 =	vmul.f32 v17, v17;
	v5 =	vadd.f32 v16, v24;
	v16 =	vmin.f32 v15, v14  }
0x1c0: {  	v9 =	vadd.f32 v9, v55;
	v16 =	vmin.f32 v16, v13  }
0x1c1: {  	v4 =	vadd.f32 v17, v4;
	v17 =	vand.u32 $0x7FFFFFFF, v52;
	v16 =	vmin.f32 v16, v12  }
0x1c2: {  	v62 =	vand.u32 $0x7FFFFFFF, v56;
	v17 =	vadd.f32 $-3.906250000e-03, v17;
	v16 =	vmin.f32 v16, v11  }
0x1c3: {  	v63 =	vand.u32 $0x7FFFFFFF, v57;
	v18 =	vadd.f32 $-3.906250000e-03, v62;
	v16 =	vmin.f32 v16, v9  }
0x1c4: {  	v19 =	vadd.f32 $-3.906250000e-03, v63;
	v17 =	vmax.f32 v17, $0.0e+00;
	v16 =	vmin.f32 v16, v5  }
0x1c5: {  	v18 =	vmax.f32 v18, $0.0e+00;
	v17 =	vmul.f32 v17, v17;
	v16 =	vmin.f32 v16, v4  }
0x1c6: {  	v19 =	vmax.f32 v19, $0.0e+00;
	v18 =	vmul.f32 v18, v18;
	(xrf0) =	vmin.scan.msk.f32 $0xffff, v16  }
0x1c7: {  	v19 =	vmul.f32 v19, v19;
	v17 =	vmin.f32 v61, v17  }
0x1c8: {  	v16 =	vmin.f32 v17, v18  }
0x1c9: {  	v16 =	vmin.f32 v16, v19;
	_ =	sdelay $0x2  }
0x1ca: {  	(xrf0) =	vmin.scan.msk.f32 $0xffff, v16;
	v16, _, _ =	vpop (xrf0)  }
0x1cb: {  	(v2sf) =	vpush v16, $0xF;
	_ =	sdelay $0x4  }
0x1cc: {  	v16, _, _ =	vpop (xrf0)  }
0x1cd: {  	(v2sf) =	vpush v16, $0xF;
	_ =	sdelay $0x8  }
0x1ce: {  	s1 =	spop (v2sf)  }
0x1cf: {  	p0 =	slt.f32 s1, s25  }
.Ltmp14:
0x1d0: {  	_ = 	snop;
	(pc) =	sbr.rel @!p0 .LBB2_15-.Ltmp14, $2  }
0x1d1: {  	_ =	sdelay $0x2  }
0x1d2: {  	s1 =	spop (v2sf)  }
0x1d3: {  	(xrf0) =	vmin.scan.msk.f32 $0xffff, v15;
	_ =	sdelay $0x5  }
0x1d4: {  	v16, _, _ =	vpop (xrf0)  }
0x1d5: {  	(v2sf) =	vpush v16, $0xF;
	_ =	sdelay $0xe  }
0x1d6: {  	s14 =	spop (v2sf)  }
0x1d7: {  	p1 =	slt.f32 s14, s25;
	_ =	sdelay $0x1  }
0x1d8: {  	s14 =	sadd.s32 $0xFFFFFFC0, s26;
	v16 =	vlaneseq.u32 @p1  }
0x1d9: {  	v17 =	vor.u32 @p1 s14, v16  }
0x1da: {  	(xrf1) =	vsort.ascd.msk.f32 @p1 $0xffff, v15, v17;
	_ =	sdelay $0xb  }
0x1db: {  	v15 =	vmul.u32 @p1 $0xFFFFFFFF, v16;
	_ =	sdelay $0x1  }
0x1dc: {  	v15 =	vadd.s32 @p1 $0xF, v15;
	v16, v17, _ =	vpop @p1 (xrf1)  }
0x1dd: {  	v16 =	vperm.xlane @p1 v16, v15  }
0x1de: {  	v17 =	vperm.xlane @p1 v17, v15  }
0x1df: {  	vm0 =	vle.f32 @p1 v10, v16  }
0x1e0: {  	v16 =	vsel @p1 vm0, v10, v16;
	v17 =	vsel @p1 vm0, v8, v17  }
0x1e1: {  	(xrf1) =	vsort.ascd.msk.f32 @p1 $0xffff, v16, v17;
	_ =	sdelay $0xd  }
0x1e2: {  	v16, v17, _ =	vpop @p1 (xrf1)  }
0x1e3: {  	v16 =	vperm.xlane @p1 v16, v15  }
0x1e4: {  	v15 =	vperm.xlane @p1 v17, v15  }
0x1e5: {  	vm0 =	vle.f32 @p1 v7, v16  }
0x1e6: {  	v17 =	vsel @p1 vm0, v7, v16;
	v18 =	vsel @p1 vm0, v6, v15  }
0x1e7: {  	v16 =	vsel @p1 vm0, v16, v7;
	v15 =	vsel @p1 vm0, v15, v6;
	(xrf1) =	vsort.ascd.msk.f32 @p1 $0xffff, v17, v18  }
0x1e8: {  	(xrf1) =	vsort.ascd.msk.f32 @p1 $0xffff, v16, v15;
	_ =	sdelay $0xc  }
0x1e9: {  	v15, v16, _ =	vpop @p1 (xrf1)  }
0x1ea: {  	v17, v18, _ =	vpop @p1 (xrf1)  }
0x1eb: {  	(xrf0) =	vmax.scan.msk.f32 @p1 $0xffff, v17  }
0x1ec: {  	(xrf0) =	vmin.scan.msk.f32 $0xffff, v14;
	_ =	sdelay $0x4  }
0x1ed: {  	v19, _, _ =	vpop @p1 (xrf0)  }
0x1ee: {  	(v2sf) =	vpush @p1 v19, $0xF;
	v57, _, _ =	vpop (xrf0)  }
0x1ef: {  	(v2sf) =	vpush v57, $0xF;
	_ =	sdelay $0xd  }
0x1f0: {  	s14 =	spop @p1 (v2sf)  }
0x1f1: {  	s25 =	smov.u32 @p1 s14;
	s31 =	spop (v2sf)  }
0x1f2: {  	p0 =	slt.f32 s31, s25;
	_ =	sdelay $0x1  }
0x1f3: {  	s14 =	sadd.s32 $0xFFFFFFD0, s26;
	v19 =	vlaneseq.u32 @p0  }
0x1f4: {  	v20 =	vor.u32 @p0 s14, v19  }
0x1f5: {  	(xrf1) =	vsort.ascd.msk.f32 @p0 $0xffff, v14, v20;
	_ =	sdelay $0xb  }
0x1f6: {  	v14 =	vmul.u32 @p0 $0xFFFFFFFF, v19;
	_ =	sdelay $0x1  }
0x1f7: {  	v14 =	vadd.s32 @p0 $0xF, v14;
	v19, v20, _ =	vpop @p0 (xrf1)  }
0x1f8: {  	v19 =	vperm.xlane @p0 v19, v14  }
0x1f9: {  	v10 =	vpsel p1, v17, v10;
	v17 =	vperm.xlane @p0 v20, v14  }
0x1fa: {  	v8 =	vpsel p1, v18, v8;
	vm0 =	vle.f32 @p0 v10, v19  }
0x1fb: {  	v18 =	vsel @p0 vm0, v10, v19;
	v17 =	vsel @p0 vm0, v8, v17  }
0x1fc: {  	(xrf1) =	vsort.ascd.msk.f32 @p0 $0xffff, v18, v17;
	_ =	sdelay $0xd  }
0x1fd: {  	v17, v18, _ =	vpop @p0 (xrf1)  }
0x1fe: {  	v17 =	vperm.xlane @p0 v17, v14  }
0x1ff: {  	v7 =	vpsel p1, v15, v7;
	v14 =	vperm.xlane @p0 v18, v14  }
0x200: {  	v6 =	vpsel p1, v16, v6;
	vm0 =	vle.f32 @p0 v7, v17  }
0x201: {  	v15 =	vsel @p0 vm0, v7, v17;
	v16 =	vsel @p0 vm0, v6, v14  }
0x202: {  	v17 =	vsel @p0 vm0, v17, v7;
	v14 =	vsel @p0 vm0, v14, v6;
	(xrf1) =	vsort.ascd.msk.f32 @p0 $0xffff, v15, v16  }
0x203: {  	(xrf1) =	vsort.ascd.msk.f32 @p0 $0xffff, v17, v14;
	_ =	sdelay $0xc  }
0x204: {  	v14, v15, _ =	vpop @p0 (xrf1)  }
0x205: {  	v16, v17, _ =	vpop @p0 (xrf1)  }
0x206: {  	(xrf0) =	vmax.scan.msk.f32 @p0 $0xffff, v16  }
0x207: {  	(xrf0) =	vmin.scan.msk.f32 $0xffff, v13;
	_ =	sdelay $0x4  }
0x208: {  	v18, _, _ =	vpop @p0 (xrf0)  }
0x209: {  	(v2sf) =	vpush @p0 v18, $0xF;
	v58, _, _ =	vpop (xrf0)  }
0x20a: {  	(v2sf) =	vpush v58, $0xF;
	_ =	sdelay $0xd  }
0x20b: {  	s14 =	spop @p0 (v2sf)  }
0x20c: {  	s25 =	smov.u32 @p0 s14;
	s31 =	spop (v2sf)  }
0x20d: {  	p1 =	slt.f32 s31, s25;
	_ =	sdelay $0x1  }
0x20e: {  	s14 =	sadd.s32 $0xFFFFFFE0, s26;
	v18 =	vlaneseq.u32 @p1  }
0x20f: {  	v19 =	vor.u32 @p1 s14, v18  }
0x210: {  	(xrf1) =	vsort.ascd.msk.f32 @p1 $0xffff, v13, v19;
	_ =	sdelay $0xb  }
0x211: {  	v13 =	vmul.u32 @p1 $0xFFFFFFFF, v18;
	_ =	sdelay $0x1  }
0x212: {  	v13 =	vadd.s32 @p1 $0xF, v13;
	v18, v19, _ =	vpop @p1 (xrf1)  }
0x213: {  	v18 =	vperm.xlane @p1 v18, v13  }
0x214: {  	v10 =	vpsel p0, v16, v10;
	v16 =	vperm.xlane @p1 v19, v13  }
0x215: {  	v8 =	vpsel p0, v17, v8;
	vm0 =	vle.f32 @p1 v10, v18  }
0x216: {  	v17 =	vsel @p1 vm0, v10, v18;
	v16 =	vsel @p1 vm0, v8, v16  }
0x217: {  	(xrf1) =	vsort.ascd.msk.f32 @p1 $0xffff, v17, v16;
	_ =	sdelay $0xd  }
0x218: {  	v16, v17, _ =	vpop @p1 (xrf1)  }
0x219: {  	v16 =	vperm.xlane @p1 v16, v13  }
0x21a: {  	v7 =	vpsel p0, v14, v7;
	v13 =	vperm.xlane @p1 v17, v13  }
0x21b: {  	v6 =	vpsel p0, v15, v6;
	vm0 =	vle.f32 @p1 v7, v16  }
0x21c: {  	v14 =	vsel @p1 vm0, v7, v16;
	v15 =	vsel @p1 vm0, v6, v13  }
0x21d: {  	v16 =	vsel @p1 vm0, v16, v7;
	v13 =	vsel @p1 vm0, v13, v6;
	(xrf1) =	vsort.ascd.msk.f32 @p1 $0xffff, v14, v15  }
0x21e: {  	(xrf1) =	vsort.ascd.msk.f32 @p1 $0xffff, v16, v13;
	_ =	sdelay $0xc  }
0x21f: {  	v13, v14, _ =	vpop @p1 (xrf1)  }
0x220: {  	v15, v16, _ =	vpop @p1 (xrf1)  }
0x221: {  	(xrf0) =	vmax.scan.msk.f32 @p1 $0xffff, v15  }
0x222: {  	(xrf0) =	vmin.scan.msk.f32 $0xffff, v12;
	_ =	sdelay $0x4  }
0x223: {  	v17, _, _ =	vpop @p1 (xrf0)  }
0x224: {  	(v2sf) =	vpush @p1 v17, $0xF;
	v59, _, _ =	vpop (xrf0)  }
0x225: {  	(v2sf) =	vpush v59, $0xF;
	_ =	sdelay $0xd  }
0x226: {  	s14 =	spop @p1 (v2sf)  }
0x227: {  	s25 =	smov.u32 @p1 s14;
	s31 =	spop (v2sf)  }
0x228: {  	p0 =	slt.f32 s31, s25;
	_ =	sdelay $0x1  }
0x229: {  	s14 =	sadd.s32 $0xFFFFFFF0, s26;
	v17 =	vlaneseq.u32 @p0  }
0x22a: {  	v18 =	vor.u32 @p0 s14, v17  }
0x22b: {  	(xrf1) =	vsort.ascd.msk.f32 @p0 $0xffff, v12, v18;
	_ =	sdelay $0xb  }
0x22c: {  	v12 =	vmul.u32 @p0 $0xFFFFFFFF, v17;
	_ =	sdelay $0x1  }
0x22d: {  	v12 =	vadd.s32 @p0 $0xF, v12;
	v17, v18, _ =	vpop @p0 (xrf1)  }
0x22e: {  	v17 =	vperm.xlane @p0 v17, v12  }
0x22f: {  	v10 =	vpsel p1, v15, v10;
	v15 =	vperm.xlane @p0 v18, v12  }
0x230: {  	v8 =	vpsel p1, v16, v8;
	vm0 =	vle.f32 @p0 v10, v17  }
0x231: {  	v16 =	vsel @p0 vm0, v10, v17;
	v15 =	vsel @p0 vm0, v8, v15  }
0x232: {  	(xrf1) =	vsort.ascd.msk.f32 @p0 $0xffff, v16, v15;
	_ =	sdelay $0xd  }
0x233: {  	v15, v16, _ =	vpop @p0 (xrf1)  }
0x234: {  	v15 =	vperm.xlane @p0 v15, v12  }
0x235: {  	v7 =	vpsel p1, v13, v7;
	v12 =	vperm.xlane @p0 v16, v12  }
0x236: {  	v6 =	vpsel p1, v14, v6;
	vm0 =	vle.f32 @p0 v7, v15  }
0x237: {  	v13 =	vsel @p0 vm0, v7, v15;
	v14 =	vsel @p0 vm0, v6, v12  }
0x238: {  	v15 =	vsel @p0 vm0, v15, v7;
	v12 =	vsel @p0 vm0, v12, v6;
	(xrf1) =	vsort.ascd.msk.f32 @p0 $0xffff, v13, v14  }
0x239: {  	(xrf1) =	vsort.ascd.msk.f32 @p0 $0xffff, v15, v12;
	_ =	sdelay $0xc  }
0x23a: {  	v12, v13, _ =	vpop @p0 (xrf1)  }
0x23b: {  	v14, v15, _ =	vpop @p0 (xrf1)  }
0x23c: {  	(xrf0) =	vmax.scan.msk.f32 @p0 $0xffff, v14  }
0x23d: {  	(xrf0) =	vmin.scan.msk.f32 $0xffff, v11;
	_ =	sdelay $0x4  }
0x23e: {  	v16, _, _ =	vpop @p0 (xrf0)  }
0x23f: {  	(v2sf) =	vpush @p0 v16, $0xF;
	v60, _, _ =	vpop (xrf0)  }
0x240: {  	(v2sf) =	vpush v60, $0xF;
	_ =	sdelay $0xd  }
0x241: {  	s14 =	spop @p0 (v2sf)  }
0x242: {  	s25 =	smov.u32 @p0 s14;
	s31 =	spop (v2sf)  }
0x243: {  	p1 =	slt.f32 s31, s25;
	_ =	sdelay $0x1  }
0x244: {  	v16 =	vlaneseq.u32 @p1  }
0x245: {  	v17 =	vor.u32 @p1 s26, v16  }
0x246: {  	(xrf1) =	vsort.ascd.msk.f32 @p1 $0xffff, v11, v17;
	_ =	sdelay $0xb  }
0x247: {  	v11 =	vmul.u32 @p1 $0xFFFFFFFF, v16;
	_ =	sdelay $0x1  }
0x248: {  	v11 =	vadd.s32 @p1 $0xF, v11;
	v16, v17, _ =	vpop @p1 (xrf1)  }
0x249: {  	v16 =	vperm.xlane @p1 v16, v11  }
0x24a: {  	v10 =	vpsel p0, v14, v10;
	v14 =	vperm.xlane @p1 v17, v11  }
0x24b: {  	v8 =	vpsel p0, v15, v8;
	vm0 =	vle.f32 @p1 v10, v16  }
0x24c: {  	v15 =	vsel @p1 vm0, v10, v16;
	v14 =	vsel @p1 vm0, v8, v14  }
0x24d: {  	(xrf1) =	vsort.ascd.msk.f32 @p1 $0xffff, v15, v14;
	_ =	sdelay $0xd  }
0x24e: {  	v14, v15, _ =	vpop @p1 (xrf1)  }
0x24f: {  	v14 =	vperm.xlane @p1 v14, v11  }
0x250: {  	v7 =	vpsel p0, v12, v7;
	v11 =	vperm.xlane @p1 v15, v11  }
0x251: {  	v6 =	vpsel p0, v13, v6;
	vm0 =	vle.f32 @p1 v7, v14  }
0x252: {  	v12 =	vsel @p1 vm0, v7, v14;
	v13 =	vsel @p1 vm0, v6, v11  }
0x253: {  	v14 =	vsel @p1 vm0, v14, v7;
	v11 =	vsel @p1 vm0, v11, v6;
	(xrf1) =	vsort.ascd.msk.f32 @p1 $0xffff, v12, v13  }
0x254: {  	(xrf1) =	vsort.ascd.msk.f32 @p1 $0xffff, v14, v11;
	_ =	sdelay $0xc  }
0x255: {  	v11, v12, _ =	vpop @p1 (xrf1)  }
0x256: {  	v13, v14, _ =	vpop @p1 (xrf1)  }
0x257: {  	(xrf0) =	vmax.scan.msk.f32 @p1 $0xffff, v13  }
0x258: {  	(xrf0) =	vmin.scan.msk.f32 $0xffff, v9;
	_ =	sdelay $0x4  }
0x259: {  	v15, _, _ =	vpop @p1 (xrf0)  }
0x25a: {  	(v2sf) =	vpush @p1 v15, $0xF;
	v61, _, _ =	vpop (xrf0)  }
0x25b: {  	(v2sf) =	vpush v61, $0xF;
	_ =	sdelay $0xd  }
0x25c: {  	s14 =	spop @p1 (v2sf)  }
0x25d: {  	s25 =	smov.u32 @p1 s14;
	s31 =	spop (v2sf)  }
0x25e: {  	p0 =	slt.f32 s31, s25;
	_ =	sdelay $0x1  }
0x25f: {  	s14 =	sadd.s32 $0x10, s26;
	v15 =	vlaneseq.u32 @p0  }
0x260: {  	v16 =	vor.u32 @p0 s14, v15  }
0x261: {  	(xrf1) =	vsort.ascd.msk.f32 @p0 $0xffff, v9, v16;
	_ =	sdelay $0xb  }
0x262: {  	v9 =	vmul.u32 @p0 $0xFFFFFFFF, v15;
	_ =	sdelay $0x1  }
0x263: {  	v9 =	vadd.s32 @p0 $0xF, v9;
	v15, v16, _ =	vpop @p0 (xrf1)  }
0x264: {  	v15 =	vperm.xlane @p0 v15, v9  }
0x265: {  	v10 =	vpsel p1, v13, v10;
	v13 =	vperm.xlane @p0 v16, v9  }
0x266: {  	v8 =	vpsel p1, v14, v8;
	vm0 =	vle.f32 @p0 v10, v15  }
0x267: {  	v14 =	vsel @p0 vm0, v10, v15;
	v13 =	vsel @p0 vm0, v8, v13  }
0x268: {  	(xrf1) =	vsort.ascd.msk.f32 @p0 $0xffff, v14, v13;
	_ =	sdelay $0xd  }
0x269: {  	v13, v14, _ =	vpop @p0 (xrf1)  }
0x26a: {  	v13 =	vperm.xlane @p0 v13, v9  }
0x26b: {  	v7 =	vpsel p1, v11, v7;
	v9 =	vperm.xlane @p0 v14, v9  }
0x26c: {  	v6 =	vpsel p1, v12, v6;
	vm0 =	vle.f32 @p0 v7, v13  }
0x26d: {  	v11 =	vsel @p0 vm0, v7, v13;
	v12 =	vsel @p0 vm0, v6, v9  }
0x26e: {  	v13 =	vsel @p0 vm0, v13, v7;
	v9 =	vsel @p0 vm0, v9, v6;
	(xrf1) =	vsort.ascd.msk.f32 @p0 $0xffff, v11, v12  }
0x26f: {  	(xrf1) =	vsort.ascd.msk.f32 @p0 $0xffff, v13, v9;
	_ =	sdelay $0xc  }
0x270: {  	v9, v11, _ =	vpop @p0 (xrf1)  }
0x271: {  	v12, v13, _ =	vpop @p0 (xrf1)  }
0x272: {  	(xrf0) =	vmax.scan.msk.f32 @p0 $0xffff, v12  }
0x273: {  	(xrf0) =	vmin.scan.msk.f32 $0xffff, v5;
	_ =	sdelay $0x4  }
0x274: {  	v14, _, _ =	vpop @p0 (xrf0)  }
0x275: {  	(v2sf) =	vpush @p0 v14, $0xF;
	v62, _, _ =	vpop (xrf0)  }
0x276: {  	(v2sf) =	vpush v62, $0xF;
	_ =	sdelay $0xd  }
0x277: {  	s14 =	spop @p0 (v2sf)  }
0x278: {  	s25 =	smov.u32 @p0 s14;
	s31 =	spop (v2sf)  }
0x279: {  	p1 =	slt.f32 s31, s25;
	_ =	sdelay $0x1  }
0x27a: {  	s14 =	sadd.s32 $0x20, s26;
	v14 =	vlaneseq.u32 @p1  }
0x27b: {  	v15 =	vor.u32 @p1 s14, v14  }
0x27c: {  	(xrf1) =	vsort.ascd.msk.f32 @p1 $0xffff, v5, v15;
	_ =	sdelay $0xb  }
0x27d: {  	v5 =	vmul.u32 @p1 $0xFFFFFFFF, v14;
	_ =	sdelay $0x1  }
0x27e: {  	v5 =	vadd.s32 @p1 $0xF, v5;
	v14, v15, _ =	vpop @p1 (xrf1)  }
0x27f: {  	v14 =	vperm.xlane @p1 v14, v5  }
0x280: {  	v10 =	vpsel p0, v12, v10;
	v12 =	vperm.xlane @p1 v15, v5  }
0x281: {  	v8 =	vpsel p0, v13, v8;
	vm0 =	vle.f32 @p1 v10, v14  }
0x282: {  	v13 =	vsel @p1 vm0, v10, v14;
	v12 =	vsel @p1 vm0, v8, v12  }
0x283: {  	(xrf1) =	vsort.ascd.msk.f32 @p1 $0xffff, v13, v12;
	_ =	sdelay $0xd  }
0x284: {  	v12, v13, _ =	vpop @p1 (xrf1)  }
0x285: {  	v12 =	vperm.xlane @p1 v12, v5  }
0x286: {  	v7 =	vpsel p0, v9, v7;
	v5 =	vperm.xlane @p1 v13, v5  }
0x287: {  	v6 =	vpsel p0, v11, v6;
	vm0 =	vle.f32 @p1 v7, v12  }
0x288: {  	v9 =	vsel @p1 vm0, v7, v12;
	v11 =	vsel @p1 vm0, v6, v5  }
0x289: {  	v12 =	vsel @p1 vm0, v12, v7;
	v5 =	vsel @p1 vm0, v5, v6;
	(xrf1) =	vsort.ascd.msk.f32 @p1 $0xffff, v9, v11  }
0x28a: {  	(xrf1) =	vsort.ascd.msk.f32 @p1 $0xffff, v12, v5;
	_ =	sdelay $0xc  }
0x28b: {  	v5, v9, _ =	vpop @p1 (xrf1)  }
0x28c: {  	v11, v12, _ =	vpop @p1 (xrf1)  }
0x28d: {  	(xrf0) =	vmax.scan.msk.f32 @p1 $0xffff, v11  }
0x28e: {  	(xrf0) =	vmin.scan.msk.f32 $0xffff, v4;
	_ =	sdelay $0x4  }
0x28f: {  	v13, _, _ =	vpop @p1 (xrf0)  }
0x290: {  	(v2sf) =	vpush @p1 v13, $0xF;
	v63, _, _ =	vpop (xrf0)  }
0x291: {  	(v2sf) =	vpush v63, $0xF;
	_ =	sdelay $0xd  }
0x292: {  	s14 =	spop @p1 (v2sf)  }
0x293: {  	s25 =	smov.u32 @p1 s14;
	s31 =	spop (v2sf)  }
0x294: {  	p0 =	slt.f32 s31, s25;
	_ =	sdelay $0x1  }
0x295: {  	s14 =	sadd.s32 $0x30, s26;
	v13 =	vlaneseq.u32 @p0  }
0x296: {  	v14 =	vor.u32 @p0 s14, v13  }
0x297: {  	(xrf1) =	vsort.ascd.msk.f32 @p0 $0xffff, v4, v14;
	_ =	sdelay $0xb  }
0x298: {  	v4 =	vmul.u32 @p0 $0xFFFFFFFF, v13;
	_ =	sdelay $0x1  }
0x299: {  	v4 =	vadd.s32 @p0 $0xF, v4;
	v13, v14, _ =	vpop @p0 (xrf1)  }
0x29a: {  	v13 =	vperm.xlane @p0 v13, v4  }
0x29b: {  	v10 =	vpsel p1, v11, v10;
	v11 =	vperm.xlane @p0 v14, v4  }
0x29c: {  	v8 =	vpsel p1, v12, v8;
	vm0 =	vle.f32 @p0 v10, v13  }
0x29d: {  	v12 =	vsel @p0 vm0, v10, v13;
	v11 =	vsel @p0 vm0, v8, v11  }
0x29e: {  	(xrf1) =	vsort.ascd.msk.f32 @p0 $0xffff, v12, v11;
	_ =	sdelay $0xd  }
0x29f: {  	v11, v12, _ =	vpop @p0 (xrf1)  }
0x2a0: {  	v11 =	vperm.xlane @p0 v11, v4  }
0x2a1: {  	v5 =	vpsel p1, v5, v7;
	v4 =	vperm.xlane @p0 v12, v4  }
0x2a2: {  	v6 =	vpsel p1, v9, v6;
	vm0 =	vle.f32 @p0 v5, v11  }
0x2a3: {  	v7 =	vsel @p0 vm0, v5, v11;
	v9 =	vsel @p0 vm0, v6, v4  }
0x2a4: {  	v11 =	vsel @p0 vm0, v11, v5;
	v4 =	vsel @p0 vm0, v4, v6;
	(xrf1) =	vsort.ascd.msk.f32 @p0 $0xffff, v7, v9  }
0x2a5: {  	(xrf1) =	vsort.ascd.msk.f32 @p0 $0xffff, v11, v4;
	_ =	sdelay $0xc  }
0x2a6: {  	v4, v9, _ =	vpop @p0 (xrf1)  }
0x2a7: {  	v11, v12, _ =	vpop @p0 (xrf1)  }
0x2a8: {  	(xrf0) =	vmax.scan.msk.f32 @p0 $0xffff, v11;
	_ =	sdelay $0x5  }
0x2a9: {  	v7, _, _ =	vpop @p0 (xrf0)  }
0x2aa: {  	(v2sf) =	vpush @p0 v7, $0xF;
	_ =	sdelay $0xb  }
.Ltmp15:
0x2ab: {  	_ = 	snop;
	(pc) =	sbr.rel .LBB2_15-.Ltmp15, $3  }
0x2ac: {  	_ =	sdelay $0x1  }
0x2ad: {  	v6 =	vpsel p0, v9, v6;
	s14 =	spop @p0 (v2sf)  }
0x2ae: {  	v10 =	vpsel p0, v11, v10;
	v8 =	vpsel p0, v12, v8;
	v7 =	vpsel p0, v4, v5;
	s25 =	smov.u32 @p0 s14  }
.LBB2_19:
0x2af: {  	_ =	sfence.sel $0x180000  }
0x2b0: {  	[bflag:$0x0] =	sbarrier.arrive $0xFFFF  }
0x2b1: {  	_ =	strace $0x9000004A  }
0x2b2: {  	s0 =	stileid.u32;
	[bflag:$0x2] =	sbarrier.arrive $0xFFFF  }
0x2b3: {  	p0 =	sne.s32 s0, $0x0;
	s0 =	rddreg [dreg:$0x3]  }
0x2b4: {  	s0 =	sadd.s32 @!p0 $0x100000, s0  }
0x2b5: {  	[sflag:s0] =	ssyncadd.tile.s32 @!p0 $0x1;
	_ =	shalt  }
.Lfunc_end2:
_tile_overlayer_lowered:
.L_overlay_start_2:
0x2b6: {  	(tag) =	ssettag $0x2  }
0x2b7: {  	s0 =	rddreg [dreg:$0x0];
	s2 =	stileid.u32  }
0x2b8: {  	s1 =	rddreg [dreg:$0x1];
	p0 =	sne.s32 s2, $0x0  }
0x2b9: {  	s3 =	rddreg [dreg:$0x2];
	[bflag:$0x3] =	sbarrier.arrive $0xFFFF;
	s2 =	simm.s32 @!p0 $0x1C01  }
0x2ba: {  	[timem:s3], [sflag:s2] =	dma.local @!p0 [hbm:s0], s1  }
0x2bb: {  	s0 =	simm.s32 @!p0 $0x1  }
0x2bc: {  	_ =	swait.ge @!p0 [sflag:s0], s1  }
0x2bd: {  	s1 =	ssub.s32 @!p0 $0x0, s1;
	[sflag:s0] =	ssyncset.done @!p0 $0x0  }
0x2be: {  	[sflag:s0] =	ssyncadd.s32 @!p0 s1  }
0x2bf: {  	[bflag:$0x3] =	sbarrier.arrive $0xFFFF  }
0x2c0: {  	_ =	shalt  }

// kernel: kernel.8.cloned.1.call-start
scs
__scs_entry_jumppad:
0x0: {  	(pc) =	sbr.rel $0x88, $3  }
0x1: {  	(tag) =	ssettag $0x0;
	lr =	simm.s32 $0x1  }
0x2: {  	[smem:$0x3F94] =	sst lr;
	_ =	strace $0xD0000000  }
0x3: {  	_ = 	snop  }
0x4: {  	_ = 	snop  }
0x5: {  	_ = 	snop  }
0x6: {  	_ = 	snop  }
0x7: {  	_ = 	snop  }
__scs_overlays_trampoline_lowered:
0x8: {  	[smem:$0x3FA3] =	sst s0  }
0x9: {  	[smem:$0x3FA4] =	sst s1  }
0xa: {  	[smem:$0x3FA5] =	sst s2  }
0xb: {  	[smem:$0x3FA6] =	sst s3  }
0xc: {  	[smem:$0x3FA7] =	sst s4  }
0xd: {  	[smem:$0x3FA8] =	sst s5  }
0xe: {  	[smem:$0x3FA9] =	sst s6  }
0xf: {  	[smem:$0x3FAA] =	sst s7  }
0x10: {  	[smem:$0x3FAB] =	sst s8  }
0x11: {  	[smem:$0x3FAC] =	sst s9;
	s0 =	simm.s32 @!p0 $0x0  }
0x12: {  	s1 =	sld [smem:$0x3F92];
	s0 =	simm.s32 @p0 $0x1  }
0x13: {  	[smem:$0x3FAD] =	sst s0;
	s0 =	simm.s32 @!p1 $0x0  }
0x14: {  	s2 =	sld [smem:$0x3F91];
	s0 =	simm.s32 @p1 $0x1  }
0x15: {  	[smem:$0x3FAE] =	sst s0;
	s0 =	simm.s32 @!p2 $0x0  }
0x16: {  	s3 =	sld [smem:$0x3FDB];
	s0 =	simm.s32 @p2 $0x1  }
0x17: {  	s4 =	simm.s32 $0x1BF5;
	[smem:$0x3FB0] =	sst s0  }
0x18: {  	s0 =	sld [smem:$0x3F93];
	_ =	swait.ge [sflag:s4], $0x0  }
0x19: {  	s7 =	sld [smem:$0x3F94]  }
0x1a: {  	s8 =	sadd.s32 $0xFFFFE003, lr  }
0x1b: {  	s9 =	sadd.s32 $0xFFFFFEF7, lr;
	s5 =	simm.s32 $0xFFFFFFFF;
	p2 =	slt.u32 s8, $0xFFFFF086  }
0x1c: {  	p1 =	slt.u32 s9, $0xF7A;
	s5 =	simm.s32 @!p2 $0x0  }
0x1d: {  	s5 =	simm.s32 @p1 $0x1;
	p0 =	seq.s32 s7, s2  }
0x1e: {  	s7 =	smul.u32 @!p0 $0xF7A, s2;
	p2 =	seq.s32 @!p0 s5, $0x0  }
0x1f: {  	s9 =	smul.u32 $0xF7A, s1;
	s8 =	simm.s32 @!p0 $0x1BF5;
	p2 =	por !p2, p0  }
0x20: {  	[sflag:s8] =	ssyncset.s32 @!p0 $0xFFFFF086;
	s6 =	sadd.s32 @!p0 s3, s7;
	s7 =	simm.s32 @!p0 $0x108  }
0x21: {  	s3 =	sadd.s32 s3, s9;
	s6 =	sadd.s32 @!p0 $0x88, s6;
	s7 =	simm.s32 @p2 $0x1082  }
0x22: {  	[simem:s7], [sflag:s8] =	dma.local @!p0 [hbm:s6], $0xF7A  }
0x23: {  	s9 =	sor.u32 $0xD0000000, s2;
	s6 =	simm.s32 $0x108;
	_ =	swait.ge @!p0 [sflag:s8], $0x0  }
0x24: {  	s3 =	sadd.s32 $0x88, s3;
	s6 =	simm.s32 @!p1 $0x1082;
	[sflag:s4] =	ssyncset.s32 $0xFFFFF086  }
0x25: {  	[simem:s6], [sflag:s4] =	dma.local [hbm:s3], $0xF7A  }
0x26: {  	[smem:$0x3F94] =	sst s1;
	(tag) =	ssettag s2;
	_ =	strace s9  }
0x27: {  	s1 =	sld [smem:$0x3FA4]  }
0x28: {  	s2 =	sld [smem:$0x3FA5]  }
0x29: {  	s4 =	sld [smem:$0x3FA7]  }
0x2a: {  	p0 =	seq.s32 s5, $0x0;
	s5 =	sld [smem:$0x3FA8]  }
0x2b: {  	s6 =	sld [smem:$0x3FA9]  }
0x2c: {  	s7 =	sld [smem:$0x3FAA]  }
0x2d: {  	s3 =	simm.s32 $0x108;
	s8 =	sld [smem:$0x3FAB]  }
0x2e: {  	s3 =	simm.s32 @!p0 $0x1082;
	s9 =	sld [smem:$0x3FAC]  }
0x2f: {  	lr =	sadd.s32 s0, s3;
	s0 =	sld [smem:$0x3FA3]  }
0x30: {  	s3 =	sld [smem:$0x3FA6]  }
0x31: {  	[smem:$0x3FAF] =	sst s10  }
0x32: {  	s10 =	sld [smem:$0x3FAD];
	_ =	sdelay $0x3  }
0x33: {  	p0 =	seq.s32 s10, $0x1;
	s10 =	sld [smem:$0x3FAF];
	_ =	sdelay $0x3  }
0x34: {  	[smem:$0x3FAF] =	sst s10  }
0x35: {  	s10 =	sld [smem:$0x3FAE];
	_ =	sdelay $0x3  }
0x36: {  	p1 =	seq.s32 s10, $0x1;
	s10 =	sld [smem:$0x3FAF];
	_ =	sdelay $0x3  }
0x37: {  	[smem:$0x3FAF] =	sst s10  }
0x38: {  	s10 =	sld [smem:$0x3FB0]  }
0x39: {  	_ = 	snop;
	(pc) =	sbr.ind lr, $3  }
0x3a: {  	_ = 	snop  }
0x3b: {  	_ = 	snop  }
0x3c: {  	p2 =	seq.s32 s10, $0x1;
	s10 =	sld [smem:$0x3FAF]  }
0x3d: {  	_ =	shalt  }
0x3e: {  	_ =	shalt  }
0x3f: {  	_ =	shalt  }
0x40: {  	_ =	shalt  }
0x41: {  	_ =	shalt  }
0x42: {  	_ =	shalt  }
0x43: {  	_ =	shalt  }
0x44: {  	_ =	shalt  }
0x45: {  	_ =	shalt  }
0x46: {  	_ =	shalt  }
0x47: {  	_ =	shalt  }
0x48: {  	_ =	shalt  }
0x49: {  	_ =	shalt  }
0x4a: {  	_ =	shalt  }
0x4b: {  	_ =	shalt  }
0x4c: {  	_ =	shalt  }
0x4d: {  	_ =	shalt  }
0x4e: {  	_ =	shalt  }
0x4f: {  	_ =	shalt  }
0x50: {  	_ =	shalt  }
0x51: {  	_ =	shalt  }
0x52: {  	_ =	shalt  }
0x53: {  	_ =	shalt  }
0x54: {  	_ =	shalt  }
0x55: {  	_ =	shalt  }
0x56: {  	_ =	shalt  }
0x57: {  	_ =	shalt  }
0x58: {  	_ =	shalt  }
0x59: {  	_ =	shalt  }
0x5a: {  	_ =	shalt  }
0x5b: {  	_ =	shalt  }
0x5c: {  	_ =	shalt  }
0x5d: {  	_ =	shalt  }
0x5e: {  	_ =	shalt  }
0x5f: {  	_ =	shalt  }
0x60: {  	_ =	shalt  }
0x61: {  	_ =	shalt  }
0x62: {  	_ =	shalt  }
0x63: {  	_ =	shalt  }
0x64: {  	_ =	shalt  }
0x65: {  	_ =	shalt  }
0x66: {  	_ =	shalt  }
0x67: {  	_ =	shalt  }
0x68: {  	_ =	shalt  }
0x69: {  	_ =	shalt  }
0x6a: {  	_ =	shalt  }
0x6b: {  	_ =	shalt  }
0x6c: {  	_ =	shalt  }
0x6d: {  	_ =	shalt  }
0x6e: {  	_ =	shalt  }
0x6f: {  	_ =	shalt  }
0x70: {  	_ =	shalt  }
0x71: {  	_ =	shalt  }
0x72: {  	_ =	shalt  }
0x73: {  	_ =	shalt  }
0x74: {  	_ =	shalt  }
0x75: {  	_ =	shalt  }
0x76: {  	_ =	shalt  }
0x77: {  	_ =	shalt  }
0x78: {  	_ =	shalt  }
0x79: {  	_ =	shalt  }
0x7a: {  	_ =	shalt  }
0x7b: {  	_ =	shalt  }
0x7c: {  	_ =	shalt  }
0x7d: {  	_ =	shalt  }
0x7e: {  	_ =	shalt  }
0x7f: {  	_ =	shalt  }
0x80: {  	_ =	shalt  }
0x81: {  	_ =	shalt  }
0x82: {  	_ =	shalt  }
0x83: {  	_ =	shalt  }
0x84: {  	_ =	shalt  }
0x85: {  	_ =	shalt  }
0x86: {  	_ =	shalt  }
0x87: {  	_ =	shalt  }
.Lfunc_end0:
.L_simem_size_0:
called_computation.2_lowered:
.L_overlay_start_0:
0x88: {  	s2 =	sld [smem:$0x3FD9]  }
0x89: {  	s3 =	sld [smem:$0x3FFE];
	_ =	sdelay $0x1  }
0x8a: {  	s1 =	srdreg.scid  }
0x8b: {  	s0 =	sand.u32 $0x1, s1  }
0x8c: {  	s14 =	sshll.u32 s0, $0xA;
	s2 =	sadd.s32 s3, s2  }
0x8d: {  	s2 =	sadd.s32 s2, s14  }
0x8e: {  	[smem:$0x3FBB] =	sst s2  }
0x8f: {  	_ = 	snop  }
0x90: {  	s2 =	sld [smem:$0x3FD0];
	_ =	sdelay $0x2  }
0x91: {  	s15 =	simm.s32 $0xA;
	s4 =	simm.s32 $0x10  }
0x92: {  	[smem:s4], [sflag:s15] =	dma.local [hbm:s2], $0x1  }
0x93: {  	_ =	swait.eq [sflag:s15], $0x1  }
0x94: {  	[sflag:s15] =	ssyncset.done $0x0  }
0x95: {  	[sflag:s15] =	ssyncadd.s32 $0xFFFFFFFF  }
0x96: {  	s16 =	sld [smem:$0x10];
	(tm) =	ssettm $0x1  }
0x97: {  	s17 =	sld [smem:$0x3FFB];
	_ =	sdelay $0x3  }
0x98: {  	_ =	strace s17  }
0x99: {  	s3 =	sld [smem:$0x3FFC];
	_ =	sdelay $0x3  }
0x9a: {  	_ =	strace s3  }
0x9b: {  	s3 =	sld [smem:$0x3FFD];
	_ =	sdelay $0x3  }
0x9c: {  	_ =	strace s3  }
0x9d: {  	_ =	strace $0x8FFFFFFF  }
0x9e: {  	s18 =	sld [smem:$0x3FDB];
	_ =	sdelay $0x1  }
0x9f: {  	s19 =	simm.s32 $_scs_section_size  }
0xa0: {  	s5 =	simm.s32 $_size__tile_overlayer_lowered;
	s6 =	simm.s32 $_tile_overlayer_lowered  }
0xa1: {  	s22 =	simm.s32 $0x1BFF;
	s21 =	sshll.u32 s6, $0x1;
	s3 =	sadd.s32 s19, s18  }
0xa2: {  	s7 =	simm.s32 $0x0;
	s20 =	sshll.u32 s5, $0x1;
	s5 =	sadd.s32 s21, s3  }
0xa3: {  	[timem:s7], [sflag:s22] =	dma.local [hbm:s5], s20  }
0xa4: {  	_ =	swait.ge [sflag:s22], s20  }
0xa5: {  	s4 =	ssub.s32 $0x0, s20;
	[sflag:s22] =	ssyncset.done $0x0  }
0xa6: {  	[sflag:s22] =	ssyncadd.s32 s4;
	_ =	sdelay $0x1  }
0xa7: {  	s23 =	simm.s32 $0x1B8B  }
0xa8: {  	_ =	swait.ge [sflag:s23], $0x1  }
0xa9: {  	[sflag:s23] =	ssyncset.done $0x0  }
0xaa: {  	s25 =	simm.s32 $0x1B8E;
	s24 =	sld [smem:$0x3FFE];
	[sflag:s23] =	ssyncadd.s32 $0xFFFFFFFF  }
0xab: {  	s26 =	simm.s32 $execute0_lowered;
	[smem:$0x3FD2] =	sst s25  }
0xac: {  	s5 =	sshll.u32 s26, $0x1;
	_ =	strace $0x8000004C;
	[dreg:$0x1] =	wrdreg $0xFFFFFFFF  }
0xad: {  	s28 =	simm.s32 $_size_execute0_lowered;
	s3 =	sadd.s32 s3, s5;
	[dreg:$0x0] =	wrdreg $0x0  }
0xae: {  	s5 =	sshll.u32 s28, $0x1;
	[dreg:$0x2] =	wrdreg s3  }
0xaf: {  	[dreg:$0x3] =	wrdreg s5  }
0xb0: {  	[dreg:$0x4] =	wrdreg $0xC0  }
0xb1: {  	_ =	task [dreg:s7], $0x5FFFF  }
0xb2: {  	[dreg:$0x1] =	wrdreg $0xFFFFFFFF  }
0xb3: {  	[dreg:$0x0] =	wrdreg $0x60  }
0xb4: {  	[dreg:$0x2] =	wrdreg s24  }
0xb5: {  	[dreg:$0x3] =	wrdreg s16  }
0xb6: {  	[dreg:$0x4] =	wrdreg $0x9  }
0xb7: {  	_ =	task.clear_ibuf [dreg:s7], $0x5FFFF;
	_ =	strace $0x9000004C  }
0xb8: {  	s29 =	simm.s32 $0x9;
	_ =	strace $0x8000004E  }
0xb9: {  	_ =	swait.ge [sflag:s29], $0x1  }
0xba: {  	[sflag:s29] =	ssyncadd.s32 $0xFFFFFFFF  }
0xbb: {  	_ =	strace $0x9000004E  }
0xbc: {  	_ =	sfence  }
0xbd: {  	s30 =	sld [smem:$0x0];
	_ =	sdelay $0x2  }
0xbe: {  	s31 =	sshll.u32 s1, $0xD;
	s1 =	sshrl.u32 s1, $0x2  }
0xbf: {  	s3 =	sand.u32 $0x4000, s31;
	s1 =	sadd.s32 s1, s30  }
0xc0: {  	s0 =	sor.u32 s3, s0;
	s1 =	sshll.u32 s1, $0x11  }
0xc1: {  	s0 =	sor.u32 s1, s0  }
0xc2: {  	s0 =	sadd.s32 $0x8F2B, s0  }
0xc3: {  	[sflag:s0] =	ssyncadd.remote.s32 $0x1  }
0xc4: {  	_ =	sfence.sel $0xFFFF  }
0xc5: {  	[dreg:$0x0] =	wrdreg $0xFFFFFFFF;
	(pc) =	sbr.abs _section_cstart, $3  }
0xc6: {  	[dreg:$0x1] =	wrdreg $0xFFFFFFFF  }
0xc7: {  	_ =	task.clear_ibuf [dreg:s7], $0x2FFFF;
	_ =	strace $0x9FFFFFFF  }
0xc8: {  	(tm) =	ssettm $0x7FFFFFFF  }
0xc9: {  	_ =	shalt  }
tec
execute0_lowered:
.L_overlay_start_1:
0x0: {  	(tag) =	ssettag $0x1  }
0x1: {  	s4 =	rddreg [dreg:$0x0]  }
0x2: {  	s5 =	rddreg [dreg:$0x1]  }
0x3: {  	s0 =	rddreg [dreg:$0x2]  }
0x4: {  	s1 =	stileid.u32;
	s3 =	srdreg.scid  }
0x5: {  	s2 =	simm.s32 $0x0;
	s11 =	simm.s32 $0x0;
	s6 =	sand.u32 $0x1, s3  }
0x6: {  	s30 =	sshll.u32 s1, $0x1;
	[smem:$0x7FF] =	sst s2;
	s7 =	smul.u32 $0x4E200, s1  }
0x7: {  	s3 =	sor.u32 s6, s30;
	s8 =	ssub.s32 $0x2, s6;
	s6 =	smul.u32 $0x27100, s6  }
0x8: {  	_ =	strace $0x8000004D;
	s9 =	smul.u32 $0x2710, s3;
	s10 =	sshrl.u32 s8, $0x1  }
0x9: {  	s3 =	sadd.s32 $0x16200, s4;
	s7 =	sadd.s32 s7, s4;
	s8 =	ssub.s32 s8, s10  }
0xa: {  	s6 =	sadd.s32 s6, s7;
	s7 =	simm.s32 $0x2;
	s10 =	simm.s32 $0x1  }
0xb: {  	s31 =	sshrl.u32 s9, $0x3;
	s6 =	sadd.s32 $0x3D400, s6;
	s9 =	simm.s32 $0x2780  }
0xc: {  	s4 =	sadd.s32 s5, s31;
	s5 =	smax.u32 s8, $0x1;
	s8 =	simm.s32 $0x190  }
.LBB2_1:
0xd: {  	[tilespmem:s2], [sflag:$0x2] =	stream.linear.gather [hbm4b:s4+s2], $0x2710, $0x38;
	[tilespmem:$0xEF80] =	vst v63  }
0xe: {  	_ =	swait.ge [sflag:s7], $0x2710  }
0xf: {  	[sflag:s7] =	ssyncset.done $0x0  }
0x10: {  	s12 =	simm.s32 $0x0;
	[sflag:s7] =	ssyncadd.s32 $0xFFFFD8F0  }
0x11: {  	[tilespmem:s9], [sflag:$0x1] =	stream.indirect.gather [hbm4b:s3+s8], $0x80, s12, s8, $0xb8;
	[tilespmem:$0xEF80] =	vst v63  }
0x12: {  	_ =	swait.ge [sflag:s10], $0xC800  }
0x13: {  	[sflag:s10] =	ssyncset.done $0x0  }
0x14: {  	[sflag:s10] =	ssyncadd.s32 $0xFFFF3800  }
0x15: {  	[hbm4b:s6+s2] =	stream.linear.scatter [tilespmem:s9], [sflag:$0x2], $0xC800, $0x38;
	[tilespmem:$0xEF80] =	vst v63  }
0x16: {  	s13 =	simm.s32 $0x640;
	_ =	swait.ge [sflag:s7], $0xC800  }
0x17: {  	s14 =	simm.s32 $0xC80;
	s12 =	sadd.s32 $0x1900, s6;
	[sflag:s7] =	ssyncset.done $0x0  }
.LBB2_2:
0x18: {  	s15 =	sshra.s32 s13, $0x2  }
0x19: {  	[sflag:s7] =	ssyncadd.s32 $0xFFFF3800;
	s13 =	smov.u32 s14;
	s16 =	sadd.s32 $0x640, s14  }
0x1a: {  	[tilespmem:s9], [sflag:$0x1] =	stream.indirect.gather [hbm4b:s3+s8], $0x80, s15, s8, $0xb8;
	[tilespmem:$0xEF80] =	vst v63  }
0x1b: {  	p0 =	sne.s32 s14, $0x9600;
	_ =	swait.ge [sflag:s10], $0xC800  }
.Ltmp0:
0x1c: {  	[sflag:s10] =	ssyncset.done $0x0;
	(pc) =	sbr.rel @p0 .LBB2_2-.Ltmp0, $4  }
0x1d: {  	[sflag:s10] =	ssyncadd.s32 $0xFFFF3800  }
0x1e: {  	[hbm4b:s12+s2] =	stream.linear.scatter [tilespmem:s9], [sflag:$0x2], $0xC800, $0x38;
	[tilespmem:$0xEF80] =	vst v63  }
0x1f: {  	_ =	swait.ge [sflag:s7], $0xC800  }
0x20: {  	s14 =	smov.u32 s16;
	s12 =	sadd.s32 $0x1900, s12;
	[sflag:s7] =	ssyncset.done $0x0  }
0x21: {  	s13 =	sshra.s32 s13, $0x2;
	[sflag:s7] =	ssyncadd.s32 $0xFFFF3800  }
0x22: {  	[tilespmem:s9], [sflag:$0x1] =	stream.indirect.gather [hbm4b:s3+s8], $0x80, s13, s8, $0xb8;
	[tilespmem:$0xEF80] =	vst v63  }
0x23: {  	s11 =	sadd.s32 $0x1, s11;
	_ =	swait.ge [sflag:s10], $0xC800  }
0x24: {  	p0 =	sne.s32 s11, s5;
	[sflag:s10] =	ssyncset.done $0x0  }
.Ltmp1:
0x25: {  	[sflag:s10] =	ssyncadd.s32 $0xFFFF3800;
	(pc) =	sbr.rel @p0 .LBB2_1-.Ltmp1, $4  }
0x26: {  	[hbm4b:s12+s2] =	stream.linear.scatter [tilespmem:s9], [sflag:$0x2], $0xC800, $0x38;
	[tilespmem:$0xEF80] =	vst v63  }
0x27: {  	_ =	swait.ge [sflag:s7], $0xC800  }
0x28: {  	[sflag:s7] =	ssyncset.done $0x0  }
0x29: {  	[sflag:s7] =	ssyncadd.s32 $0xFFFF3800  }
0x2a: {  	_ =	sfence.sel $0x180000  }
0x2b: {  	[bflag:$0x0] =	sbarrier.arrive $0xFFFF  }
0x2c: {  	p0 =	sne.s32 s1, $0x0;
	_ =	strace $0x9000004D  }
0x2d: {  	s0 =	sadd.s32 @!p0 $0x100000, s0;
	[bflag:$0x2] =	sbarrier.arrive $0xFFFF  }
0x2e: {  	[sflag:s0] =	ssyncadd.tile.s32 @!p0 $0x1;
	_ =	shalt  }
.Lfunc_end2:
_tile_overlayer_lowered:
.L_overlay_start_2:
0x2f: {  	(tag) =	ssettag $0x2  }
0x30: {  	s0 =	rddreg [dreg:$0x0];
	s2 =	stileid.u32  }
0x31: {  	s1 =	rddreg [dreg:$0x1];
	p0 =	sne.s32 s2, $0x0  }
0x32: {  	s3 =	rddreg [dreg:$0x2];
	[bflag:$0x3] =	sbarrier.arrive $0xFFFF;
	s2 =	simm.s32 @!p0 $0x1C02  }
0x33: {  	[timem:s3], [sflag:s2] =	dma.local @!p0 [hbm:s0], s1  }
0x34: {  	s0 =	simm.s32 @!p0 $0x2  }
0x35: {  	_ =	swait.ge @!p0 [sflag:s0], s1  }
0x36: {  	s1 =	ssub.s32 @!p0 $0x0, s1;
	[sflag:s0] =	ssyncset.done @!p0 $0x0  }
0x37: {  	[sflag:s0] =	ssyncadd.s32 @!p0 s1  }
0x38: {  	[bflag:$0x3] =	sbarrier.arrive $0xFFFF  }
0x39: {  	_ =	shalt  }

</sc_bundles>
